<compile_context>
chip_gen: v7x
topology: tpu7x:2x2x1
jax: 0.10.2.dev20260603
libtpu: 0.0.44.dev20260713+nightly
codegen_flags: <defaults>
</compile_context>

<pallas_src>
import functools
import jax
import jax.numpy as jnp
from jax import lax
from jax.experimental import pallas as pl
from jax.experimental.pallas import tpu as pltpu
from jax.experimental.pallas import tpu_sc as plsc

_NX, _NY, _NZ = 200, 200, 4
_NCAM, _CIN, _FH, _FW = 6, 256, 64, 176
_COUT = 80
_NXY = _NX * _NY
_NVOX = _NXY * _NZ
_TROWS = _NCAM * _FH * _FW



def _round_ne(x):
    return lax.round(x, lax.RoundingMethod.TO_NEAREST_EVEN)


def _proj_kernel(par_ref, p2i_ref, p2_ref, idx_ref, w_ref):
    idx_sel = jnp.zeros(idx_ref.shape, jnp.int32)
    valid_any = jnp.zeros(idx_ref.shape, jnp.bool_)
    for j in range(_NCAM):
        px = p2i_ref[j, 0]
        py = p2i_ref[j, 1]
        pz = p2i_ref[j, 2]
        u = px / pz + par_ref[2 * j]
        v = py / pz + par_ref[2 * j + 1]
        uf = _round_ne(u * 0.25)
        vf = _round_ne(v * 0.25)
        val = ((uf >= 0.0) & (vf >= 0.0) & (uf < float(_FW))
               & (vf < float(_FH)) & (pz > 0.0))
        uu = jnp.clip(uf, 0.0, float(_FW - 1)).astype(jnp.int32)
        vv = jnp.clip(vf, 0.0, float(_FH - 1)).astype(jnp.int32)
        ind = (j * _FH + vv) * _FW + uu
        idx_sel = jnp.where(val, ind, idx_sel)
        valid_any = valid_any | val
    idx_ref[...] = idx_sel
    w_ref[...] = jnp.where(valid_any, p2_ref[...], 0.0)


def _project(par, p2i, p2):
    br = 40
    grid = _NX // br
    return pl.pallas_call(
        _proj_kernel,
        grid=(grid,),
        in_specs=[
            pl.BlockSpec(memory_space=pltpu.SMEM),
            pl.BlockSpec((_NCAM, 3, br, _NY * _NZ), lambda i: (0, 0, i, 0)),
            pl.BlockSpec((br, _NY * _NZ), lambda i: (i, 0)),
        ],
        out_specs=[
            pl.BlockSpec((br, _NY * _NZ), lambda i: (i, 0)),
            pl.BlockSpec((br, _NY * _NZ), lambda i: (i, 0)),
        ],
        out_shape=[
            jax.ShapeDtypeStruct((_NX, _NY * _NZ), jnp.int32),
            jax.ShapeDtypeStruct((_NX, _NY * _NZ), jnp.float32),
        ],
    )(par, p2i, p2)


_CB = 512
_NB = (_FH * _FW) // _CB
_TD = 128


def _table_kernel(w_ref, f_ref, out_ref):
    out_ref[...] = lax.dot_general(
        f_ref[0], w_ref[...], (((0,), (1,)), ((), ())),
        preferred_element_type=jnp.float32)


def _make_table(conv_w_pad, feat):
    return pl.pallas_call(
        _table_kernel,
        grid=(_NCAM, _NB),
        in_specs=[
            pl.BlockSpec((_TD, _CIN), lambda j, b: (0, 0)),
            pl.BlockSpec((1, _CIN, _CB), lambda j, b: (j, 0, b)),
        ],
        out_specs=pl.BlockSpec((_CB, _TD), lambda j, b: (j * _NB + b, 0)),
        out_shape=jax.ShapeDtypeStruct((_TROWS, _TD), jnp.float32),
    )(conv_w_pad, feat)


_NWORK = 32
_RPW = 1248
_XY_CH = 104
_STEPS = _RPW // _XY_CH
_ENT = _XY_CH * _NZ
_EPW = (_RPW + 8) * _NZ
_NCHK = 13


@functools.cache
def _gather_combine_kernel():
    mesh = plsc.VectorSubcoreMesh(core_axis_name="c", subcore_axis_name="s")
    return functools.partial(
        pl.kernel,
        mesh=mesh,
        out_type=jax.ShapeDtypeStruct((_NXY, _COUT), jnp.float32),
        scratch_types=[
            pltpu.VMEM((_EPW + 32,), jnp.int32),
            pltpu.VMEM((_EPW + 32,), jnp.float32),
            pltpu.VMEM((512,), jnp.int32),
            pltpu.VMEM((512,), jnp.float32),
            pltpu.VMEM((512,), jnp.int32),
            pltpu.VMEM((_ENT, _TD), jnp.float32),
            pltpu.VMEM((_XY_CH, _COUT), jnp.float32),
            pltpu.SemaphoreType.DMA,
        ],
    )(_gather_combine_body)


def _gather_combine_body(table_hbm, idx_hbm, w_hbm, out_hbm,
                         idx_all, w_all, cidx, cw, crl, rows_v, out_v, sem):
    wid = lax.axis_index("s") * 2 + lax.axis_index("c")
    row0 = pl.multiple_of(wid * _RPW + jnp.maximum(wid - 24, 0) * 8, 8)
    pltpu.sync_copy(idx_hbm.at[pl.ds(row0 * _NZ, _EPW)],
                    idx_all.at[pl.ds(0, _EPW)])
    pltpu.sync_copy(w_hbm.at[pl.ds(row0 * _NZ, _EPW)],
                    w_all.at[pl.ds(0, _EPW)])
    def do_step(sbase, rowbase, nrows):
        rowbase = pl.multiple_of(rowbase, 8)

        def zb(i, c):
            for s in range(_COUT // 16):
                out_v[i, pl.ds(s * 16, 16)] = jnp.zeros((16,), jnp.float32)
            return c
        lax.fori_loop(0, nrows, zb, 0)

        def rscan(i, cnt4):
            off = sbase + 4 * i
            wv4 = w_all[pl.ds(off, 16)]
            sabs = (jnp.abs(wv4[0]) + jnp.abs(wv4[1])
                    + jnp.abs(wv4[2]) + jnp.abs(wv4[3]))
            act = jnp.minimum(sabs * jnp.float32(1e38),
                              jnp.float32(1.0)).astype(jnp.int32)

            @pl.when(act == 1)
            def _():
                cidx[pl.ds(cnt4, 16)] = idx_all[pl.ds(off, 16)]
                cw[pl.ds(cnt4, 16)] = wv4
                crl[pl.ds(cnt4, 16)] = jnp.zeros((16,), jnp.int32) + i
            return cnt4 + 4 * act

        cnt4 = lax.fori_loop(0, nrows, rscan, jnp.int32(0))
        zi16 = jnp.zeros((16,), jnp.int32)
        cidx[pl.ds(cnt4, 16)] = zi16
        cidx[pl.ds(cnt4 + 16, 16)] = zi16

        nch = (cnt4 + 31) // 32

        def fire(c):
            @pl.when(c < nch)
            def _():
                pltpu.async_copy(table_hbm.at[cidx.at[pl.ds(32 * c, 32)]],
                                 rows_v.at[pl.ds(32 * c, 32)], sem)

        def drain(c):
            @pl.when(c < nch)
            def _():
                pltpu.make_async_copy(
                    table_hbm.at[cidx.at[pl.ds(32 * c, 32)]],
                    rows_v.at[pl.ds(32 * c, 32)], sem).wait()

        nc_max = (nrows * _NZ + 31) // 32
        for c in range(nc_max):
            fire(c)
        for c in range(nc_max):
            drain(c)

        def cb(i, c):
            rl = crl[pl.ds(4 * i, 16)][0]
            wv = cw[pl.ds(4 * i, 16)]
            for s in range(_COUT // 16):
                sl = pl.ds(s * 16, 16)
                acc = out_v[rl, sl] + wv[0] * rows_v[4 * i, sl]
                acc = acc + wv[1] * rows_v[4 * i + 1, sl]
                acc = acc + wv[2] * rows_v[4 * i + 2, sl]
                acc = acc + wv[3] * rows_v[4 * i + 3, sl]
                out_v[rl, sl] = acc
            return c
        lax.fori_loop(0, cnt4 // 4, cb, 0)
        pltpu.sync_copy(out_v.at[pl.ds(0, nrows)],
                        out_hbm.at[pl.ds(rowbase, nrows)])

    @pl.loop(0, _STEPS)
    def _steps(step):
        do_step(step * _ENT, row0 + step * _XY_CH, _XY_CH)

    @pl.when(wid >= 24)
    def _():
        do_step(_STEPS * _ENT, row0 + _RPW, 8)


_CHD = 2000
_ND = _NXY // _CHD


def _stats_kernel(x_ref, out_ref):
    @pl.when(pl.program_id(0) == 0)
    def _():
        out_ref[...] = jnp.zeros_like(out_ref)

    xb = x_ref[...]
    out_ref[0:1, :] += jnp.sum(xb, axis=0, keepdims=True)
    out_ref[1:2, :] += jnp.sum(xb * xb, axis=0, keepdims=True)


def _stats(x):
    return pl.pallas_call(
        _stats_kernel,
        grid=(_ND,),
        in_specs=[pl.BlockSpec((_CHD, _COUT), lambda i: (i, 0))],
        out_specs=pl.BlockSpec((2, _COUT), lambda i: (0, 0)),
        out_shape=jax.ShapeDtypeStruct((2, _COUT), jnp.float32),
    )(x)


_CBN = 8


def _bn_kernel(x_ref, st_ref, g_ref, b_ref, eye_ref, out_ref):
    inv_n = jnp.float32(1.0 / _NXY)
    mean = st_ref[0:1, :] * inv_n
    var = st_ref[1:2, :] * inv_n - mean * mean
    scale = g_ref[...] / jnp.sqrt(var + 1e-5)
    eb = eye_ref[...]
    sb = eb * scale
    t = lax.dot_general(sb, x_ref[...], (((1,), (1,)), ((), ())),
                        preferred_element_type=jnp.float32)
    ms = lax.dot_general(eb, mean * scale, (((1,), (1,)), ((), ())),
                         preferred_element_type=jnp.float32)
    out_ref[...] = jnp.maximum(t - ms + b_ref[...], 0.0)


def _bn(x, st, gamma, beta, eye):
    return pl.pallas_call(
        _bn_kernel,
        grid=(_COUT // _CBN,),
        in_specs=[
            pl.BlockSpec((_NXY, _COUT), lambda i: (0, 0)),
            pl.BlockSpec((2, _COUT), lambda i: (0, 0)),
            pl.BlockSpec((1, _COUT), lambda i: (0, 0)),
            pl.BlockSpec((_CBN, 1), lambda i: (i, 0)),
            pl.BlockSpec((_CBN, _COUT), lambda i: (i, 0)),
        ],
        out_specs=pl.BlockSpec((_CBN, _NXY), lambda i: (i, 0)),
        out_shape=jax.ShapeDtypeStruct((_COUT, _NXY), jnp.float32),
    )(x, st, gamma, beta, eye)



def _get_vox_points():
    g = jnp.stack(jnp.meshgrid(jnp.arange(_NX), jnp.arange(_NY),
                               jnp.arange(_NZ), indexing='ij')).astype(jnp.float32)
    vs = jnp.array([0.5, 0.5, 1.5], jnp.float32)
    nv = jnp.array([_NX, _NY, _NZ], jnp.float32)
    origin = jnp.array([0.0, 0.0, -1.0], jnp.float32) - nv / 2.0 * vs
    return (g * vs.reshape(3, 1, 1, 1) + origin.reshape(3, 1, 1, 1)).reshape(1, 3, -1)


def kernel(mlvl_feats, points, ori_points, img, lidar2camera, lidar2image,
           cam_intrinsic, cam_2_lidar, img_aug_matrix, lidar_aug_matrix,
           img_metas, conv_w, conv_b, bn_gamma, bn_beta):
    feat = mlvl_feats[0].reshape(_NCAM, _CIN, _FH * _FW)
    la = lidar_aug_matrix[0]
    la_t = la[:3, -1]
    la_r = la[:3, :3]
    ia = img_aug_matrix[0]
    ia_t = ia[..., -1]
    ia_r = ia.at[..., -1].set(0.0)
    proj = jnp.matmul(ia_r, lidar2image[0])[:, :3, :]
    pt0 = _get_vox_points()
    pt = pt0 - la_t.reshape(1, 3, 1)
    pt = jnp.matmul(la_r.T, pt)
    pt = jnp.concatenate([pt, jnp.ones_like(pt[:, :1])], axis=1)
    pt = jnp.broadcast_to(pt, (_NCAM, 4, pt.shape[-1]))
    p2i = jnp.matmul(proj, pt).reshape(_NCAM, 3, _NX, _NY * _NZ)
    par = ia_t[:, :2].reshape(-1)
    p2 = jnp.transpose(points, (0, 2, 3, 1)).reshape(_NX, _NY * _NZ)

    idx2, w2 = _project(par, p2i, p2)
    idx = idx2.reshape(_NVOX)
    wvx = w2.reshape(_NVOX)
    cw_pad = jnp.zeros((_TD, _CIN), jnp.float32).at[:_COUT].set(conv_w)
    table = _make_table(cw_pad, feat)
    x = _gather_combine_kernel()(table, idx, wvx)
    st = _stats(x)
    out = _bn(x, st, bn_gamma.reshape(1, _COUT), bn_beta.reshape(_COUT, 1),
              jnp.eye(_COUT, dtype=jnp.float32))
    return out.reshape(1, _COUT, _NX, _NY)

# --- scband reference (transcript-rebuilt; emitter-appended) ---
"""Pipeline reference for scband-fast-bev-10488310137173 (READ-ONLY COPY).

The authoritative reference and input builder live on the scoring server;
editing this copy changes nothing except your own understanding.
"""

import math
import jax, jax.numpy as jnp
import numpy as np

IMAGE_SIZE = (256, 704)
VOXEL_SIZE = (0.5, 0.5, 1.5)
N_VOXELS = (200, 200, 4)

def _get_points():
    nx, ny, nz = N_VOXELS
    g = jnp.stack(jnp.meshgrid(jnp.arange(nx), jnp.arange(ny), jnp.arange(nz), indexing='ij')).astype(jnp.float32)
    nv = jnp.array(N_VOXELS, jnp.float32)
    vs = jnp.array(VOXEL_SIZE, jnp.float32)
    origin = jnp.array([0.0, 0.0, -1.0], jnp.float32) - nv / 2.0 * vs
    return g * vs.reshape(3, 1, 1, 1) + origin.reshape(3, 1, 1, 1)

def setup_inputs(seed: int = 0):
    key = jax.random.key(seed)
    ks = jax.random.split(key, 12)
    B, NI, C, H, W = 1, 6, 256, 64, 176
    nx, ny, nz = N_VOXELS
    mlvl_feats = jax.random.normal(ks[0], (B, NI, C, H, W), jnp.float32)
    points = jax.random.uniform(ks[1], (B, nz, nx, ny), jnp.float32)
    ori_points = jax.random.normal(ks[2], (B, 2048, 4), jnp.float32)
    img = jax.random.uniform(ks[3], (B, NI, 256, 704, 3), jnp.float32)
    K = jnp.array([[120.0, 0.0, 352.0, 0.0], [0.0, 120.0, 128.0, 0.0], [0.0, 0.0, 1.0, 3.0], [0.0, 0.0, 0.0, 1.0]], jnp.float32)
    lidar2image = jnp.tile(K, (B, NI, 1, 1)) + 0.01 * jax.random.normal(ks[4], (B, NI, 4, 4), jnp.float32)
    lidar2camera = jax.random.normal(ks[5], (B, NI, 4, 4), jnp.float32)
    cam_intrinsic = jax.random.normal(ks[6], (B, NI, 4, 4), jnp.float32)
    cam_2_lidar = jax.random.normal(ks[7], (B, NI, 4, 4), jnp.float32)
    eye = jnp.eye(4, dtype=jnp.float32)
    img_aug_matrix = jnp.tile(eye, (B, NI, 1, 1)) + 0.001 * jax.random.normal(ks[8], (B, NI, 4, 4), jnp.float32)
    lidar_aug_matrix = jnp.tile(eye, (B, 1, 1)) + 0.001 * jax.random.normal(ks[9], (B, 4, 4), jnp.float32)
    conv_w = 0.05 * jax.random.normal(ks[10], (80, 256), jnp.float32)
    conv_b = jnp.zeros((80,), jnp.float32)
    bn_gamma = jnp.ones((80,), jnp.float32)
    bn_beta = jnp.zeros((80,), jnp.float32)
    return {"mlvl_feats": mlvl_feats, "points": points, "ori_points": ori_points, "img": img, "lidar2camera": lidar2camera, "lidar2image": lidar2image, "cam_intrinsic": cam_intrinsic, "cam_2_lidar": cam_2_lidar, "img_aug_matrix": img_aug_matrix, "lidar_aug_matrix": lidar_aug_matrix, "img_metas": 0, "conv_w": conv_w, "conv_b": conv_b, "bn_gamma": bn_gamma, "bn_beta": bn_beta}

def _forward(mlvl_feats, points, lidar2image, img_aug_matrix, lidar_aug_matrix, conv_w, conv_b, bn_gamma, bn_beta):
    stride = math.ceil(IMAGE_SIZE[-1] / mlvl_feats.shape[-1])
    nx, ny, nz = N_VOXELS
    pt0 = _get_points().reshape(1, 3, -1)
    vols = []
    for i in range(mlvl_feats.shape[0]):
        feat = mlvl_feats[i]
        n_images, C, H, W = feat.shape
        la = lidar_aug_matrix[i]
        la_t = la[:3, -1]
        la_r = la[:3, :3]
        ia = img_aug_matrix[i]
        ia_t = ia[..., -1]
        ia_r = ia.at[..., -1].set(0.0)
        proj = jnp.matmul(ia_r, lidar2image[i])[:, :3, :]
        pt = pt0 - la_t.reshape(1, 3, 1)
        pt = jnp.matmul(la_r.T, pt)
        pt = jnp.concatenate([pt, jnp.ones_like(pt[:, :1])], axis=1)
        pt = jnp.broadcast_to(pt, (n_images, 4, pt.shape[-1]))
        p2i = jnp.matmul(proj, pt)
        Z = p2i[:, 2]
        u = p2i[:, 0] / Z + ia_t[..., 0][:, None]
        v = p2i[:, 1] / Z + ia_t[..., 1][:, None]
        u_fm = jnp.round(u / stride).astype(jnp.int32)
        v_fm = jnp.round(v / stride).astype(jnp.int32)
        valid = (u_fm >= 0) & (v_fm >= 0) & (u_fm < W) & (v_fm < H) & (Z > 0)
        vol = jnp.zeros((C, pt.shape[-1]), mlvl_feats.dtype)
        for j in range(n_images):
            uu = jnp.clip(u_fm[j], 0, W - 1)
            vv = jnp.clip(v_fm[j], 0, H - 1)
            g = feat[j][:, vv, uu]
            vol = jnp.where(valid[j][None, :], g, vol)
        vols.append(vol.reshape(C, nx, ny, nz))
    vol_stack = jnp.stack(vols) * jnp.transpose(points, (0, 2, 3, 1))[:, None]
    vol_sum = vol_stack.sum(axis=-1, keepdims=True)
    final = jnp.concatenate([vol_sum[..., k] for k in range(vol_sum.shape[4])], axis=1)
    x = jnp.einsum('bchw,oc->bohw', final, conv_w) + conv_b.reshape(1, -1, 1, 1)
    mean = x.mean(axis=(0, 2, 3), keepdims=True)
    var = x.var(axis=(0, 2, 3), keepdims=True)
    x = (x - mean) / jnp.sqrt(var + 1e-5) * bn_gamma.reshape(1, -1, 1, 1) + bn_beta.reshape(1, -1, 1, 1)
    return jax.nn.relu(x)

def reference(mlvl_feats, points, ori_points, img, lidar2camera, lidar2image, cam_intrinsic, cam_2_lidar, img_aug_matrix, lidar_aug_matrix, img_metas, conv_w, conv_b, bn_gamma, bn_beta):
    return _forward(mlvl_feats, points, lidar2image, img_aug_matrix, lidar_aug_matrix, conv_w, conv_b, bn_gamma, bn_beta)

if __name__ == "__main__":
    import jax
    _d = setup_inputs()
    print(jax.jit(kernel)(*tuple(_d.values())))

</pallas_src>

<mosaic_0001>
#map = affine_map<(d0, d1) -> (0, 0)>
#map1 = affine_map<(d0, d1) -> (0)>
module attributes {stable_mosaic.version = 14 : i64} {
  func.func @_gather_combine_body(%arg0: i32, %arg1: i32, %arg2: memref<67584x128xf32, #tpu.memory_space<hbm>>, %arg3: memref<160000xi32, #tpu.memory_space<hbm>>, %arg4: memref<160000xf32, #tpu.memory_space<hbm>>, %arg5: memref<40000x80xf32, #tpu.memory_space<hbm>>, %arg6: memref<5056xi32, #tpu.memory_space<vmem>>, %arg7: memref<5056xf32, #tpu.memory_space<vmem>>, %arg8: memref<512xi32, #tpu.memory_space<vmem>>, %arg9: memref<512xf32, #tpu.memory_space<vmem>>, %arg10: memref<512xi32, #tpu.memory_space<vmem>>, %arg11: memref<416x128xf32, #tpu.memory_space<vmem>>, %arg12: memref<104x80xf32, #tpu.memory_space<vmem>>, %arg13: memref<!tpu.dma_semaphore, #tpu.memory_space<semaphore_mem>>) attributes {dimension_semantics = [#tpu.dimension_semantics<core_parallel>, #tpu.dimension_semantics<subcore_parallel>], iteration_bounds = array<i64: 2, 16>, scalar_prefetch = 0 : i64, scratch_operands = 8 : i64, tpu.core_type = #tpu.core_type<sc_vector_subcore>, window_params = [{transform_indices = #map}, {transform_indices = #map1}, {transform_indices = #map1}, {transform_indices = #map}]} {
    %mul3A = arith.constant 2 : i32
    %mul3A_0 = arith.muli %arg1, %mul3A : i32
    %add3A = arith.addi %mul3A_0, %arg0 : i32
    %mul3A_1 = arith.constant 1248 : i32
    %mul3A_2 = arith.muli %add3A, %mul3A_1 : i32
    %sub3A = arith.constant 24 : i32
    %sub3A_3 = arith.subi %add3A, %sub3A : i32
    %max3A = arith.constant 0 : i32
    %max3A_4 = arith.maxsi %sub3A_3, %max3A : i32
    %mul3A_5 = arith.constant 8 : i32
    %mul3A_6 = arith.muli %max3A_4, %mul3A_5 : i32
    %add3A_7 = arith.addi %mul3A_2, %mul3A_6 : i32
    %multiple_of3A = tpu.assume_multiple %add3A_7, 8 : i32
    %mul3A_8 = arith.constant 4 : i32
    %mul3A_9 = arith.muli %multiple_of3A, %mul3A_8 : i32
    "tpu.region"() ({
      %run_scoped3A = tpu.sem_alloc : memref<!tpu.dma_semaphore, #tpu.memory_space<semaphore_mem>>
      %dma_start3A = arith.constant 0 : i32
      %dma_start3A_18 = tpu.memref_slice %arg6[%dma_start3A] : memref<5056xi32, #tpu.memory_space<vmem>> -> memref<5024xi32, #tpu.memory_space<vmem>>
      %dma_start3A_19 = tpu.memref_slice %arg3[%mul3A_9] : memref<160000xi32, #tpu.memory_space<hbm>> -> memref<5024xi32, #tpu.memory_space<hbm>>
      %dma_start3A_20 = arith.constant 0 : i32
      %dma_start3A_21 = tpu.memref_slice %arg6[%dma_start3A_20] : memref<5056xi32, #tpu.memory_space<vmem>> -> memref<5024xi32, #tpu.memory_space<vmem>>
      %dma_start3A_22 = tpu.memref_slice %arg3[%mul3A_9] : memref<160000xi32, #tpu.memory_space<hbm>> -> memref<5024xi32, #tpu.memory_space<hbm>>
      tpu.enqueue_dma source(%dma_start3A_22 : memref<5024xi32, #tpu.memory_space<hbm>>) target(%dma_start3A_21 : memref<5024xi32, #tpu.memory_space<vmem>>) target_semaphore(%run_scoped3A : memref<!tpu.dma_semaphore, #tpu.memory_space<semaphore_mem>>)
      %dma_wait3A = arith.constant 0 : i32
      %dma_wait3A_23 = tpu.memref_slice %arg6[%dma_wait3A] : memref<5056xi32, #tpu.memory_space<vmem>> -> memref<5024xi32, #tpu.memory_space<vmem>>
      %dma_wait3A_24 = tpu.memref_slice %arg3[%mul3A_9] : memref<160000xi32, #tpu.memory_space<hbm>> -> memref<5024xi32, #tpu.memory_space<hbm>>
      %dma_wait3A_25 = arith.constant 0 : i32
      %dma_wait3A_26 = tpu.memref_slice %arg6[%dma_wait3A_25] : memref<5056xi32, #tpu.memory_space<vmem>> -> memref<5024xi32, #tpu.memory_space<vmem>>
      %dma_wait3A_27 = tpu.memref_slice %arg3[%mul3A_9] : memref<160000xi32, #tpu.memory_space<hbm>> -> memref<5024xi32, #tpu.memory_space<hbm>>
      tpu.wait_dma2 semaphore(%run_scoped3A : memref<!tpu.dma_semaphore, #tpu.memory_space<semaphore_mem>>) src(%dma_wait3A_27 : memref<5024xi32, #tpu.memory_space<hbm>>) dst(%dma_wait3A_26 : memref<5024xi32, #tpu.memory_space<vmem>>)
      tpu.yield
    }) : () -> ()
    %mul3A_10 = arith.constant 4 : i32
    %mul3A_11 = arith.muli %multiple_of3A, %mul3A_10 : i32
    "tpu.region"() ({
      %run_scoped3A = tpu.sem_alloc : memref<!tpu.dma_semaphore, #tpu.memory_space<semaphore_mem>>
      %dma_start3A = arith.constant 0 : i32
      %dma_start3A_18 = tpu.memref_slice %arg7[%dma_start3A] : memref<5056xf32, #tpu.memory_space<vmem>> -> memref<5024xf32, #tpu.memory_space<vmem>>
      %dma_start3A_19 = tpu.memref_slice %arg4[%mul3A_11] : memref<160000xf32, #tpu.memory_space<hbm>> -> memref<5024xf32, #tpu.memory_space<hbm>>
      %dma_start3A_20 = arith.constant 0 : i32
      %dma_start3A_21 = tpu.memref_slice %arg7[%dma_start3A_20] : memref<5056xf32, #tpu.memory_space<vmem>> -> memref<5024xf32, #tpu.memory_space<vmem>>
      %dma_start3A_22 = tpu.memref_slice %arg4[%mul3A_11] : memref<160000xf32, #tpu.memory_space<hbm>> -> memref<5024xf32, #tpu.memory_space<hbm>>
      tpu.enqueue_dma source(%dma_start3A_22 : memref<5024xf32, #tpu.memory_space<hbm>>) target(%dma_start3A_21 : memref<5024xf32, #tpu.memory_space<vmem>>) target_semaphore(%run_scoped3A : memref<!tpu.dma_semaphore, #tpu.memory_space<semaphore_mem>>)
      %dma_wait3A = arith.constant 0 : i32
      %dma_wait3A_23 = tpu.memref_slice %arg7[%dma_wait3A] : memref<5056xf32, #tpu.memory_space<vmem>> -> memref<5024xf32, #tpu.memory_space<vmem>>
      %dma_wait3A_24 = tpu.memref_slice %arg4[%mul3A_11] : memref<160000xf32, #tpu.memory_space<hbm>> -> memref<5024xf32, #tpu.memory_space<hbm>>
      %dma_wait3A_25 = arith.constant 0 : i32
      %dma_wait3A_26 = tpu.memref_slice %arg7[%dma_wait3A_25] : memref<5056xf32, #tpu.memory_space<vmem>> -> memref<5024xf32, #tpu.memory_space<vmem>>
      %dma_wait3A_27 = tpu.memref_slice %arg4[%mul3A_11] : memref<160000xf32, #tpu.memory_space<hbm>> -> memref<5024xf32, #tpu.memory_space<hbm>>
      tpu.wait_dma2 semaphore(%run_scoped3A : memref<!tpu.dma_semaphore, #tpu.memory_space<semaphore_mem>>) src(%dma_wait3A_27 : memref<5024xf32, #tpu.memory_space<hbm>>) dst(%dma_wait3A_26 : memref<5024xf32, #tpu.memory_space<vmem>>)
      tpu.yield
    }) : () -> ()
    %scan3A = arith.constant 0 : i32
    %scan3A_12 = arith.constant 12 : i32
    %scan3A_13 = arith.addi %scan3A, %scan3A_12 : i32
    %scan3A_14 = arith.constant 1 : i32
    scf.for %scan3A_18 = %scan3A to %scan3A_13 step %scan3A_14  : i32 {
      %mul3A_19 = arith.constant 1 : i32
      %mul3A_20 = arith.muli %scan3A_18, %mul3A_19 : i32
      %add3A_21 = arith.constant 0 : i32
      %add3A_22 = arith.addi %add3A_21, %mul3A_20 : i32
      %mul3A_23 = arith.constant 416 : i32
      %mul3A_24 = arith.muli %add3A_22, %mul3A_23 : i32
      %mul3A_25 = arith.constant 104 : i32
      %mul3A_26 = arith.muli %add3A_22, %mul3A_25 : i32
      %add3A_27 = arith.addi %multiple_of3A, %mul3A_26 : i32
      %multiple_of3A_28 = tpu.assume_multiple %add3A_27, 8 : i32
      %scan3A_29 = arith.constant 0 : i32
      %scan3A_30 = arith.constant 0 : i32
      %scan3A_31 = arith.constant 104 : i32
      %scan3A_32 = arith.addi %scan3A_30, %scan3A_31 : i32
      %scan3A_33 = arith.constant 1 : i32
      scf.for %scan3A_233 = %scan3A_30 to %scan3A_32 step %scan3A_33  : i32 {
        %broadcast_in_dim3A_234 = arith.constant 0.000000e+00 : f32
        %broadcast_in_dim3A_235 = vector.broadcast %broadcast_in_dim3A_234 : f32 to vector<16xf32>
        %swap3A_236 = arith.index_cast %scan3A_233 : i32 to index
        %swap3A_237 = arith.constant 0 : index
        %swap3A_238 = tpu.vector_load %arg12[%swap3A_236, %swap3A_237] {strides = array<i32>} : memref<104x80xf32, #tpu.memory_space<vmem>>, vector<1x16xf32>,
        %swap3A_239 = vector.shape_cast %swap3A_238 : vector<1x16xf32> to vector<16xf32>
        %swap3A_240 = vector.shape_cast %broadcast_in_dim3A_235 : vector<16xf32> to vector<1x16xf32>
        tpu.vector_store %arg12[%swap3A_236, %swap3A_237], %swap3A_240 {strides = array<i32>} : memref<104x80xf32, #tpu.memory_space<vmem>>, vector<1x16xf32>,
        %broadcast_in_dim3A_241 = arith.constant 0.000000e+00 : f32
        %broadcast_in_dim3A_242 = vector.broadcast %broadcast_in_dim3A_241 : f32 to vector<16xf32>
        %swap3A_243 = arith.index_cast %scan3A_233 : i32 to index
        %swap3A_244 = arith.constant 16 : index
        %swap3A_245 = tpu.vector_load %arg12[%swap3A_243, %swap3A_244] {strides = array<i32>} : memref<104x80xf32, #tpu.memory_space<vmem>>, vector<1x16xf32>,
        %swap3A_246 = vector.shape_cast %swap3A_245 : vector<1x16xf32> to vector<16xf32>
        %swap3A_247 = vector.shape_cast %broadcast_in_dim3A_242 : vector<16xf32> to vector<1x16xf32>
        tpu.vector_store %arg12[%swap3A_243, %swap3A_244], %swap3A_247 {strides = array<i32>} : memref<104x80xf32, #tpu.memory_space<vmem>>, vector<1x16xf32>,
        %broadcast_in_dim3A_248 = arith.constant 0.000000e+00 : f32
        %broadcast_in_dim3A_249 = vector.broadcast %broadcast_in_dim3A_248 : f32 to vector<16xf32>
        %swap3A_250 = arith.index_cast %scan3A_233 : i32 to index
        %swap3A_251 = arith.constant 32 : index
        %swap3A_252 = tpu.vector_load %arg12[%swap3A_250, %swap3A_251] {strides = array<i32>} : memref<104x80xf32, #tpu.memory_space<vmem>>, vector<1x16xf32>,
        %swap3A_253 = vector.shape_cast %swap3A_252 : vector<1x16xf32> to vector<16xf32>
        %swap3A_254 = vector.shape_cast %broadcast_in_dim3A_249 : vector<16xf32> to vector<1x16xf32>
        tpu.vector_store %arg12[%swap3A_250, %swap3A_251], %swap3A_254 {strides = array<i32>} : memref<104x80xf32, #tpu.memory_space<vmem>>, vector<1x16xf32>,
        %broadcast_in_dim3A_255 = arith.constant 0.000000e+00 : f32
        %broadcast_in_dim3A_256 = vector.broadcast %broadcast_in_dim3A_255 : f32 to vector<16xf32>
        %swap3A_257 = arith.index_cast %scan3A_233 : i32 to index
        %swap3A_258 = arith.constant 48 : index
        %swap3A_259 = tpu.vector_load %arg12[%swap3A_257, %swap3A_258] {strides = array<i32>} : memref<104x80xf32, #tpu.memory_space<vmem>>, vector<1x16xf32>,
        %swap3A_260 = vector.shape_cast %swap3A_259 : vector<1x16xf32> to vector<16xf32>
        %swap3A_261 = vector.shape_cast %broadcast_in_dim3A_256 : vector<16xf32> to vector<1x16xf32>
        tpu.vector_store %arg12[%swap3A_257, %swap3A_258], %swap3A_261 {strides = array<i32>} : memref<104x80xf32, #tpu.memory_space<vmem>>, vector<1x16xf32>,
        %broadcast_in_dim3A_262 = arith.constant 0.000000e+00 : f32
        %broadcast_in_dim3A_263 = vector.broadcast %broadcast_in_dim3A_262 : f32 to vector<16xf32>
        %swap3A_264 = arith.index_cast %scan3A_233 : i32 to index
        %swap3A_265 = arith.constant 64 : index
        %swap3A_266 = tpu.vector_load %arg12[%swap3A_264, %swap3A_265] {strides = array<i32>} : memref<104x80xf32, #tpu.memory_space<vmem>>, vector<1x16xf32>,
        %swap3A_267 = vector.shape_cast %swap3A_266 : vector<1x16xf32> to vector<16xf32>
        %swap3A_268 = vector.shape_cast %broadcast_in_dim3A_263 : vector<16xf32> to vector<1x16xf32>
        tpu.vector_store %arg12[%swap3A_264, %swap3A_265], %swap3A_268 {strides = array<i32>} : memref<104x80xf32, #tpu.memory_space<vmem>>, vector<1x16xf32>,
      }
      %scan3A_34 = arith.constant 104 : i32
      %scan3A_35 = arith.constant 0 : i32
      %scan3A_36 = arith.constant 0 : i32
      %scan3A_37 = arith.constant 104 : i32
      %scan3A_38 = arith.addi %scan3A_36, %scan3A_37 : i32
      %scan3A_39 = arith.constant 1 : i32
      %scan3A_40 = scf.for %scan3A_233 = %scan3A_36 to %scan3A_38 step %scan3A_39 iter_args(%scan3A_234 = %scan3A_35) -> (i32)  : i32 {
        %mul3A_235 = arith.constant 4 : i32
        %mul3A_236 = arith.muli %mul3A_235, %scan3A_233 : i32
        %add3A_237 = arith.addi %mul3A_24, %mul3A_236 : i32
        %get3A = arith.index_cast %add3A_237 : i32 to index
        %get3A_238 = tpu.vector_load %arg7[%get3A] {strides = array<i32>} : memref<5056xf32, #tpu.memory_space<vmem>>, vector<16xf32>,
        %get3A_239 = vector.shape_cast %get3A_238 : vector<16xf32> to vector<16xf32>
        %slice3A = vector.extract_strided_slice %get3A_239 {offsets = [0], sizes = [1], strides = [1]} : vector<16xf32> to vector<1xf32>
        %squeeze3A = vector.extract %slice3A[0] : f32 from vector<1xf32>
        %abs3A = math.absf %squeeze3A : f32
        %slice3A_240 = vector.extract_strided_slice %get3A_239 {offsets = [1], sizes = [1], strides = [1]} : vector<16xf32> to vector<1xf32>
        %squeeze3A_241 = vector.extract %slice3A_240[0] : f32 from vector<1xf32>
        %abs3A_242 = math.absf %squeeze3A_241 : f32
        %add3A_243 = arith.addf %abs3A, %abs3A_242 : f32
        %slice3A_244 = vector.extract_strided_slice %get3A_239 {offsets = [2], sizes = [1], strides = [1]} : vector<16xf32> to vector<1xf32>
        %squeeze3A_245 = vector.extract %slice3A_244[0] : f32 from vector<1xf32>
        %abs3A_246 = math.absf %squeeze3A_245 : f32
        %add3A_247 = arith.addf %add3A_243, %abs3A_246 : f32
        %slice3A_248 = vector.extract_strided_slice %get3A_239 {offsets = [3], sizes = [1], strides = [1]} : vector<16xf32> to vector<1xf32>
        %squeeze3A_249 = vector.extract %slice3A_248[0] : f32 from vector<1xf32>
        %abs3A_250 = math.absf %squeeze3A_249 : f32
        %add3A_251 = arith.addf %add3A_247, %abs3A_250 : f32
        %mul3A_252 = arith.constant 9.99999968E+37 : f32
        %mul3A_253 = arith.mulf %add3A_251, %mul3A_252 : f32
        %min3A = arith.constant 1.000000e+00 : f32
        %min3A_254 = arith.minimumf %mul3A_253, %min3A : f32
        %convert_element_type3A_255 = arith.fptosi %min3A_254 : f32 to i32
        %eq3A = arith.constant 1 : i32
        %eq3A_256 = arith.cmpi eq, %convert_element_type3A_255, %eq3A : i32
        %convert_element_type3A_257 = arith.extui %eq3A_256 : i1 to i32
        %cond3A_258 = arith.constant 0 : i32
        %cond3A_259 = arith.cmpi ne, %convert_element_type3A_257, %cond3A_258 : i32
        scf.if %cond3A_259 {
          %get3A_263 = arith.index_cast %add3A_237 : i32 to index
          %get3A_264 = tpu.vector_load %arg6[%get3A_263] {strides = array<i32>} : memref<5056xi32, #tpu.memory_space<vmem>>, vector<16xi32>,
          %get3A_265 = vector.shape_cast %get3A_264 : vector<16xi32> to vector<16xi32>
          %swap3A_266 = arith.index_cast %scan3A_234 : i32 to index
          %swap3A_267 = tpu.vector_load %arg8[%swap3A_266] {strides = array<i32>} : memref<512xi32, #tpu.memory_space<vmem>>, vector<16xi32>,
          %swap3A_268 = vector.shape_cast %swap3A_267 : vector<16xi32> to vector<16xi32>
          %swap3A_269 = vector.shape_cast %get3A_265 : vector<16xi32> to vector<16xi32>
          tpu.vector_store %arg8[%swap3A_266], %swap3A_269 {strides = array<i32>} : memref<512xi32, #tpu.memory_space<vmem>>, vector<16xi32>,
          %swap3A_270 = arith.index_cast %scan3A_234 : i32 to index
          %swap3A_271 = tpu.vector_load %arg9[%swap3A_270] {strides = array<i32>} : memref<512xf32, #tpu.memory_space<vmem>>, vector<16xf32>,
          %swap3A_272 = vector.shape_cast %swap3A_271 : vector<16xf32> to vector<16xf32>
          %swap3A_273 = vector.shape_cast %get3A_239 : vector<16xf32> to vector<16xf32>
          tpu.vector_store %arg9[%swap3A_270], %swap3A_273 {strides = array<i32>} : memref<512xf32, #tpu.memory_space<vmem>>, vector<16xf32>,
          %broadcast_in_dim3A_274 = arith.constant 0 : i32
          %broadcast_in_dim3A_275 = vector.broadcast %broadcast_in_dim3A_274 : i32 to vector<16xi32>
          %add3A_276 = vector.broadcast %scan3A_233 : i32 to vector<16xi32>
          %add3A_277 = arith.addi %broadcast_in_dim3A_275, %add3A_276 : vector<16xi32>
          %swap3A_278 = arith.index_cast %scan3A_234 : i32 to index
          %swap3A_279 = tpu.vector_load %arg10[%swap3A_278] {strides = array<i32>} : memref<512xi32, #tpu.memory_space<vmem>>, vector<16xi32>,
          %swap3A_280 = vector.shape_cast %swap3A_279 : vector<16xi32> to vector<16xi32>
          %swap3A_281 = vector.shape_cast %add3A_277 : vector<16xi32> to vector<16xi32>
          tpu.vector_store %arg10[%swap3A_278], %swap3A_281 {strides = array<i32>} : memref<512xi32, #tpu.memory_space<vmem>>, vector<16xi32>,
        } else {
        }
        %mul3A_260 = arith.constant 4 : i32
        %mul3A_261 = arith.muli %mul3A_260, %convert_element_type3A_255 : i32
        %add3A_262 = arith.addi %scan3A_234, %mul3A_261 : i32
        scf.yield %add3A_262 : i32
      }
      %scan3A_41 = arith.constant 104 : i32
      %broadcast_in_dim3A = arith.constant 0 : i32
      %broadcast_in_dim3A_42 = vector.broadcast %broadcast_in_dim3A : i32 to vector<16xi32>
      %swap3A = arith.index_cast %scan3A_40 : i32 to index
      %swap3A_43 = tpu.vector_load %arg8[%swap3A] {strides = array<i32>} : memref<512xi32, #tpu.memory_space<vmem>>, vector<16xi32>,
      %swap3A_44 = vector.shape_cast %swap3A_43 : vector<16xi32> to vector<16xi32>
      %swap3A_45 = vector.shape_cast %broadcast_in_dim3A_42 : vector<16xi32> to vector<16xi32>
      tpu.vector_store %arg8[%swap3A], %swap3A_45 {strides = array<i32>} : memref<512xi32, #tpu.memory_space<vmem>>, vector<16xi32>,
      %add3A_46 = arith.constant 16 : i32
      %add3A_47 = arith.addi %scan3A_40, %add3A_46 : i32
      %swap3A_48 = arith.index_cast %add3A_47 : i32 to index
      %swap3A_49 = tpu.vector_load %arg8[%swap3A_48] {strides = array<i32>} : memref<512xi32, #tpu.memory_space<vmem>>, vector<16xi32>,
      %swap3A_50 = vector.shape_cast %swap3A_49 : vector<16xi32> to vector<16xi32>
      %swap3A_51 = vector.shape_cast %broadcast_in_dim3A_42 : vector<16xi32> to vector<16xi32>
      tpu.vector_store %arg8[%swap3A_48], %swap3A_51 {strides = array<i32>} : memref<512xi32, #tpu.memory_space<vmem>>, vector<16xi32>,
      %add3A_52 = arith.constant 31 : i32
      %add3A_53 = arith.addi %scan3A_40, %add3A_52 : i32
      %jit3A = arith.constant 32 : i32
      %div3A = arith.divsi %add3A_53, %jit3A : i32
      %sign3A = arith.constant 0 : i32
      %sign3A_54 = arith.cmpi sgt, %add3A_53, %sign3A : i32
      %sign3A_55 = arith.extui %sign3A_54 : i1 to i32
      %sign3A_56 = arith.constant 0 : i32
      %sign3A_57 = arith.cmpi slt, %add3A_53, %sign3A_56 : i32
      %sign3A_58 = arith.extui %sign3A_57 : i1 to i32
      %sign3A_59 = arith.subi %sign3A_55, %sign3A_58 : i32
      %sign3A_60 = arith.constant 0 : i32
      %sign3A_61 = arith.cmpi sgt, %jit3A, %sign3A_60 : i32
      %sign3A_62 = arith.extui %sign3A_61 : i1 to i32
      %sign3A_63 = arith.constant 0 : i32
      %sign3A_64 = arith.cmpi slt, %jit3A, %sign3A_63 : i32
      %sign3A_65 = arith.extui %sign3A_64 : i1 to i32
      %sign3A_66 = arith.subi %sign3A_62, %sign3A_65 : i32
      %ne3A = arith.cmpi ne, %sign3A_59, %sign3A_66 : i32
      %rem3A = arith.remsi %add3A_53, %jit3A : i32
      %ne3A_67 = arith.constant 0 : i32
      %ne3A_68 = arith.cmpi ne, %rem3A, %ne3A_67 : i32
      %and3A = arith.andi %ne3A, %ne3A_68 : i1
      %sub3A_69 = arith.constant 1 : i32
      %sub3A_70 = arith.subi %div3A, %sub3A_69 : i32
      %select_n3A = arith.select %and3A, %sub3A_70, %div3A : i32
      %gt3A = arith.constant 0 : i32
      %gt3A_71 = arith.cmpi sgt, %select_n3A, %gt3A : i32
      %convert_element_type3A_72 = arith.extui %gt3A_71 : i1 to i32
      %cond3A_73 = arith.constant 0 : i32
      %cond3A_74 = arith.cmpi ne, %convert_element_type3A_72, %cond3A_73 : i32
      scf.if %cond3A_74 {
        %dma_start3A = arith.constant 0 : i32
        %dma_start3A_233 = arith.constant 0 : i32
        %dma_start3A_234 = tpu.memref_slice %arg11[%dma_start3A, %dma_start3A_233] : memref<416x128xf32, #tpu.memory_space<vmem>> -> memref<32x128xf32, #tpu.memory_space<vmem>>
        %dma_start3A_235 = arith.constant 0 : i32
        %dma_start3A_236 = tpu.memref_slice %arg8[%dma_start3A_235] : memref<512xi32, #tpu.memory_space<vmem>> -> memref<32xi32, #tpu.memory_space<vmem>>
        %dma_start3A_237 = arith.constant 0 : i32
        %dma_start3A_238 = arith.constant 0 : i32
        %dma_start3A_239 = tpu.memref_slice %arg2[%dma_start3A_237, %dma_start3A_238] : memref<67584x128xf32, #tpu.memory_space<hbm>> -> memref<67584x128xf32, #tpu.memory_space<hbm>>
        tpu.enqueue_indirect_dma source(%dma_start3A_239 : memref<67584x128xf32, #tpu.memory_space<hbm>>) target(%dma_start3A_234 : memref<32x128xf32, #tpu.memory_space<vmem>>) offsets(%dma_start3A_236 : memref<32xi32, #tpu.memory_space<vmem>>) semaphore(%arg13 : memref<!tpu.dma_semaphore, #tpu.memory_space<semaphore_mem>>)
      } else {
      }
      %gt3A_75 = arith.constant 1 : i32
      %gt3A_76 = arith.cmpi sgt, %select_n3A, %gt3A_75 : i32
      %convert_element_type3A_77 = arith.extui %gt3A_76 : i1 to i32
      %cond3A_78 = arith.constant 0 : i32
      %cond3A_79 = arith.cmpi ne, %convert_element_type3A_77, %cond3A_78 : i32
      scf.if %cond3A_79 {
        %dma_start3A = arith.constant 32 : i32
        %dma_start3A_233 = arith.constant 0 : i32
        %dma_start3A_234 = tpu.memref_slice %arg11[%dma_start3A, %dma_start3A_233] : memref<416x128xf32, #tpu.memory_space<vmem>> -> memref<32x128xf32, #tpu.memory_space<vmem>>
        %dma_start3A_235 = arith.constant 32 : i32
        %dma_start3A_236 = tpu.memref_slice %arg8[%dma_start3A_235] : memref<512xi32, #tpu.memory_space<vmem>> -> memref<32xi32, #tpu.memory_space<vmem>>
        %dma_start3A_237 = arith.constant 0 : i32
        %dma_start3A_238 = arith.constant 0 : i32
        %dma_start3A_239 = tpu.memref_slice %arg2[%dma_start3A_237, %dma_start3A_238] : memref<67584x128xf32, #tpu.memory_space<hbm>> -> memref<67584x128xf32, #tpu.memory_space<hbm>>
        tpu.enqueue_indirect_dma source(%dma_start3A_239 : memref<67584x128xf32, #tpu.memory_space<hbm>>) target(%dma_start3A_234 : memref<32x128xf32, #tpu.memory_space<vmem>>) offsets(%dma_start3A_236 : memref<32xi32, #tpu.memory_space<vmem>>) semaphore(%arg13 : memref<!tpu.dma_semaphore, #tpu.memory_space<semaphore_mem>>)
      } else {
      }
      %gt3A_80 = arith.constant 2 : i32
      %gt3A_81 = arith.cmpi sgt, %select_n3A, %gt3A_80 : i32
      %convert_element_type3A_82 = arith.extui %gt3A_81 : i1 to i32
      %cond3A_83 = arith.constant 0 : i32
      %cond3A_84 = arith.cmpi ne, %convert_element_type3A_82, %cond3A_83 : i32
      scf.if %cond3A_84 {
        %dma_start3A = arith.constant 64 : i32
        %dma_start3A_233 = arith.constant 0 : i32
        %dma_start3A_234 = tpu.memref_slice %arg11[%dma_start3A, %dma_start3A_233] : memref<416x128xf32, #tpu.memory_space<vmem>> -> memref<32x128xf32, #tpu.memory_space<vmem>>
        %dma_start3A_235 = arith.constant 64 : i32
        %dma_start3A_236 = tpu.memref_slice %arg8[%dma_start3A_235] : memref<512xi32, #tpu.memory_space<vmem>> -> memref<32xi32, #tpu.memory_space<vmem>>
        %dma_start3A_237 = arith.constant 0 : i32
        %dma_start3A_238 = arith.constant 0 : i32
        %dma_start3A_239 = tpu.memref_slice %arg2[%dma_start3A_237, %dma_start3A_238] : memref<67584x128xf32, #tpu.memory_space<hbm>> -> memref<67584x128xf32, #tpu.memory_space<hbm>>
        tpu.enqueue_indirect_dma source(%dma_start3A_239 : memref<67584x128xf32, #tpu.memory_space<hbm>>) target(%dma_start3A_234 : memref<32x128xf32, #tpu.memory_space<vmem>>) offsets(%dma_start3A_236 : memref<32xi32, #tpu.memory_space<vmem>>) semaphore(%arg13 : memref<!tpu.dma_semaphore, #tpu.memory_space<semaphore_mem>>)
      } else {
      }
      %gt3A_85 = arith.constant 3 : i32
      %gt3A_86 = arith.cmpi sgt, %select_n3A, %gt3A_85 : i32
      %convert_element_type3A_87 = arith.extui %gt3A_86 : i1 to i32
      %cond3A_88 = arith.constant 0 : i32
      %cond3A_89 = arith.cmpi ne, %convert_element_type3A_87, %cond3A_88 : i32
      scf.if %cond3A_89 {
        %dma_start3A = arith.constant 96 : i32
        %dma_start3A_233 = arith.constant 0 : i32
        %dma_start3A_234 = tpu.memref_slice %arg11[%dma_start3A, %dma_start3A_233] : memref<416x128xf32, #tpu.memory_space<vmem>> -> memref<32x128xf32, #tpu.memory_space<vmem>>
        %dma_start3A_235 = arith.constant 96 : i32
        %dma_start3A_236 = tpu.memref_slice %arg8[%dma_start3A_235] : memref<512xi32, #tpu.memory_space<vmem>> -> memref<32xi32, #tpu.memory_space<vmem>>
        %dma_start3A_237 = arith.constant 0 : i32
        %dma_start3A_238 = arith.constant 0 : i32
        %dma_start3A_239 = tpu.memref_slice %arg2[%dma_start3A_237, %dma_start3A_238] : memref<67584x128xf32, #tpu.memory_space<hbm>> -> memref<67584x128xf32, #tpu.memory_space<hbm>>
        tpu.enqueue_indirect_dma source(%dma_start3A_239 : memref<67584x128xf32, #tpu.memory_space<hbm>>) target(%dma_start3A_234 : memref<32x128xf32, #tpu.memory_space<vmem>>) offsets(%dma_start3A_236 : memref<32xi32, #tpu.memory_space<vmem>>) semaphore(%arg13 : memref<!tpu.dma_semaphore, #tpu.memory_space<semaphore_mem>>)
      } else {
      }
      %gt3A_90 = arith.constant 4 : i32
      %gt3A_91 = arith.cmpi sgt, %select_n3A, %gt3A_90 : i32
      %convert_element_type3A_92 = arith.extui %gt3A_91 : i1 to i32
      %cond3A_93 = arith.constant 0 : i32
      %cond3A_94 = arith.cmpi ne, %convert_element_type3A_92, %cond3A_93 : i32
      scf.if %cond3A_94 {
        %dma_start3A = arith.constant 128 : i32
        %dma_start3A_233 = arith.constant 0 : i32
        %dma_start3A_234 = tpu.memref_slice %arg11[%dma_start3A, %dma_start3A_233] : memref<416x128xf32, #tpu.memory_space<vmem>> -> memref<32x128xf32, #tpu.memory_space<vmem>>
        %dma_start3A_235 = arith.constant 128 : i32
        %dma_start3A_236 = tpu.memref_slice %arg8[%dma_start3A_235] : memref<512xi32, #tpu.memory_space<vmem>> -> memref<32xi32, #tpu.memory_space<vmem>>
        %dma_start3A_237 = arith.constant 0 : i32
        %dma_start3A_238 = arith.constant 0 : i32
        %dma_start3A_239 = tpu.memref_slice %arg2[%dma_start3A_237, %dma_start3A_238] : memref<67584x128xf32, #tpu.memory_space<hbm>> -> memref<67584x128xf32, #tpu.memory_space<hbm>>
        tpu.enqueue_indirect_dma source(%dma_start3A_239 : memref<67584x128xf32, #tpu.memory_space<hbm>>) target(%dma_start3A_234 : memref<32x128xf32, #tpu.memory_space<vmem>>) offsets(%dma_start3A_236 : memref<32xi32, #tpu.memory_space<vmem>>) semaphore(%arg13 : memref<!tpu.dma_semaphore, #tpu.memory_space<semaphore_mem>>)
      } else {
      }
      %gt3A_95 = arith.constant 5 : i32
      %gt3A_96 = arith.cmpi sgt, %select_n3A, %gt3A_95 : i32
      %convert_element_type3A_97 = arith.extui %gt3A_96 : i1 to i32
      %cond3A_98 = arith.constant 0 : i32
      %cond3A_99 = arith.cmpi ne, %convert_element_type3A_97, %cond3A_98 : i32
      scf.if %cond3A_99 {
        %dma_start3A = arith.constant 160 : i32
        %dma_start3A_233 = arith.constant 0 : i32
        %dma_start3A_234 = tpu.memref_slice %arg11[%dma_start3A, %dma_start3A_233] : memref<416x128xf32, #tpu.memory_space<vmem>> -> memref<32x128xf32, #tpu.memory_space<vmem>>
        %dma_start3A_235 = arith.constant 160 : i32
        %dma_start3A_236 = tpu.memref_slice %arg8[%dma_start3A_235] : memref<512xi32, #tpu.memory_space<vmem>> -> memref<32xi32, #tpu.memory_space<vmem>>
        %dma_start3A_237 = arith.constant 0 : i32
        %dma_start3A_238 = arith.constant 0 : i32
        %dma_start3A_239 = tpu.memref_slice %arg2[%dma_start3A_237, %dma_start3A_238] : memref<67584x128xf32, #tpu.memory_space<hbm>> -> memref<67584x128xf32, #tpu.memory_space<hbm>>
        tpu.enqueue_indirect_dma source(%dma_start3A_239 : memref<67584x128xf32, #tpu.memory_space<hbm>>) target(%dma_start3A_234 : memref<32x128xf32, #tpu.memory_space<vmem>>) offsets(%dma_start3A_236 : memref<32xi32, #tpu.memory_space<vmem>>) semaphore(%arg13 : memref<!tpu.dma_semaphore, #tpu.memory_space<semaphore_mem>>)
      } else {
      }
      %gt3A_100 = arith.constant 6 : i32
      %gt3A_101 = arith.cmpi sgt, %select_n3A, %gt3A_100 : i32
      %convert_element_type3A_102 = arith.extui %gt3A_101 : i1 to i32
      %cond3A_103 = arith.constant 0 : i32
      %cond3A_104 = arith.cmpi ne, %convert_element_type3A_102, %cond3A_103 : i32
      scf.if %cond3A_104 {
        %dma_start3A = arith.constant 192 : i32
        %dma_start3A_233 = arith.constant 0 : i32
        %dma_start3A_234 = tpu.memref_slice %arg11[%dma_start3A, %dma_start3A_233] : memref<416x128xf32, #tpu.memory_space<vmem>> -> memref<32x128xf32, #tpu.memory_space<vmem>>
        %dma_start3A_235 = arith.constant 192 : i32
        %dma_start3A_236 = tpu.memref_slice %arg8[%dma_start3A_235] : memref<512xi32, #tpu.memory_space<vmem>> -> memref<32xi32, #tpu.memory_space<vmem>>
        %dma_start3A_237 = arith.constant 0 : i32
        %dma_start3A_238 = arith.constant 0 : i32
        %dma_start3A_239 = tpu.memref_slice %arg2[%dma_start3A_237, %dma_start3A_238] : memref<67584x128xf32, #tpu.memory_space<hbm>> -> memref<67584x128xf32, #tpu.memory_space<hbm>>
        tpu.enqueue_indirect_dma source(%dma_start3A_239 : memref<67584x128xf32, #tpu.memory_space<hbm>>) target(%dma_start3A_234 : memref<32x128xf32, #tpu.memory_space<vmem>>) offsets(%dma_start3A_236 : memref<32xi32, #tpu.memory_space<vmem>>) semaphore(%arg13 : memref<!tpu.dma_semaphore, #tpu.memory_space<semaphore_mem>>)
      } else {
      }
      %gt3A_105 = arith.constant 7 : i32
      %gt3A_106 = arith.cmpi sgt, %select_n3A, %gt3A_105 : i32
      %convert_element_type3A_107 = arith.extui %gt3A_106 : i1 to i32
      %cond3A_108 = arith.constant 0 : i32
      %cond3A_109 = arith.cmpi ne, %convert_element_type3A_107, %cond3A_108 : i32
      scf.if %cond3A_109 {
        %dma_start3A = arith.constant 224 : i32
        %dma_start3A_233 = arith.constant 0 : i32
        %dma_start3A_234 = tpu.memref_slice %arg11[%dma_start3A, %dma_start3A_233] : memref<416x128xf32, #tpu.memory_space<vmem>> -> memref<32x128xf32, #tpu.memory_space<vmem>>
        %dma_start3A_235 = arith.constant 224 : i32
        %dma_start3A_236 = tpu.memref_slice %arg8[%dma_start3A_235] : memref<512xi32, #tpu.memory_space<vmem>> -> memref<32xi32, #tpu.memory_space<vmem>>
        %dma_start3A_237 = arith.constant 0 : i32
        %dma_start3A_238 = arith.constant 0 : i32
        %dma_start3A_239 = tpu.memref_slice %arg2[%dma_start3A_237, %dma_start3A_238] : memref<67584x128xf32, #tpu.memory_space<hbm>> -> memref<67584x128xf32, #tpu.memory_space<hbm>>
        tpu.enqueue_indirect_dma source(%dma_start3A_239 : memref<67584x128xf32, #tpu.memory_space<hbm>>) target(%dma_start3A_234 : memref<32x128xf32, #tpu.memory_space<vmem>>) offsets(%dma_start3A_236 : memref<32xi32, #tpu.memory_space<vmem>>) semaphore(%arg13 : memref<!tpu.dma_semaphore, #tpu.memory_space<semaphore_mem>>)
      } else {
      }
      %gt3A_110 = arith.constant 8 : i32
      %gt3A_111 = arith.cmpi sgt, %select_n3A, %gt3A_110 : i32
      %convert_element_type3A_112 = arith.extui %gt3A_111 : i1 to i32
      %cond3A_113 = arith.constant 0 : i32
      %cond3A_114 = arith.cmpi ne, %convert_element_type3A_112, %cond3A_113 : i32
      scf.if %cond3A_114 {
        %dma_start3A = arith.constant 256 : i32
        %dma_start3A_233 = arith.constant 0 : i32
        %dma_start3A_234 = tpu.memref_slice %arg11[%dma_start3A, %dma_start3A_233] : memref<416x128xf32, #tpu.memory_space<vmem>> -> memref<32x128xf32, #tpu.memory_space<vmem>>
        %dma_start3A_235 = arith.constant 256 : i32
        %dma_start3A_236 = tpu.memref_slice %arg8[%dma_start3A_235] : memref<512xi32, #tpu.memory_space<vmem>> -> memref<32xi32, #tpu.memory_space<vmem>>
        %dma_start3A_237 = arith.constant 0 : i32
        %dma_start3A_238 = arith.constant 0 : i32
        %dma_start3A_239 = tpu.memref_slice %arg2[%dma_start3A_237, %dma_start3A_238] : memref<67584x128xf32, #tpu.memory_space<hbm>> -> memref<67584x128xf32, #tpu.memory_space<hbm>>
        tpu.enqueue_indirect_dma source(%dma_start3A_239 : memref<67584x128xf32, #tpu.memory_space<hbm>>) target(%dma_start3A_234 : memref<32x128xf32, #tpu.memory_space<vmem>>) offsets(%dma_start3A_236 : memref<32xi32, #tpu.memory_space<vmem>>) semaphore(%arg13 : memref<!tpu.dma_semaphore, #tpu.memory_space<semaphore_mem>>)
      } else {
      }
      %gt3A_115 = arith.constant 9 : i32
      %gt3A_116 = arith.cmpi sgt, %select_n3A, %gt3A_115 : i32
      %convert_element_type3A_117 = arith.extui %gt3A_116 : i1 to i32
      %cond3A_118 = arith.constant 0 : i32
      %cond3A_119 = arith.cmpi ne, %convert_element_type3A_117, %cond3A_118 : i32
      scf.if %cond3A_119 {
        %dma_start3A = arith.constant 288 : i32
        %dma_start3A_233 = arith.constant 0 : i32
        %dma_start3A_234 = tpu.memref_slice %arg11[%dma_start3A, %dma_start3A_233] : memref<416x128xf32, #tpu.memory_space<vmem>> -> memref<32x128xf32, #tpu.memory_space<vmem>>
        %dma_start3A_235 = arith.constant 288 : i32
        %dma_start3A_236 = tpu.memref_slice %arg8[%dma_start3A_235] : memref<512xi32, #tpu.memory_space<vmem>> -> memref<32xi32, #tpu.memory_space<vmem>>
        %dma_start3A_237 = arith.constant 0 : i32
        %dma_start3A_238 = arith.constant 0 : i32
        %dma_start3A_239 = tpu.memref_slice %arg2[%dma_start3A_237, %dma_start3A_238] : memref<67584x128xf32, #tpu.memory_space<hbm>> -> memref<67584x128xf32, #tpu.memory_space<hbm>>
        tpu.enqueue_indirect_dma source(%dma_start3A_239 : memref<67584x128xf32, #tpu.memory_space<hbm>>) target(%dma_start3A_234 : memref<32x128xf32, #tpu.memory_space<vmem>>) offsets(%dma_start3A_236 : memref<32xi32, #tpu.memory_space<vmem>>) semaphore(%arg13 : memref<!tpu.dma_semaphore, #tpu.memory_space<semaphore_mem>>)
      } else {
      }
      %gt3A_120 = arith.constant 10 : i32
      %gt3A_121 = arith.cmpi sgt, %select_n3A, %gt3A_120 : i32
      %convert_element_type3A_122 = arith.extui %gt3A_121 : i1 to i32
      %cond3A_123 = arith.constant 0 : i32
      %cond3A_124 = arith.cmpi ne, %convert_element_type3A_122, %cond3A_123 : i32
      scf.if %cond3A_124 {
        %dma_start3A = arith.constant 320 : i32
        %dma_start3A_233 = arith.constant 0 : i32
        %dma_start3A_234 = tpu.memref_slice %arg11[%dma_start3A, %dma_start3A_233] : memref<416x128xf32, #tpu.memory_space<vmem>> -> memref<32x128xf32, #tpu.memory_space<vmem>>
        %dma_start3A_235 = arith.constant 320 : i32
        %dma_start3A_236 = tpu.memref_slice %arg8[%dma_start3A_235] : memref<512xi32, #tpu.memory_space<vmem>> -> memref<32xi32, #tpu.memory_space<vmem>>
        %dma_start3A_237 = arith.constant 0 : i32
        %dma_start3A_238 = arith.constant 0 : i32
        %dma_start3A_239 = tpu.memref_slice %arg2[%dma_start3A_237, %dma_start3A_238] : memref<67584x128xf32, #tpu.memory_space<hbm>> -> memref<67584x128xf32, #tpu.memory_space<hbm>>
        tpu.enqueue_indirect_dma source(%dma_start3A_239 : memref<67584x128xf32, #tpu.memory_space<hbm>>) target(%dma_start3A_234 : memref<32x128xf32, #tpu.memory_space<vmem>>) offsets(%dma_start3A_236 : memref<32xi32, #tpu.memory_space<vmem>>) semaphore(%arg13 : memref<!tpu.dma_semaphore, #tpu.memory_space<semaphore_mem>>)
      } else {
      }
      %gt3A_125 = arith.constant 11 : i32
      %gt3A_126 = arith.cmpi sgt, %select_n3A, %gt3A_125 : i32
      %convert_element_type3A_127 = arith.extui %gt3A_126 : i1 to i32
      %cond3A_128 = arith.constant 0 : i32
      %cond3A_129 = arith.cmpi ne, %convert_element_type3A_127, %cond3A_128 : i32
      scf.if %cond3A_129 {
        %dma_start3A = arith.constant 352 : i32
        %dma_start3A_233 = arith.constant 0 : i32
        %dma_start3A_234 = tpu.memref_slice %arg11[%dma_start3A, %dma_start3A_233] : memref<416x128xf32, #tpu.memory_space<vmem>> -> memref<32x128xf32, #tpu.memory_space<vmem>>
        %dma_start3A_235 = arith.constant 352 : i32
        %dma_start3A_236 = tpu.memref_slice %arg8[%dma_start3A_235] : memref<512xi32, #tpu.memory_space<vmem>> -> memref<32xi32, #tpu.memory_space<vmem>>
        %dma_start3A_237 = arith.constant 0 : i32
        %dma_start3A_238 = arith.constant 0 : i32
        %dma_start3A_239 = tpu.memref_slice %arg2[%dma_start3A_237, %dma_start3A_238] : memref<67584x128xf32, #tpu.memory_space<hbm>> -> memref<67584x128xf32, #tpu.memory_space<hbm>>
        tpu.enqueue_indirect_dma source(%dma_start3A_239 : memref<67584x128xf32, #tpu.memory_space<hbm>>) target(%dma_start3A_234 : memref<32x128xf32, #tpu.memory_space<vmem>>) offsets(%dma_start3A_236 : memref<32xi32, #tpu.memory_space<vmem>>) semaphore(%arg13 : memref<!tpu.dma_semaphore, #tpu.memory_space<semaphore_mem>>)
      } else {
      }
      %gt3A_130 = arith.constant 12 : i32
      %gt3A_131 = arith.cmpi sgt, %select_n3A, %gt3A_130 : i32
      %convert_element_type3A_132 = arith.extui %gt3A_131 : i1 to i32
      %cond3A_133 = arith.constant 0 : i32
      %cond3A_134 = arith.cmpi ne, %convert_element_type3A_132, %cond3A_133 : i32
      scf.if %cond3A_134 {
        %dma_start3A = arith.constant 384 : i32
        %dma_start3A_233 = arith.constant 0 : i32
        %dma_start3A_234 = tpu.memref_slice %arg11[%dma_start3A, %dma_start3A_233] : memref<416x128xf32, #tpu.memory_space<vmem>> -> memref<32x128xf32, #tpu.memory_space<vmem>>
        %dma_start3A_235 = arith.constant 384 : i32
        %dma_start3A_236 = tpu.memref_slice %arg8[%dma_start3A_235] : memref<512xi32, #tpu.memory_space<vmem>> -> memref<32xi32, #tpu.memory_space<vmem>>
        %dma_start3A_237 = arith.constant 0 : i32
        %dma_start3A_238 = arith.constant 0 : i32
        %dma_start3A_239 = tpu.memref_slice %arg2[%dma_start3A_237, %dma_start3A_238] : memref<67584x128xf32, #tpu.memory_space<hbm>> -> memref<67584x128xf32, #tpu.memory_space<hbm>>
        tpu.enqueue_indirect_dma source(%dma_start3A_239 : memref<67584x128xf32, #tpu.memory_space<hbm>>) target(%dma_start3A_234 : memref<32x128xf32, #tpu.memory_space<vmem>>) offsets(%dma_start3A_236 : memref<32xi32, #tpu.memory_space<vmem>>) semaphore(%arg13 : memref<!tpu.dma_semaphore, #tpu.memory_space<semaphore_mem>>)
      } else {
      }
      %gt3A_135 = arith.constant 0 : i32
      %gt3A_136 = arith.cmpi sgt, %select_n3A, %gt3A_135 : i32
      %convert_element_type3A_137 = arith.extui %gt3A_136 : i1 to i32
      %cond3A_138 = arith.constant 0 : i32
      %cond3A_139 = arith.cmpi ne, %convert_element_type3A_137, %cond3A_138 : i32
      scf.if %cond3A_139 {
        %dma_wait3A = arith.constant 0 : i32
        %dma_wait3A_233 = arith.constant 0 : i32
        %dma_wait3A_234 = tpu.memref_slice %arg11[%dma_wait3A, %dma_wait3A_233] : memref<416x128xf32, #tpu.memory_space<vmem>> -> memref<32x128xf32, #tpu.memory_space<vmem>>
        %dma_wait3A_235 = arith.constant 0 : i32
        %dma_wait3A_236 = tpu.memref_slice %arg8[%dma_wait3A_235] : memref<512xi32, #tpu.memory_space<vmem>> -> memref<32xi32, #tpu.memory_space<vmem>>
        %dma_wait3A_237 = arith.constant 0 : i32
        %dma_wait3A_238 = arith.constant 0 : i32
        %dma_wait3A_239 = tpu.memref_slice %arg2[%dma_wait3A_237, %dma_wait3A_238] : memref<67584x128xf32, #tpu.memory_space<hbm>> -> memref<67584x128xf32, #tpu.memory_space<hbm>>
        tpu.wait_indirect_dma semaphore(%arg13 : memref<!tpu.dma_semaphore, #tpu.memory_space<semaphore_mem>>) src(%dma_wait3A_239 : memref<67584x128xf32, #tpu.memory_space<hbm>>) dst(%dma_wait3A_234 : memref<32x128xf32, #tpu.memory_space<vmem>>)
      } else {
      }
      %gt3A_140 = arith.constant 1 : i32
      %gt3A_141 = arith.cmpi sgt, %select_n3A, %gt3A_140 : i32
      %convert_element_type3A_142 = arith.extui %gt3A_141 : i1 to i32
      %cond3A_143 = arith.constant 0 : i32
      %cond3A_144 = arith.cmpi ne, %convert_element_type3A_142, %cond3A_143 : i32
      scf.if %cond3A_144 {
        %dma_wait3A = arith.constant 32 : i32
        %dma_wait3A_233 = arith.constant 0 : i32
        %dma_wait3A_234 = tpu.memref_slice %arg11[%dma_wait3A, %dma_wait3A_233] : memref<416x128xf32, #tpu.memory_space<vmem>> -> memref<32x128xf32, #tpu.memory_space<vmem>>
        %dma_wait3A_235 = arith.constant 32 : i32
        %dma_wait3A_236 = tpu.memref_slice %arg8[%dma_wait3A_235] : memref<512xi32, #tpu.memory_space<vmem>> -> memref<32xi32, #tpu.memory_space<vmem>>
        %dma_wait3A_237 = arith.constant 0 : i32
        %dma_wait3A_238 = arith.constant 0 : i32
        %dma_wait3A_239 = tpu.memref_slice %arg2[%dma_wait3A_237, %dma_wait3A_238] : memref<67584x128xf32, #tpu.memory_space<hbm>> -> memref<67584x128xf32, #tpu.memory_space<hbm>>
        tpu.wait_indirect_dma semaphore(%arg13 : memref<!tpu.dma_semaphore, #tpu.memory_space<semaphore_mem>>) src(%dma_wait3A_239 : memref<67584x128xf32, #tpu.memory_space<hbm>>) dst(%dma_wait3A_234 : memref<32x128xf32, #tpu.memory_space<vmem>>)
      } else {
      }
      %gt3A_145 = arith.constant 2 : i32
      %gt3A_146 = arith.cmpi sgt, %select_n3A, %gt3A_145 : i32
      %convert_element_type3A_147 = arith.extui %gt3A_146 : i1 to i32
      %cond3A_148 = arith.constant 0 : i32
      %cond3A_149 = arith.cmpi ne, %convert_element_type3A_147, %cond3A_148 : i32
      scf.if %cond3A_149 {
        %dma_wait3A = arith.constant 64 : i32
        %dma_wait3A_233 = arith.constant 0 : i32
        %dma_wait3A_234 = tpu.memref_slice %arg11[%dma_wait3A, %dma_wait3A_233] : memref<416x128xf32, #tpu.memory_space<vmem>> -> memref<32x128xf32, #tpu.memory_space<vmem>>
        %dma_wait3A_235 = arith.constant 64 : i32
        %dma_wait3A_236 = tpu.memref_slice %arg8[%dma_wait3A_235] : memref<512xi32, #tpu.memory_space<vmem>> -> memref<32xi32, #tpu.memory_space<vmem>>
        %dma_wait3A_237 = arith.constant 0 : i32
        %dma_wait3A_238 = arith.constant 0 : i32
        %dma_wait3A_239 = tpu.memref_slice %arg2[%dma_wait3A_237, %dma_wait3A_238] : memref<67584x128xf32, #tpu.memory_space<hbm>> -> memref<67584x128xf32, #tpu.memory_space<hbm>>
        tpu.wait_indirect_dma semaphore(%arg13 : memref<!tpu.dma_semaphore, #tpu.memory_space<semaphore_mem>>) src(%dma_wait3A_239 : memref<67584x128xf32, #tpu.memory_space<hbm>>) dst(%dma_wait3A_234 : memref<32x128xf32, #tpu.memory_space<vmem>>)
      } else {
      }
      %gt3A_150 = arith.constant 3 : i32
      %gt3A_151 = arith.cmpi sgt, %select_n3A, %gt3A_150 : i32
      %convert_element_type3A_152 = arith.extui %gt3A_151 : i1 to i32
      %cond3A_153 = arith.constant 0 : i32
      %cond3A_154 = arith.cmpi ne, %convert_element_type3A_152, %cond3A_153 : i32
      scf.if %cond3A_154 {
        %dma_wait3A = arith.constant 96 : i32
        %dma_wait3A_233 = arith.constant 0 : i32
        %dma_wait3A_234 = tpu.memref_slice %arg11[%dma_wait3A, %dma_wait3A_233] : memref<416x128xf32, #tpu.memory_space<vmem>> -> memref<32x128xf32, #tpu.memory_space<vmem>>
        %dma_wait3A_235 = arith.constant 96 : i32
        %dma_wait3A_236 = tpu.memref_slice %arg8[%dma_wait3A_235] : memref<512xi32, #tpu.memory_space<vmem>> -> memref<32xi32, #tpu.memory_space<vmem>>
        %dma_wait3A_237 = arith.constant 0 : i32
        %dma_wait3A_238 = arith.constant 0 : i32
        %dma_wait3A_239 = tpu.memref_slice %arg2[%dma_wait3A_237, %dma_wait3A_238] : memref<67584x128xf32, #tpu.memory_space<hbm>> -> memref<67584x128xf32, #tpu.memory_space<hbm>>
        tpu.wait_indirect_dma semaphore(%arg13 : memref<!tpu.dma_semaphore, #tpu.memory_space<semaphore_mem>>) src(%dma_wait3A_239 : memref<67584x128xf32, #tpu.memory_space<hbm>>) dst(%dma_wait3A_234 : memref<32x128xf32, #tpu.memory_space<vmem>>)
      } else {
      }
      %gt3A_155 = arith.constant 4 : i32
      %gt3A_156 = arith.cmpi sgt, %select_n3A, %gt3A_155 : i32
      %convert_element_type3A_157 = arith.extui %gt3A_156 : i1 to i32
      %cond3A_158 = arith.constant 0 : i32
      %cond3A_159 = arith.cmpi ne, %convert_element_type3A_157, %cond3A_158 : i32
      scf.if %cond3A_159 {
        %dma_wait3A = arith.constant 128 : i32
        %dma_wait3A_233 = arith.constant 0 : i32
        %dma_wait3A_234 = tpu.memref_slice %arg11[%dma_wait3A, %dma_wait3A_233] : memref<416x128xf32, #tpu.memory_space<vmem>> -> memref<32x128xf32, #tpu.memory_space<vmem>>
        %dma_wait3A_235 = arith.constant 128 : i32
        %dma_wait3A_236 = tpu.memref_slice %arg8[%dma_wait3A_235] : memref<512xi32, #tpu.memory_space<vmem>> -> memref<32xi32, #tpu.memory_space<vmem>>
        %dma_wait3A_237 = arith.constant 0 : i32
        %dma_wait3A_238 = arith.constant 0 : i32
        %dma_wait3A_239 = tpu.memref_slice %arg2[%dma_wait3A_237, %dma_wait3A_238] : memref<67584x128xf32, #tpu.memory_space<hbm>> -> memref<67584x128xf32, #tpu.memory_space<hbm>>
        tpu.wait_indirect_dma semaphore(%arg13 : memref<!tpu.dma_semaphore, #tpu.memory_space<semaphore_mem>>) src(%dma_wait3A_239 : memref<67584x128xf32, #tpu.memory_space<hbm>>) dst(%dma_wait3A_234 : memref<32x128xf32, #tpu.memory_space<vmem>>)
      } else {
      }
      %gt3A_160 = arith.constant 5 : i32
      %gt3A_161 = arith.cmpi sgt, %select_n3A, %gt3A_160 : i32
      %convert_element_type3A_162 = arith.extui %gt3A_161 : i1 to i32
      %cond3A_163 = arith.constant 0 : i32
      %cond3A_164 = arith.cmpi ne, %convert_element_type3A_162, %cond3A_163 : i32
      scf.if %cond3A_164 {
        %dma_wait3A = arith.constant 160 : i32
        %dma_wait3A_233 = arith.constant 0 : i32
        %dma_wait3A_234 = tpu.memref_slice %arg11[%dma_wait3A, %dma_wait3A_233] : memref<416x128xf32, #tpu.memory_space<vmem>> -> memref<32x128xf32, #tpu.memory_space<vmem>>
        %dma_wait3A_235 = arith.constant 160 : i32
        %dma_wait3A_236 = tpu.memref_slice %arg8[%dma_wait3A_235] : memref<512xi32, #tpu.memory_space<vmem>> -> memref<32xi32, #tpu.memory_space<vmem>>
        %dma_wait3A_237 = arith.constant 0 : i32
        %dma_wait3A_238 = arith.constant 0 : i32
        %dma_wait3A_239 = tpu.memref_slice %arg2[%dma_wait3A_237, %dma_wait3A_238] : memref<67584x128xf32, #tpu.memory_space<hbm>> -> memref<67584x128xf32, #tpu.memory_space<hbm>>
        tpu.wait_indirect_dma semaphore(%arg13 : memref<!tpu.dma_semaphore, #tpu.memory_space<semaphore_mem>>) src(%dma_wait3A_239 : memref<67584x128xf32, #tpu.memory_space<hbm>>) dst(%dma_wait3A_234 : memref<32x128xf32, #tpu.memory_space<vmem>>)
      } else {
      }
      %gt3A_165 = arith.constant 6 : i32
      %gt3A_166 = arith.cmpi sgt, %select_n3A, %gt3A_165 : i32
      %convert_element_type3A_167 = arith.extui %gt3A_166 : i1 to i32
      %cond3A_168 = arith.constant 0 : i32
      %cond3A_169 = arith.cmpi ne, %convert_element_type3A_167, %cond3A_168 : i32
      scf.if %cond3A_169 {
        %dma_wait3A = arith.constant 192 : i32
        %dma_wait3A_233 = arith.constant 0 : i32
        %dma_wait3A_234 = tpu.memref_slice %arg11[%dma_wait3A, %dma_wait3A_233] : memref<416x128xf32, #tpu.memory_space<vmem>> -> memref<32x128xf32, #tpu.memory_space<vmem>>
        %dma_wait3A_235 = arith.constant 192 : i32
        %dma_wait3A_236 = tpu.memref_slice %arg8[%dma_wait3A_235] : memref<512xi32, #tpu.memory_space<vmem>> -> memref<32xi32, #tpu.memory_space<vmem>>
        %dma_wait3A_237 = arith.constant 0 : i32
        %dma_wait3A_238 = arith.constant 0 : i32
        %dma_wait3A_239 = tpu.memref_slice %arg2[%dma_wait3A_237, %dma_wait3A_238] : memref<67584x128xf32, #tpu.memory_space<hbm>> -> memref<67584x128xf32, #tpu.memory_space<hbm>>
        tpu.wait_indirect_dma semaphore(%arg13 : memref<!tpu.dma_semaphore, #tpu.memory_space<semaphore_mem>>) src(%dma_wait3A_239 : memref<67584x128xf32, #tpu.memory_space<hbm>>) dst(%dma_wait3A_234 : memref<32x128xf32, #tpu.memory_space<vmem>>)
      } else {
      }
      %gt3A_170 = arith.constant 7 : i32
      %gt3A_171 = arith.cmpi sgt, %select_n3A, %gt3A_170 : i32
      %convert_element_type3A_172 = arith.extui %gt3A_171 : i1 to i32
      %cond3A_173 = arith.constant 0 : i32
      %cond3A_174 = arith.cmpi ne, %convert_element_type3A_172, %cond3A_173 : i32
      scf.if %cond3A_174 {
        %dma_wait3A = arith.constant 224 : i32
        %dma_wait3A_233 = arith.constant 0 : i32
        %dma_wait3A_234 = tpu.memref_slice %arg11[%dma_wait3A, %dma_wait3A_233] : memref<416x128xf32, #tpu.memory_space<vmem>> -> memref<32x128xf32, #tpu.memory_space<vmem>>
        %dma_wait3A_235 = arith.constant 224 : i32
        %dma_wait3A_236 = tpu.memref_slice %arg8[%dma_wait3A_235] : memref<512xi32, #tpu.memory_space<vmem>> -> memref<32xi32, #tpu.memory_space<vmem>>
        %dma_wait3A_237 = arith.constant 0 : i32
        %dma_wait3A_238 = arith.constant 0 : i32
        %dma_wait3A_239 = tpu.memref_slice %arg2[%dma_wait3A_237, %dma_wait3A_238] : memref<67584x128xf32, #tpu.memory_space<hbm>> -> memref<67584x128xf32, #tpu.memory_space<hbm>>
        tpu.wait_indirect_dma semaphore(%arg13 : memref<!tpu.dma_semaphore, #tpu.memory_space<semaphore_mem>>) src(%dma_wait3A_239 : memref<67584x128xf32, #tpu.memory_space<hbm>>) dst(%dma_wait3A_234 : memref<32x128xf32, #tpu.memory_space<vmem>>)
      } else {
      }
      %gt3A_175 = arith.constant 8 : i32
      %gt3A_176 = arith.cmpi sgt, %select_n3A, %gt3A_175 : i32
      %convert_element_type3A_177 = arith.extui %gt3A_176 : i1 to i32
      %cond3A_178 = arith.constant 0 : i32
      %cond3A_179 = arith.cmpi ne, %convert_element_type3A_177, %cond3A_178 : i32
      scf.if %cond3A_179 {
        %dma_wait3A = arith.constant 256 : i32
        %dma_wait3A_233 = arith.constant 0 : i32
        %dma_wait3A_234 = tpu.memref_slice %arg11[%dma_wait3A, %dma_wait3A_233] : memref<416x128xf32, #tpu.memory_space<vmem>> -> memref<32x128xf32, #tpu.memory_space<vmem>>
        %dma_wait3A_235 = arith.constant 256 : i32
        %dma_wait3A_236 = tpu.memref_slice %arg8[%dma_wait3A_235] : memref<512xi32, #tpu.memory_space<vmem>> -> memref<32xi32, #tpu.memory_space<vmem>>
        %dma_wait3A_237 = arith.constant 0 : i32
        %dma_wait3A_238 = arith.constant 0 : i32
        %dma_wait3A_239 = tpu.memref_slice %arg2[%dma_wait3A_237, %dma_wait3A_238] : memref<67584x128xf32, #tpu.memory_space<hbm>> -> memref<67584x128xf32, #tpu.memory_space<hbm>>
        tpu.wait_indirect_dma semaphore(%arg13 : memref<!tpu.dma_semaphore, #tpu.memory_space<semaphore_mem>>) src(%dma_wait3A_239 : memref<67584x128xf32, #tpu.memory_space<hbm>>) dst(%dma_wait3A_234 : memref<32x128xf32, #tpu.memory_space<vmem>>)
      } else {
      }
      %gt3A_180 = arith.constant 9 : i32
      %gt3A_181 = arith.cmpi sgt, %select_n3A, %gt3A_180 : i32
      %convert_element_type3A_182 = arith.extui %gt3A_181 : i1 to i32
      %cond3A_183 = arith.constant 0 : i32
      %cond3A_184 = arith.cmpi ne, %convert_element_type3A_182, %cond3A_183 : i32
      scf.if %cond3A_184 {
        %dma_wait3A = arith.constant 288 : i32
        %dma_wait3A_233 = arith.constant 0 : i32
        %dma_wait3A_234 = tpu.memref_slice %arg11[%dma_wait3A, %dma_wait3A_233] : memref<416x128xf32, #tpu.memory_space<vmem>> -> memref<32x128xf32, #tpu.memory_space<vmem>>
        %dma_wait3A_235 = arith.constant 288 : i32
        %dma_wait3A_236 = tpu.memref_slice %arg8[%dma_wait3A_235] : memref<512xi32, #tpu.memory_space<vmem>> -> memref<32xi32, #tpu.memory_space<vmem>>
        %dma_wait3A_237 = arith.constant 0 : i32
        %dma_wait3A_238 = arith.constant 0 : i32
        %dma_wait3A_239 = tpu.memref_slice %arg2[%dma_wait3A_237, %dma_wait3A_238] : memref<67584x128xf32, #tpu.memory_space<hbm>> -> memref<67584x128xf32, #tpu.memory_space<hbm>>
        tpu.wait_indirect_dma semaphore(%arg13 : memref<!tpu.dma_semaphore, #tpu.memory_space<semaphore_mem>>) src(%dma_wait3A_239 : memref<67584x128xf32, #tpu.memory_space<hbm>>) dst(%dma_wait3A_234 : memref<32x128xf32, #tpu.memory_space<vmem>>)
      } else {
      }
      %gt3A_185 = arith.constant 10 : i32
      %gt3A_186 = arith.cmpi sgt, %select_n3A, %gt3A_185 : i32
      %convert_element_type3A_187 = arith.extui %gt3A_186 : i1 to i32
      %cond3A_188 = arith.constant 0 : i32
      %cond3A_189 = arith.cmpi ne, %convert_element_type3A_187, %cond3A_188 : i32
      scf.if %cond3A_189 {
        %dma_wait3A = arith.constant 320 : i32
        %dma_wait3A_233 = arith.constant 0 : i32
        %dma_wait3A_234 = tpu.memref_slice %arg11[%dma_wait3A, %dma_wait3A_233] : memref<416x128xf32, #tpu.memory_space<vmem>> -> memref<32x128xf32, #tpu.memory_space<vmem>>
        %dma_wait3A_235 = arith.constant 320 : i32
        %dma_wait3A_236 = tpu.memref_slice %arg8[%dma_wait3A_235] : memref<512xi32, #tpu.memory_space<vmem>> -> memref<32xi32, #tpu.memory_space<vmem>>
        %dma_wait3A_237 = arith.constant 0 : i32
        %dma_wait3A_238 = arith.constant 0 : i32
        %dma_wait3A_239 = tpu.memref_slice %arg2[%dma_wait3A_237, %dma_wait3A_238] : memref<67584x128xf32, #tpu.memory_space<hbm>> -> memref<67584x128xf32, #tpu.memory_space<hbm>>
        tpu.wait_indirect_dma semaphore(%arg13 : memref<!tpu.dma_semaphore, #tpu.memory_space<semaphore_mem>>) src(%dma_wait3A_239 : memref<67584x128xf32, #tpu.memory_space<hbm>>) dst(%dma_wait3A_234 : memref<32x128xf32, #tpu.memory_space<vmem>>)
      } else {
      }
      %gt3A_190 = arith.constant 11 : i32
      %gt3A_191 = arith.cmpi sgt, %select_n3A, %gt3A_190 : i32
      %convert_element_type3A_192 = arith.extui %gt3A_191 : i1 to i32
      %cond3A_193 = arith.constant 0 : i32
      %cond3A_194 = arith.cmpi ne, %convert_element_type3A_192, %cond3A_193 : i32
      scf.if %cond3A_194 {
        %dma_wait3A = arith.constant 352 : i32
        %dma_wait3A_233 = arith.constant 0 : i32
        %dma_wait3A_234 = tpu.memref_slice %arg11[%dma_wait3A, %dma_wait3A_233] : memref<416x128xf32, #tpu.memory_space<vmem>> -> memref<32x128xf32, #tpu.memory_space<vmem>>
        %dma_wait3A_235 = arith.constant 352 : i32
        %dma_wait3A_236 = tpu.memref_slice %arg8[%dma_wait3A_235] : memref<512xi32, #tpu.memory_space<vmem>> -> memref<32xi32, #tpu.memory_space<vmem>>
        %dma_wait3A_237 = arith.constant 0 : i32
        %dma_wait3A_238 = arith.constant 0 : i32
        %dma_wait3A_239 = tpu.memref_slice %arg2[%dma_wait3A_237, %dma_wait3A_238] : memref<67584x128xf32, #tpu.memory_space<hbm>> -> memref<67584x128xf32, #tpu.memory_space<hbm>>
        tpu.wait_indirect_dma semaphore(%arg13 : memref<!tpu.dma_semaphore, #tpu.memory_space<semaphore_mem>>) src(%dma_wait3A_239 : memref<67584x128xf32, #tpu.memory_space<hbm>>) dst(%dma_wait3A_234 : memref<32x128xf32, #tpu.memory_space<vmem>>)
      } else {
      }
      %gt3A_195 = arith.constant 12 : i32
      %gt3A_196 = arith.cmpi sgt, %select_n3A, %gt3A_195 : i32
      %convert_element_type3A_197 = arith.extui %gt3A_196 : i1 to i32
      %cond3A_198 = arith.constant 0 : i32
      %cond3A_199 = arith.cmpi ne, %convert_element_type3A_197, %cond3A_198 : i32
      scf.if %cond3A_199 {
        %dma_wait3A = arith.constant 384 : i32
        %dma_wait3A_233 = arith.constant 0 : i32
        %dma_wait3A_234 = tpu.memref_slice %arg11[%dma_wait3A, %dma_wait3A_233] : memref<416x128xf32, #tpu.memory_space<vmem>> -> memref<32x128xf32, #tpu.memory_space<vmem>>
        %dma_wait3A_235 = arith.constant 384 : i32
        %dma_wait3A_236 = tpu.memref_slice %arg8[%dma_wait3A_235] : memref<512xi32, #tpu.memory_space<vmem>> -> memref<32xi32, #tpu.memory_space<vmem>>
        %dma_wait3A_237 = arith.constant 0 : i32
        %dma_wait3A_238 = arith.constant 0 : i32
        %dma_wait3A_239 = tpu.memref_slice %arg2[%dma_wait3A_237, %dma_wait3A_238] : memref<67584x128xf32, #tpu.memory_space<hbm>> -> memref<67584x128xf32, #tpu.memory_space<hbm>>
        tpu.wait_indirect_dma semaphore(%arg13 : memref<!tpu.dma_semaphore, #tpu.memory_space<semaphore_mem>>) src(%dma_wait3A_239 : memref<67584x128xf32, #tpu.memory_space<hbm>>) dst(%dma_wait3A_234 : memref<32x128xf32, #tpu.memory_space<vmem>>)
      } else {
      }
      %jit3A_200 = arith.constant 4 : i32
      %div3A_201 = arith.divsi %scan3A_40, %jit3A_200 : i32
      %sign3A_202 = arith.constant 0 : i32
      %sign3A_203 = arith.cmpi sgt, %scan3A_40, %sign3A_202 : i32
      %sign3A_204 = arith.extui %sign3A_203 : i1 to i32
      %sign3A_205 = arith.constant 0 : i32
      %sign3A_206 = arith.cmpi slt, %scan3A_40, %sign3A_205 : i32
      %sign3A_207 = arith.extui %sign3A_206 : i1 to i32
      %sign3A_208 = arith.subi %sign3A_204, %sign3A_207 : i32
      %sign3A_209 = arith.constant 0 : i32
      %sign3A_210 = arith.cmpi sgt, %jit3A_200, %sign3A_209 : i32
      %sign3A_211 = arith.extui %sign3A_210 : i1 to i32
      %sign3A_212 = arith.constant 0 : i32
      %sign3A_213 = arith.cmpi slt, %jit3A_200, %sign3A_212 : i32
      %sign3A_214 = arith.extui %sign3A_213 : i1 to i32
      %sign3A_215 = arith.subi %sign3A_211, %sign3A_214 : i32
      %ne3A_216 = arith.cmpi ne, %sign3A_208, %sign3A_215 : i32
      %rem3A_217 = arith.remsi %scan3A_40, %jit3A_200 : i32
      %ne3A_218 = arith.constant 0 : i32
      %ne3A_219 = arith.cmpi ne, %rem3A_217, %ne3A_218 : i32
      %and3A_220 = arith.andi %ne3A_216, %ne3A_219 : i1
      %sub3A_221 = arith.constant 1 : i32
      %sub3A_222 = arith.subi %div3A_201, %sub3A_221 : i32
      %select_n3A_223 = arith.select %and3A_220, %sub3A_222, %div3A_201 : i32
      %while3A = arith.constant 0 : i32
      %while3A_224 = arith.constant 0 : i32
      %while3A_225 = arith.subi %select_n3A_223, %while3A_224 : i32
      %while3A_226 = arith.addi %while3A_224, %while3A_225 : i32
      %while3A_227 = arith.constant 1 : i32
      %while3A_228 = arith.divsi %while3A_225, %while3A_227 : i32
      %while3A_229 = arith.muli %while3A_228, %while3A_227 : i32
      %while3A_230 = arith.addi %while3A_224, %while3A_229 : i32
      %while3A_231 = arith.constant 1 : i32
      scf.for %while3A_233 = %while3A_224 to %while3A_230 step %while3A_231  : i32 {
        %mul3A_234 = arith.constant 4 : i32
        %mul3A_235 = arith.muli %mul3A_234, %while3A_233 : i32
        %get3A = arith.index_cast %mul3A_235 : i32 to index
        %get3A_236 = tpu.vector_load %arg10[%get3A] {strides = array<i32>} : memref<512xi32, #tpu.memory_space<vmem>>, vector<16xi32>,
        %get3A_237 = vector.shape_cast %get3A_236 : vector<16xi32> to vector<16xi32>
        %slice3A = vector.extract_strided_slice %get3A_237 {offsets = [0], sizes = [1], strides = [1]} : vector<16xi32> to vector<1xi32>
        %squeeze3A = vector.extract %slice3A[0] : i32 from vector<1xi32>
        %mul3A_238 = arith.constant 4 : i32
        %mul3A_239 = arith.muli %mul3A_238, %while3A_233 : i32
        %get3A_240 = arith.index_cast %mul3A_239 : i32 to index
        %get3A_241 = tpu.vector_load %arg9[%get3A_240] {strides = array<i32>} : memref<512xf32, #tpu.memory_space<vmem>>, vector<16xf32>,
        %get3A_242 = vector.shape_cast %get3A_241 : vector<16xf32> to vector<16xf32>
        %get3A_243 = arith.index_cast %squeeze3A : i32 to index
        %get3A_244 = arith.constant 0 : index
        %get3A_245 = tpu.vector_load %arg12[%get3A_243, %get3A_244] {strides = array<i32>} : memref<104x80xf32, #tpu.memory_space<vmem>>, vector<1x16xf32>,
        %get3A_246 = vector.shape_cast %get3A_245 : vector<1x16xf32> to vector<16xf32>
        %slice3A_247 = vector.extract_strided_slice %get3A_242 {offsets = [0], sizes = [1], strides = [1]} : vector<16xf32> to vector<1xf32>
        %squeeze3A_248 = vector.extract %slice3A_247[0] : f32 from vector<1xf32>
        %mul3A_249 = arith.constant 4 : i32
        %mul3A_250 = arith.muli %mul3A_249, %while3A_233 : i32
        %get3A_251 = arith.index_cast %mul3A_250 : i32 to index
        %get3A_252 = arith.constant 0 : index
        %get3A_253 = tpu.vector_load %arg11[%get3A_251, %get3A_252] {strides = array<i32>} : memref<416x128xf32, #tpu.memory_space<vmem>>, vector<1x16xf32>,
        %get3A_254 = vector.shape_cast %get3A_253 : vector<1x16xf32> to vector<16xf32>
        %mul3A_255 = vector.broadcast %squeeze3A_248 : f32 to vector<16xf32>
        %mul3A_256 = arith.mulf %mul3A_255, %get3A_254 : vector<16xf32>
        %add3A_257 = arith.addf %get3A_246, %mul3A_256 : vector<16xf32>
        %slice3A_258 = vector.extract_strided_slice %get3A_242 {offsets = [1], sizes = [1], strides = [1]} : vector<16xf32> to vector<1xf32>
        %squeeze3A_259 = vector.extract %slice3A_258[0] : f32 from vector<1xf32>
        %mul3A_260 = arith.constant 4 : i32
        %mul3A_261 = arith.muli %mul3A_260, %while3A_233 : i32
        %add3A_262 = arith.constant 1 : i32
        %add3A_263 = arith.addi %mul3A_261, %add3A_262 : i32
        %get3A_264 = arith.index_cast %add3A_263 : i32 to index
        %get3A_265 = arith.constant 0 : index
        %get3A_266 = tpu.vector_load %arg11[%get3A_264, %get3A_265] {strides = array<i32>} : memref<416x128xf32, #tpu.memory_space<vmem>>, vector<1x16xf32>,
        %get3A_267 = vector.shape_cast %get3A_266 : vector<1x16xf32> to vector<16xf32>
        %mul3A_268 = vector.broadcast %squeeze3A_259 : f32 to vector<16xf32>
        %mul3A_269 = arith.mulf %mul3A_268, %get3A_267 : vector<16xf32>
        %add3A_270 = arith.addf %add3A_257, %mul3A_269 : vector<16xf32>
        %slice3A_271 = vector.extract_strided_slice %get3A_242 {offsets = [2], sizes = [1], strides = [1]} : vector<16xf32> to vector<1xf32>
        %squeeze3A_272 = vector.extract %slice3A_271[0] : f32 from vector<1xf32>
        %mul3A_273 = arith.constant 4 : i32
        %mul3A_274 = arith.muli %mul3A_273, %while3A_233 : i32
        %add3A_275 = arith.constant 2 : i32
        %add3A_276 = arith.addi %mul3A_274, %add3A_275 : i32
        %get3A_277 = arith.index_cast %add3A_276 : i32 to index
        %get3A_278 = arith.constant 0 : index
        %get3A_279 = tpu.vector_load %arg11[%get3A_277, %get3A_278] {strides = array<i32>} : memref<416x128xf32, #tpu.memory_space<vmem>>, vector<1x16xf32>,
        %get3A_280 = vector.shape_cast %get3A_279 : vector<1x16xf32> to vector<16xf32>
        %mul3A_281 = vector.broadcast %squeeze3A_272 : f32 to vector<16xf32>
        %mul3A_282 = arith.mulf %mul3A_281, %get3A_280 : vector<16xf32>
        %add3A_283 = arith.addf %add3A_270, %mul3A_282 : vector<16xf32>
        %slice3A_284 = vector.extract_strided_slice %get3A_242 {offsets = [3], sizes = [1], strides = [1]} : vector<16xf32> to vector<1xf32>
        %squeeze3A_285 = vector.extract %slice3A_284[0] : f32 from vector<1xf32>
        %mul3A_286 = arith.constant 4 : i32
        %mul3A_287 = arith.muli %mul3A_286, %while3A_233 : i32
        %add3A_288 = arith.constant 3 : i32
        %add3A_289 = arith.addi %mul3A_287, %add3A_288 : i32
        %get3A_290 = arith.index_cast %add3A_289 : i32 to index
        %get3A_291 = arith.constant 0 : index
        %get3A_292 = tpu.vector_load %arg11[%get3A_290, %get3A_291] {strides = array<i32>} : memref<416x128xf32, #tpu.memory_space<vmem>>, vector<1x16xf32>,
        %get3A_293 = vector.shape_cast %get3A_292 : vector<1x16xf32> to vector<16xf32>
        %mul3A_294 = vector.broadcast %squeeze3A_285 : f32 to vector<16xf32>
        %mul3A_295 = arith.mulf %mul3A_294, %get3A_293 : vector<16xf32>
        %add3A_296 = arith.addf %add3A_283, %mul3A_295 : vector<16xf32>
        %swap3A_297 = arith.index_cast %squeeze3A : i32 to index
        %swap3A_298 = arith.constant 0 : index
        %swap3A_299 = tpu.vector_load %arg12[%swap3A_297, %swap3A_298] {strides = array<i32>} : memref<104x80xf32, #tpu.memory_space<vmem>>, vector<1x16xf32>,
        %swap3A_300 = vector.shape_cast %swap3A_299 : vector<1x16xf32> to vector<16xf32>
        %swap3A_301 = vector.shape_cast %add3A_296 : vector<16xf32> to vector<1x16xf32>
        tpu.vector_store %arg12[%swap3A_297, %swap3A_298], %swap3A_301 {strides = array<i32>} : memref<104x80xf32, #tpu.memory_space<vmem>>, vector<1x16xf32>,
        %get3A_302 = arith.index_cast %squeeze3A : i32 to index
        %get3A_303 = arith.constant 16 : index
        %get3A_304 = tpu.vector_load %arg12[%get3A_302, %get3A_303] {strides = array<i32>} : memref<104x80xf32, #tpu.memory_space<vmem>>, vector<1x16xf32>,
        %get3A_305 = vector.shape_cast %get3A_304 : vector<1x16xf32> to vector<16xf32>
        %slice3A_306 = vector.extract_strided_slice %get3A_242 {offsets = [0], sizes = [1], strides = [1]} : vector<16xf32> to vector<1xf32>
        %squeeze3A_307 = vector.extract %slice3A_306[0] : f32 from vector<1xf32>
        %mul3A_308 = arith.constant 4 : i32
        %mul3A_309 = arith.muli %mul3A_308, %while3A_233 : i32
        %get3A_310 = arith.index_cast %mul3A_309 : i32 to index
        %get3A_311 = arith.constant 16 : index
        %get3A_312 = tpu.vector_load %arg11[%get3A_310, %get3A_311] {strides = array<i32>} : memref<416x128xf32, #tpu.memory_space<vmem>>, vector<1x16xf32>,
        %get3A_313 = vector.shape_cast %get3A_312 : vector<1x16xf32> to vector<16xf32>
        %mul3A_314 = vector.broadcast %squeeze3A_307 : f32 to vector<16xf32>
        %mul3A_315 = arith.mulf %mul3A_314, %get3A_313 : vector<16xf32>
        %add3A_316 = arith.addf %get3A_305, %mul3A_315 : vector<16xf32>
        %slice3A_317 = vector.extract_strided_slice %get3A_242 {offsets = [1], sizes = [1], strides = [1]} : vector<16xf32> to vector<1xf32>
        %squeeze3A_318 = vector.extract %slice3A_317[0] : f32 from vector<1xf32>
        %mul3A_319 = arith.constant 4 : i32
        %mul3A_320 = arith.muli %mul3A_319, %while3A_233 : i32
        %add3A_321 = arith.constant 1 : i32
        %add3A_322 = arith.addi %mul3A_320, %add3A_321 : i32
        %get3A_323 = arith.index_cast %add3A_322 : i32 to index
        %get3A_324 = arith.constant 16 : index
        %get3A_325 = tpu.vector_load %arg11[%get3A_323, %get3A_324] {strides = array<i32>} : memref<416x128xf32, #tpu.memory_space<vmem>>, vector<1x16xf32>,
        %get3A_326 = vector.shape_cast %get3A_325 : vector<1x16xf32> to vector<16xf32>
        %mul3A_327 = vector.broadcast %squeeze3A_318 : f32 to vector<16xf32>
        %mul3A_328 = arith.mulf %mul3A_327, %get3A_326 : vector<16xf32>
        %add3A_329 = arith.addf %add3A_316, %mul3A_328 : vector<16xf32>
        %slice3A_330 = vector.extract_strided_slice %get3A_242 {offsets = [2], sizes = [1], strides = [1]} : vector<16xf32> to vector<1xf32>
        %squeeze3A_331 = vector.extract %slice3A_330[0] : f32 from vector<1xf32>
        %mul3A_332 = arith.constant 4 : i32
        %mul3A_333 = arith.muli %mul3A_332, %while3A_233 : i32
        %add3A_334 = arith.constant 2 : i32
        %add3A_335 = arith.addi %mul3A_333, %add3A_334 : i32
        %get3A_336 = arith.index_cast %add3A_335 : i32 to index
        %get3A_337 = arith.constant 16 : index
        %get3A_338 = tpu.vector_load %arg11[%get3A_336, %get3A_337] {strides = array<i32>} : memref<416x128xf32, #tpu.memory_space<vmem>>, vector<1x16xf32>,
        %get3A_339 = vector.shape_cast %get3A_338 : vector<1x16xf32> to vector<16xf32>
        %mul3A_340 = vector.broadcast %squeeze3A_331 : f32 to vector<16xf32>
        %mul3A_341 = arith.mulf %mul3A_340, %get3A_339 : vector<16xf32>
        %add3A_342 = arith.addf %add3A_329, %mul3A_341 : vector<16xf32>
        %slice3A_343 = vector.extract_strided_slice %get3A_242 {offsets = [3], sizes = [1], strides = [1]} : vector<16xf32> to vector<1xf32>
        %squeeze3A_344 = vector.extract %slice3A_343[0] : f32 from vector<1xf32>
        %mul3A_345 = arith.constant 4 : i32
        %mul3A_346 = arith.muli %mul3A_345, %while3A_233 : i32
        %add3A_347 = arith.constant 3 : i32
        %add3A_348 = arith.addi %mul3A_346, %add3A_347 : i32
        %get3A_349 = arith.index_cast %add3A_348 : i32 to index
        %get3A_350 = arith.constant 16 : index
        %get3A_351 = tpu.vector_load %arg11[%get3A_349, %get3A_350] {strides = array<i32>} : memref<416x128xf32, #tpu.memory_space<vmem>>, vector<1x16xf32>,
        %get3A_352 = vector.shape_cast %get3A_351 : vector<1x16xf32> to vector<16xf32>
        %mul3A_353 = vector.broadcast %squeeze3A_344 : f32 to vector<16xf32>
        %mul3A_354 = arith.mulf %mul3A_353, %get3A_352 : vector<16xf32>
        %add3A_355 = arith.addf %add3A_342, %mul3A_354 : vector<16xf32>
        %swap3A_356 = arith.index_cast %squeeze3A : i32 to index
        %swap3A_357 = arith.constant 16 : index
        %swap3A_358 = tpu.vector_load %arg12[%swap3A_356, %swap3A_357] {strides = array<i32>} : memref<104x80xf32, #tpu.memory_space<vmem>>, vector<1x16xf32>,
        %swap3A_359 = vector.shape_cast %swap3A_358 : vector<1x16xf32> to vector<16xf32>
        %swap3A_360 = vector.shape_cast %add3A_355 : vector<16xf32> to vector<1x16xf32>
        tpu.vector_store %arg12[%swap3A_356, %swap3A_357], %swap3A_360 {strides = array<i32>} : memref<104x80xf32, #tpu.memory_space<vmem>>, vector<1x16xf32>,
        %get3A_361 = arith.index_cast %squeeze3A : i32 to index
        %get3A_362 = arith.constant 32 : index
        %get3A_363 = tpu.vector_load %arg12[%get3A_361, %get3A_362] {strides = array<i32>} : memref<104x80xf32, #tpu.memory_space<vmem>>, vector<1x16xf32>,
        %get3A_364 = vector.shape_cast %get3A_363 : vector<1x16xf32> to vector<16xf32>
        %slice3A_365 = vector.extract_strided_slice %get3A_242 {offsets = [0], sizes = [1], strides = [1]} : vector<16xf32> to vector<1xf32>
        %squeeze3A_366 = vector.extract %slice3A_365[0] : f32 from vector<1xf32>
        %mul3A_367 = arith.constant 4 : i32
        %mul3A_368 = arith.muli %mul3A_367, %while3A_233 : i32
        %get3A_369 = arith.index_cast %mul3A_368 : i32 to index
        %get3A_370 = arith.constant 32 : index
        %get3A_371 = tpu.vector_load %arg11[%get3A_369, %get3A_370] {strides = array<i32>} : memref<416x128xf32, #tpu.memory_space<vmem>>, vector<1x16xf32>,
        %get3A_372 = vector.shape_cast %get3A_371 : vector<1x16xf32> to vector<16xf32>
        %mul3A_373 = vector.broadcast %squeeze3A_366 : f32 to vector<16xf32>
        %mul3A_374 = arith.mulf %mul3A_373, %get3A_372 : vector<16xf32>
        %add3A_375 = arith.addf %get3A_364, %mul3A_374 : vector<16xf32>
        %slice3A_376 = vector.extract_strided_slice %get3A_242 {offsets = [1], sizes = [1], strides = [1]} : vector<16xf32> to vector<1xf32>
        %squeeze3A_377 = vector.extract %slice3A_376[0] : f32 from vector<1xf32>
        %mul3A_378 = arith.constant 4 : i32
        %mul3A_379 = arith.muli %mul3A_378, %while3A_233 : i32
        %add3A_380 = arith.constant 1 : i32
        %add3A_381 = arith.addi %mul3A_379, %add3A_380 : i32
        %get3A_382 = arith.index_cast %add3A_381 : i32 to index
        %get3A_383 = arith.constant 32 : index
        %get3A_384 = tpu.vector_load %arg11[%get3A_382, %get3A_383] {strides = array<i32>} : memref<416x128xf32, #tpu.memory_space<vmem>>, vector<1x16xf32>,
        %get3A_385 = vector.shape_cast %get3A_384 : vector<1x16xf32> to vector<16xf32>
        %mul3A_386 = vector.broadcast %squeeze3A_377 : f32 to vector<16xf32>
        %mul3A_387 = arith.mulf %mul3A_386, %get3A_385 : vector<16xf32>
        %add3A_388 = arith.addf %add3A_375, %mul3A_387 : vector<16xf32>
        %slice3A_389 = vector.extract_strided_slice %get3A_242 {offsets = [2], sizes = [1], strides = [1]} : vector<16xf32> to vector<1xf32>
        %squeeze3A_390 = vector.extract %slice3A_389[0] : f32 from vector<1xf32>
        %mul3A_391 = arith.constant 4 : i32
        %mul3A_392 = arith.muli %mul3A_391, %while3A_233 : i32
        %add3A_393 = arith.constant 2 : i32
        %add3A_394 = arith.addi %mul3A_392, %add3A_393 : i32
        %get3A_395 = arith.index_cast %add3A_394 : i32 to index
        %get3A_396 = arith.constant 32 : index
        %get3A_397 = tpu.vector_load %arg11[%get3A_395, %get3A_396] {strides = array<i32>} : memref<416x128xf32, #tpu.memory_space<vmem>>, vector<1x16xf32>,
        %get3A_398 = vector.shape_cast %get3A_397 : vector<1x16xf32> to vector<16xf32>
        %mul3A_399 = vector.broadcast %squeeze3A_390 : f32 to vector<16xf32>
        %mul3A_400 = arith.mulf %mul3A_399, %get3A_398 : vector<16xf32>
        %add3A_401 = arith.addf %add3A_388, %mul3A_400 : vector<16xf32>
        %slice3A_402 = vector.extract_strided_slice %get3A_242 {offsets = [3], sizes = [1], strides = [1]} : vector<16xf32> to vector<1xf32>
        %squeeze3A_403 = vector.extract %slice3A_402[0] : f32 from vector<1xf32>
        %mul3A_404 = arith.constant 4 : i32
        %mul3A_405 = arith.muli %mul3A_404, %while3A_233 : i32
        %add3A_406 = arith.constant 3 : i32
        %add3A_407 = arith.addi %mul3A_405, %add3A_406 : i32
        %get3A_408 = arith.index_cast %add3A_407 : i32 to index
        %get3A_409 = arith.constant 32 : index
        %get3A_410 = tpu.vector_load %arg11[%get3A_408, %get3A_409] {strides = array<i32>} : memref<416x128xf32, #tpu.memory_space<vmem>>, vector<1x16xf32>,
        %get3A_411 = vector.shape_cast %get3A_410 : vector<1x16xf32> to vector<16xf32>
        %mul3A_412 = vector.broadcast %squeeze3A_403 : f32 to vector<16xf32>
        %mul3A_413 = arith.mulf %mul3A_412, %get3A_411 : vector<16xf32>
        %add3A_414 = arith.addf %add3A_401, %mul3A_413 : vector<16xf32>
        %swap3A_415 = arith.index_cast %squeeze3A : i32 to index
        %swap3A_416 = arith.constant 32 : index
        %swap3A_417 = tpu.vector_load %arg12[%swap3A_415, %swap3A_416] {strides = array<i32>} : memref<104x80xf32, #tpu.memory_space<vmem>>, vector<1x16xf32>,
        %swap3A_418 = vector.shape_cast %swap3A_417 : vector<1x16xf32> to vector<16xf32>
        %swap3A_419 = vector.shape_cast %add3A_414 : vector<16xf32> to vector<1x16xf32>
        tpu.vector_store %arg12[%swap3A_415, %swap3A_416], %swap3A_419 {strides = array<i32>} : memref<104x80xf32, #tpu.memory_space<vmem>>, vector<1x16xf32>,
        %get3A_420 = arith.index_cast %squeeze3A : i32 to index
        %get3A_421 = arith.constant 48 : index
        %get3A_422 = tpu.vector_load %arg12[%get3A_420, %get3A_421] {strides = array<i32>} : memref<104x80xf32, #tpu.memory_space<vmem>>, vector<1x16xf32>,
        %get3A_423 = vector.shape_cast %get3A_422 : vector<1x16xf32> to vector<16xf32>
        %slice3A_424 = vector.extract_strided_slice %get3A_242 {offsets = [0], sizes = [1], strides = [1]} : vector<16xf32> to vector<1xf32>
        %squeeze3A_425 = vector.extract %slice3A_424[0] : f32 from vector<1xf32>
        %mul3A_426 = arith.constant 4 : i32
        %mul3A_427 = arith.muli %mul3A_426, %while3A_233 : i32
        %get3A_428 = arith.index_cast %mul3A_427 : i32 to index
        %get3A_429 = arith.constant 48 : index
        %get3A_430 = tpu.vector_load %arg11[%get3A_428, %get3A_429] {strides = array<i32>} : memref<416x128xf32, #tpu.memory_space<vmem>>, vector<1x16xf32>,
        %get3A_431 = vector.shape_cast %get3A_430 : vector<1x16xf32> to vector<16xf32>
        %mul3A_432 = vector.broadcast %squeeze3A_425 : f32 to vector<16xf32>
        %mul3A_433 = arith.mulf %mul3A_432, %get3A_431 : vector<16xf32>
        %add3A_434 = arith.addf %get3A_423, %mul3A_433 : vector<16xf32>
        %slice3A_435 = vector.extract_strided_slice %get3A_242 {offsets = [1], sizes = [1], strides = [1]} : vector<16xf32> to vector<1xf32>
        %squeeze3A_436 = vector.extract %slice3A_435[0] : f32 from vector<1xf32>
        %mul3A_437 = arith.constant 4 : i32
        %mul3A_438 = arith.muli %mul3A_437, %while3A_233 : i32
        %add3A_439 = arith.constant 1 : i32
        %add3A_440 = arith.addi %mul3A_438, %add3A_439 : i32
        %get3A_441 = arith.index_cast %add3A_440 : i32 to index
        %get3A_442 = arith.constant 48 : index
        %get3A_443 = tpu.vector_load %arg11[%get3A_441, %get3A_442] {strides = array<i32>} : memref<416x128xf32, #tpu.memory_space<vmem>>, vector<1x16xf32>,
        %get3A_444 = vector.shape_cast %get3A_443 : vector<1x16xf32> to vector<16xf32>
        %mul3A_445 = vector.broadcast %squeeze3A_436 : f32 to vector<16xf32>
        %mul3A_446 = arith.mulf %mul3A_445, %get3A_444 : vector<16xf32>
        %add3A_447 = arith.addf %add3A_434, %mul3A_446 : vector<16xf32>
        %slice3A_448 = vector.extract_strided_slice %get3A_242 {offsets = [2], sizes = [1], strides = [1]} : vector<16xf32> to vector<1xf32>
        %squeeze3A_449 = vector.extract %slice3A_448[0] : f32 from vector<1xf32>
        %mul3A_450 = arith.constant 4 : i32
        %mul3A_451 = arith.muli %mul3A_450, %while3A_233 : i32
        %add3A_452 = arith.constant 2 : i32
        %add3A_453 = arith.addi %mul3A_451, %add3A_452 : i32
        %get3A_454 = arith.index_cast %add3A_453 : i32 to index
        %get3A_455 = arith.constant 48 : index
        %get3A_456 = tpu.vector_load %arg11[%get3A_454, %get3A_455] {strides = array<i32>} : memref<416x128xf32, #tpu.memory_space<vmem>>, vector<1x16xf32>,
        %get3A_457 = vector.shape_cast %get3A_456 : vector<1x16xf32> to vector<16xf32>
        %mul3A_458 = vector.broadcast %squeeze3A_449 : f32 to vector<16xf32>
        %mul3A_459 = arith.mulf %mul3A_458, %get3A_457 : vector<16xf32>
        %add3A_460 = arith.addf %add3A_447, %mul3A_459 : vector<16xf32>
        %slice3A_461 = vector.extract_strided_slice %get3A_242 {offsets = [3], sizes = [1], strides = [1]} : vector<16xf32> to vector<1xf32>
        %squeeze3A_462 = vector.extract %slice3A_461[0] : f32 from vector<1xf32>
        %mul3A_463 = arith.constant 4 : i32
        %mul3A_464 = arith.muli %mul3A_463, %while3A_233 : i32
        %add3A_465 = arith.constant 3 : i32
        %add3A_466 = arith.addi %mul3A_464, %add3A_465 : i32
        %get3A_467 = arith.index_cast %add3A_466 : i32 to index
        %get3A_468 = arith.constant 48 : index
        %get3A_469 = tpu.vector_load %arg11[%get3A_467, %get3A_468] {strides = array<i32>} : memref<416x128xf32, #tpu.memory_space<vmem>>, vector<1x16xf32>,
        %get3A_470 = vector.shape_cast %get3A_469 : vector<1x16xf32> to vector<16xf32>
        %mul3A_471 = vector.broadcast %squeeze3A_462 : f32 to vector<16xf32>
        %mul3A_472 = arith.mulf %mul3A_471, %get3A_470 : vector<16xf32>
        %add3A_473 = arith.addf %add3A_460, %mul3A_472 : vector<16xf32>
        %swap3A_474 = arith.index_cast %squeeze3A : i32 to index
        %swap3A_475 = arith.constant 48 : index
        %swap3A_476 = tpu.vector_load %arg12[%swap3A_474, %swap3A_475] {strides = array<i32>} : memref<104x80xf32, #tpu.memory_space<vmem>>, vector<1x16xf32>,
        %swap3A_477 = vector.shape_cast %swap3A_476 : vector<1x16xf32> to vector<16xf32>
        %swap3A_478 = vector.shape_cast %add3A_473 : vector<16xf32> to vector<1x16xf32>
        tpu.vector_store %arg12[%swap3A_474, %swap3A_475], %swap3A_478 {strides = array<i32>} : memref<104x80xf32, #tpu.memory_space<vmem>>, vector<1x16xf32>,
        %get3A_479 = arith.index_cast %squeeze3A : i32 to index
        %get3A_480 = arith.constant 64 : index
        %get3A_481 = tpu.vector_load %arg12[%get3A_479, %get3A_480] {strides = array<i32>} : memref<104x80xf32, #tpu.memory_space<vmem>>, vector<1x16xf32>,
        %get3A_482 = vector.shape_cast %get3A_481 : vector<1x16xf32> to vector<16xf32>
        %slice3A_483 = vector.extract_strided_slice %get3A_242 {offsets = [0], sizes = [1], strides = [1]} : vector<16xf32> to vector<1xf32>
        %squeeze3A_484 = vector.extract %slice3A_483[0] : f32 from vector<1xf32>
        %mul3A_485 = arith.constant 4 : i32
        %mul3A_486 = arith.muli %mul3A_485, %while3A_233 : i32
        %get3A_487 = arith.index_cast %mul3A_486 : i32 to index
        %get3A_488 = arith.constant 64 : index
        %get3A_489 = tpu.vector_load %arg11[%get3A_487, %get3A_488] {strides = array<i32>} : memref<416x128xf32, #tpu.memory_space<vmem>>, vector<1x16xf32>,
        %get3A_490 = vector.shape_cast %get3A_489 : vector<1x16xf32> to vector<16xf32>
        %mul3A_491 = vector.broadcast %squeeze3A_484 : f32 to vector<16xf32>
        %mul3A_492 = arith.mulf %mul3A_491, %get3A_490 : vector<16xf32>
        %add3A_493 = arith.addf %get3A_482, %mul3A_492 : vector<16xf32>
        %slice3A_494 = vector.extract_strided_slice %get3A_242 {offsets = [1], sizes = [1], strides = [1]} : vector<16xf32> to vector<1xf32>
        %squeeze3A_495 = vector.extract %slice3A_494[0] : f32 from vector<1xf32>
        %mul3A_496 = arith.constant 4 : i32
        %mul3A_497 = arith.muli %mul3A_496, %while3A_233 : i32
        %add3A_498 = arith.constant 1 : i32
        %add3A_499 = arith.addi %mul3A_497, %add3A_498 : i32
        %get3A_500 = arith.index_cast %add3A_499 : i32 to index
        %get3A_501 = arith.constant 64 : index
        %get3A_502 = tpu.vector_load %arg11[%get3A_500, %get3A_501] {strides = array<i32>} : memref<416x128xf32, #tpu.memory_space<vmem>>, vector<1x16xf32>,
        %get3A_503 = vector.shape_cast %get3A_502 : vector<1x16xf32> to vector<16xf32>
        %mul3A_504 = vector.broadcast %squeeze3A_495 : f32 to vector<16xf32>
        %mul3A_505 = arith.mulf %mul3A_504, %get3A_503 : vector<16xf32>
        %add3A_506 = arith.addf %add3A_493, %mul3A_505 : vector<16xf32>
        %slice3A_507 = vector.extract_strided_slice %get3A_242 {offsets = [2], sizes = [1], strides = [1]} : vector<16xf32> to vector<1xf32>
        %squeeze3A_508 = vector.extract %slice3A_507[0] : f32 from vector<1xf32>
        %mul3A_509 = arith.constant 4 : i32
        %mul3A_510 = arith.muli %mul3A_509, %while3A_233 : i32
        %add3A_511 = arith.constant 2 : i32
        %add3A_512 = arith.addi %mul3A_510, %add3A_511 : i32
        %get3A_513 = arith.index_cast %add3A_512 : i32 to index
        %get3A_514 = arith.constant 64 : index
        %get3A_515 = tpu.vector_load %arg11[%get3A_513, %get3A_514] {strides = array<i32>} : memref<416x128xf32, #tpu.memory_space<vmem>>, vector<1x16xf32>,
        %get3A_516 = vector.shape_cast %get3A_515 : vector<1x16xf32> to vector<16xf32>
        %mul3A_517 = vector.broadcast %squeeze3A_508 : f32 to vector<16xf32>
        %mul3A_518 = arith.mulf %mul3A_517, %get3A_516 : vector<16xf32>
        %add3A_519 = arith.addf %add3A_506, %mul3A_518 : vector<16xf32>
        %slice3A_520 = vector.extract_strided_slice %get3A_242 {offsets = [3], sizes = [1], strides = [1]} : vector<16xf32> to vector<1xf32>
        %squeeze3A_521 = vector.extract %slice3A_520[0] : f32 from vector<1xf32>
        %mul3A_522 = arith.constant 4 : i32
        %mul3A_523 = arith.muli %mul3A_522, %while3A_233 : i32
        %add3A_524 = arith.constant 3 : i32
        %add3A_525 = arith.addi %mul3A_523, %add3A_524 : i32
        %get3A_526 = arith.index_cast %add3A_525 : i32 to index
        %get3A_527 = arith.constant 64 : index
        %get3A_528 = tpu.vector_load %arg11[%get3A_526, %get3A_527] {strides = array<i32>} : memref<416x128xf32, #tpu.memory_space<vmem>>, vector<1x16xf32>,
        %get3A_529 = vector.shape_cast %get3A_528 : vector<1x16xf32> to vector<16xf32>
        %mul3A_530 = vector.broadcast %squeeze3A_521 : f32 to vector<16xf32>
        %mul3A_531 = arith.mulf %mul3A_530, %get3A_529 : vector<16xf32>
        %add3A_532 = arith.addf %add3A_519, %mul3A_531 : vector<16xf32>
        %swap3A_533 = arith.index_cast %squeeze3A : i32 to index
        %swap3A_534 = arith.constant 64 : index
        %swap3A_535 = tpu.vector_load %arg12[%swap3A_533, %swap3A_534] {strides = array<i32>} : memref<104x80xf32, #tpu.memory_space<vmem>>, vector<1x16xf32>,
        %swap3A_536 = vector.shape_cast %swap3A_535 : vector<1x16xf32> to vector<16xf32>
        %swap3A_537 = vector.shape_cast %add3A_532 : vector<16xf32> to vector<1x16xf32>
        tpu.vector_store %arg12[%swap3A_533, %swap3A_534], %swap3A_537 {strides = array<i32>} : memref<104x80xf32, #tpu.memory_space<vmem>>, vector<1x16xf32>,
      }
      %while3A_232 = arith.constant 1 : i32
      scf.for %while3A_233 = %while3A_230 to %while3A_226 step %while3A_232  : i32 {
        %mul3A_234 = arith.constant 4 : i32
        %mul3A_235 = arith.muli %mul3A_234, %while3A_233 : i32
        %get3A = arith.index_cast %mul3A_235 : i32 to index
        %get3A_236 = tpu.vector_load %arg10[%get3A] {strides = array<i32>} : memref<512xi32, #tpu.memory_space<vmem>>, vector<16xi32>,
        %get3A_237 = vector.shape_cast %get3A_236 : vector<16xi32> to vector<16xi32>
        %slice3A = vector.extract_strided_slice %get3A_237 {offsets = [0], sizes = [1], strides = [1]} : vector<16xi32> to vector<1xi32>
        %squeeze3A = vector.extract %slice3A[0] : i32 from vector<1xi32>
        %mul3A_238 = arith.constant 4 : i32
        %mul3A_239 = arith.muli %mul3A_238, %while3A_233 : i32
        %get3A_240 = arith.index_cast %mul3A_239 : i32 to index
        %get3A_241 = tpu.vector_load %arg9[%get3A_240] {strides = array<i32>} : memref<512xf32, #tpu.memory_space<vmem>>, vector<16xf32>,
        %get3A_242 = vector.shape_cast %get3A_241 : vector<16xf32> to vector<16xf32>
        %get3A_243 = arith.index_cast %squeeze3A : i32 to index
        %get3A_244 = arith.constant 0 : index
        %get3A_245 = tpu.vector_load %arg12[%get3A_243, %get3A_244] {strides = array<i32>} : memref<104x80xf32, #tpu.memory_space<vmem>>, vector<1x16xf32>,
        %get3A_246 = vector.shape_cast %get3A_245 : vector<1x16xf32> to vector<16xf32>
        %slice3A_247 = vector.extract_strided_slice %get3A_242 {offsets = [0], sizes = [1], strides = [1]} : vector<16xf32> to vector<1xf32>
        %squeeze3A_248 = vector.extract %slice3A_247[0] : f32 from vector<1xf32>
        %mul3A_249 = arith.constant 4 : i32
        %mul3A_250 = arith.muli %mul3A_249, %while3A_233 : i32
        %get3A_251 = arith.index_cast %mul3A_250 : i32 to index
        %get3A_252 = arith.constant 0 : index
        %get3A_253 = tpu.vector_load %arg11[%get3A_251, %get3A_252] {strides = array<i32>} : memref<416x128xf32, #tpu.memory_space<vmem>>, vector<1x16xf32>,
        %get3A_254 = vector.shape_cast %get3A_253 : vector<1x16xf32> to vector<16xf32>
        %mul3A_255 = vector.broadcast %squeeze3A_248 : f32 to vector<16xf32>
        %mul3A_256 = arith.mulf %mul3A_255, %get3A_254 : vector<16xf32>
        %add3A_257 = arith.addf %get3A_246, %mul3A_256 : vector<16xf32>
        %slice3A_258 = vector.extract_strided_slice %get3A_242 {offsets = [1], sizes = [1], strides = [1]} : vector<16xf32> to vector<1xf32>
        %squeeze3A_259 = vector.extract %slice3A_258[0] : f32 from vector<1xf32>
        %mul3A_260 = arith.constant 4 : i32
        %mul3A_261 = arith.muli %mul3A_260, %while3A_233 : i32
        %add3A_262 = arith.constant 1 : i32
        %add3A_263 = arith.addi %mul3A_261, %add3A_262 : i32
        %get3A_264 = arith.index_cast %add3A_263 : i32 to index
        %get3A_265 = arith.constant 0 : index
        %get3A_266 = tpu.vector_load %arg11[%get3A_264, %get3A_265] {strides = array<i32>} : memref<416x128xf32, #tpu.memory_space<vmem>>, vector<1x16xf32>,
        %get3A_267 = vector.shape_cast %get3A_266 : vector<1x16xf32> to vector<16xf32>
        %mul3A_268 = vector.broadcast %squeeze3A_259 : f32 to vector<16xf32>
        %mul3A_269 = arith.mulf %mul3A_268, %get3A_267 : vector<16xf32>
        %add3A_270 = arith.addf %add3A_257, %mul3A_269 : vector<16xf32>
        %slice3A_271 = vector.extract_strided_slice %get3A_242 {offsets = [2], sizes = [1], strides = [1]} : vector<16xf32> to vector<1xf32>
        %squeeze3A_272 = vector.extract %slice3A_271[0] : f32 from vector<1xf32>
        %mul3A_273 = arith.constant 4 : i32
        %mul3A_274 = arith.muli %mul3A_273, %while3A_233 : i32
        %add3A_275 = arith.constant 2 : i32
        %add3A_276 = arith.addi %mul3A_274, %add3A_275 : i32
        %get3A_277 = arith.index_cast %add3A_276 : i32 to index
        %get3A_278 = arith.constant 0 : index
        %get3A_279 = tpu.vector_load %arg11[%get3A_277, %get3A_278] {strides = array<i32>} : memref<416x128xf32, #tpu.memory_space<vmem>>, vector<1x16xf32>,
        %get3A_280 = vector.shape_cast %get3A_279 : vector<1x16xf32> to vector<16xf32>
        %mul3A_281 = vector.broadcast %squeeze3A_272 : f32 to vector<16xf32>
        %mul3A_282 = arith.mulf %mul3A_281, %get3A_280 : vector<16xf32>
        %add3A_283 = arith.addf %add3A_270, %mul3A_282 : vector<16xf32>
        %slice3A_284 = vector.extract_strided_slice %get3A_242 {offsets = [3], sizes = [1], strides = [1]} : vector<16xf32> to vector<1xf32>
        %squeeze3A_285 = vector.extract %slice3A_284[0] : f32 from vector<1xf32>
        %mul3A_286 = arith.constant 4 : i32
        %mul3A_287 = arith.muli %mul3A_286, %while3A_233 : i32
        %add3A_288 = arith.constant 3 : i32
        %add3A_289 = arith.addi %mul3A_287, %add3A_288 : i32
        %get3A_290 = arith.index_cast %add3A_289 : i32 to index
        %get3A_291 = arith.constant 0 : index
        %get3A_292 = tpu.vector_load %arg11[%get3A_290, %get3A_291] {strides = array<i32>} : memref<416x128xf32, #tpu.memory_space<vmem>>, vector<1x16xf32>,
        %get3A_293 = vector.shape_cast %get3A_292 : vector<1x16xf32> to vector<16xf32>
        %mul3A_294 = vector.broadcast %squeeze3A_285 : f32 to vector<16xf32>
        %mul3A_295 = arith.mulf %mul3A_294, %get3A_293 : vector<16xf32>
        %add3A_296 = arith.addf %add3A_283, %mul3A_295 : vector<16xf32>
        %swap3A_297 = arith.index_cast %squeeze3A : i32 to index
        %swap3A_298 = arith.constant 0 : index
        %swap3A_299 = tpu.vector_load %arg12[%swap3A_297, %swap3A_298] {strides = array<i32>} : memref<104x80xf32, #tpu.memory_space<vmem>>, vector<1x16xf32>,
        %swap3A_300 = vector.shape_cast %swap3A_299 : vector<1x16xf32> to vector<16xf32>
        %swap3A_301 = vector.shape_cast %add3A_296 : vector<16xf32> to vector<1x16xf32>
        tpu.vector_store %arg12[%swap3A_297, %swap3A_298], %swap3A_301 {strides = array<i32>} : memref<104x80xf32, #tpu.memory_space<vmem>>, vector<1x16xf32>,
        %get3A_302 = arith.index_cast %squeeze3A : i32 to index
        %get3A_303 = arith.constant 16 : index
        %get3A_304 = tpu.vector_load %arg12[%get3A_302, %get3A_303] {strides = array<i32>} : memref<104x80xf32, #tpu.memory_space<vmem>>, vector<1x16xf32>,
        %get3A_305 = vector.shape_cast %get3A_304 : vector<1x16xf32> to vector<16xf32>
        %slice3A_306 = vector.extract_strided_slice %get3A_242 {offsets = [0], sizes = [1], strides = [1]} : vector<16xf32> to vector<1xf32>
        %squeeze3A_307 = vector.extract %slice3A_306[0] : f32 from vector<1xf32>
        %mul3A_308 = arith.constant 4 : i32
        %mul3A_309 = arith.muli %mul3A_308, %while3A_233 : i32
        %get3A_310 = arith.index_cast %mul3A_309 : i32 to index
        %get3A_311 = arith.constant 16 : index
        %get3A_312 = tpu.vector_load %arg11[%get3A_310, %get3A_311] {strides = array<i32>} : memref<416x128xf32, #tpu.memory_space<vmem>>, vector<1x16xf32>,
        %get3A_313 = vector.shape_cast %get3A_312 : vector<1x16xf32> to vector<16xf32>
        %mul3A_314 = vector.broadcast %squeeze3A_307 : f32 to vector<16xf32>
        %mul3A_315 = arith.mulf %mul3A_314, %get3A_313 : vector<16xf32>
        %add3A_316 = arith.addf %get3A_305, %mul3A_315 : vector<16xf32>
        %slice3A_317 = vector.extract_strided_slice %get3A_242 {offsets = [1], sizes = [1], strides = [1]} : vector<16xf32> to vector<1xf32>
        %squeeze3A_318 = vector.extract %slice3A_317[0] : f32 from vector<1xf32>
        %mul3A_319 = arith.constant 4 : i32
        %mul3A_320 = arith.muli %mul3A_319, %while3A_233 : i32
        %add3A_321 = arith.constant 1 : i32
        %add3A_322 = arith.addi %mul3A_320, %add3A_321 : i32
        %get3A_323 = arith.index_cast %add3A_322 : i32 to index
        %get3A_324 = arith.constant 16 : index
        %get3A_325 = tpu.vector_load %arg11[%get3A_323, %get3A_324] {strides = array<i32>} : memref<416x128xf32, #tpu.memory_space<vmem>>, vector<1x16xf32>,
        %get3A_326 = vector.shape_cast %get3A_325 : vector<1x16xf32> to vector<16xf32>
        %mul3A_327 = vector.broadcast %squeeze3A_318 : f32 to vector<16xf32>
        %mul3A_328 = arith.mulf %mul3A_327, %get3A_326 : vector<16xf32>
        %add3A_329 = arith.addf %add3A_316, %mul3A_328 : vector<16xf32>
        %slice3A_330 = vector.extract_strided_slice %get3A_242 {offsets = [2], sizes = [1], strides = [1]} : vector<16xf32> to vector<1xf32>
        %squeeze3A_331 = vector.extract %slice3A_330[0] : f32 from vector<1xf32>
        %mul3A_332 = arith.constant 4 : i32
        %mul3A_333 = arith.muli %mul3A_332, %while3A_233 : i32
        %add3A_334 = arith.constant 2 : i32
        %add3A_335 = arith.addi %mul3A_333, %add3A_334 : i32
        %get3A_336 = arith.index_cast %add3A_335 : i32 to index
        %get3A_337 = arith.constant 16 : index
        %get3A_338 = tpu.vector_load %arg11[%get3A_336, %get3A_337] {strides = array<i32>} : memref<416x128xf32, #tpu.memory_space<vmem>>, vector<1x16xf32>,
        %get3A_339 = vector.shape_cast %get3A_338 : vector<1x16xf32> to vector<16xf32>
        %mul3A_340 = vector.broadcast %squeeze3A_331 : f32 to vector<16xf32>
        %mul3A_341 = arith.mulf %mul3A_340, %get3A_339 : vector<16xf32>
        %add3A_342 = arith.addf %add3A_329, %mul3A_341 : vector<16xf32>
        %slice3A_343 = vector.extract_strided_slice %get3A_242 {offsets = [3], sizes = [1], strides = [1]} : vector<16xf32> to vector<1xf32>
        %squeeze3A_344 = vector.extract %slice3A_343[0] : f32 from vector<1xf32>
        %mul3A_345 = arith.constant 4 : i32
        %mul3A_346 = arith.muli %mul3A_345, %while3A_233 : i32
        %add3A_347 = arith.constant 3 : i32
        %add3A_348 = arith.addi %mul3A_346, %add3A_347 : i32
        %get3A_349 = arith.index_cast %add3A_348 : i32 to index
        %get3A_350 = arith.constant 16 : index
        %get3A_351 = tpu.vector_load %arg11[%get3A_349, %get3A_350] {strides = array<i32>} : memref<416x128xf32, #tpu.memory_space<vmem>>, vector<1x16xf32>,
        %get3A_352 = vector.shape_cast %get3A_351 : vector<1x16xf32> to vector<16xf32>
        %mul3A_353 = vector.broadcast %squeeze3A_344 : f32 to vector<16xf32>
        %mul3A_354 = arith.mulf %mul3A_353, %get3A_352 : vector<16xf32>
        %add3A_355 = arith.addf %add3A_342, %mul3A_354 : vector<16xf32>
        %swap3A_356 = arith.index_cast %squeeze3A : i32 to index
        %swap3A_357 = arith.constant 16 : index
        %swap3A_358 = tpu.vector_load %arg12[%swap3A_356, %swap3A_357] {strides = array<i32>} : memref<104x80xf32, #tpu.memory_space<vmem>>, vector<1x16xf32>,
        %swap3A_359 = vector.shape_cast %swap3A_358 : vector<1x16xf32> to vector<16xf32>
        %swap3A_360 = vector.shape_cast %add3A_355 : vector<16xf32> to vector<1x16xf32>
        tpu.vector_store %arg12[%swap3A_356, %swap3A_357], %swap3A_360 {strides = array<i32>} : memref<104x80xf32, #tpu.memory_space<vmem>>, vector<1x16xf32>,
        %get3A_361 = arith.index_cast %squeeze3A : i32 to index
        %get3A_362 = arith.constant 32 : index
        %get3A_363 = tpu.vector_load %arg12[%get3A_361, %get3A_362] {strides = array<i32>} : memref<104x80xf32, #tpu.memory_space<vmem>>, vector<1x16xf32>,
        %get3A_364 = vector.shape_cast %get3A_363 : vector<1x16xf32> to vector<16xf32>
        %slice3A_365 = vector.extract_strided_slice %get3A_242 {offsets = [0], sizes = [1], strides = [1]} : vector<16xf32> to vector<1xf32>
        %squeeze3A_366 = vector.extract %slice3A_365[0] : f32 from vector<1xf32>
        %mul3A_367 = arith.constant 4 : i32
        %mul3A_368 = arith.muli %mul3A_367, %while3A_233 : i32
        %get3A_369 = arith.index_cast %mul3A_368 : i32 to index
        %get3A_370 = arith.constant 32 : index
        %get3A_371 = tpu.vector_load %arg11[%get3A_369, %get3A_370] {strides = array<i32>} : memref<416x128xf32, #tpu.memory_space<vmem>>, vector<1x16xf32>,
        %get3A_372 = vector.shape_cast %get3A_371 : vector<1x16xf32> to vector<16xf32>
        %mul3A_373 = vector.broadcast %squeeze3A_366 : f32 to vector<16xf32>
        %mul3A_374 = arith.mulf %mul3A_373, %get3A_372 : vector<16xf32>
        %add3A_375 = arith.addf %get3A_364, %mul3A_374 : vector<16xf32>
        %slice3A_376 = vector.extract_strided_slice %get3A_242 {offsets = [1], sizes = [1], strides = [1]} : vector<16xf32> to vector<1xf32>
        %squeeze3A_377 = vector.extract %slice3A_376[0] : f32 from vector<1xf32>
        %mul3A_378 = arith.constant 4 : i32
        %mul3A_379 = arith.muli %mul3A_378, %while3A_233 : i32
        %add3A_380 = arith.constant 1 : i32
        %add3A_381 = arith.addi %mul3A_379, %add3A_380 : i32
        %get3A_382 = arith.index_cast %add3A_381 : i32 to index
        %get3A_383 = arith.constant 32 : index
        %get3A_384 = tpu.vector_load %arg11[%get3A_382, %get3A_383] {strides = array<i32>} : memref<416x128xf32, #tpu.memory_space<vmem>>, vector<1x16xf32>,
        %get3A_385 = vector.shape_cast %get3A_384 : vector<1x16xf32> to vector<16xf32>
        %mul3A_386 = vector.broadcast %squeeze3A_377 : f32 to vector<16xf32>
        %mul3A_387 = arith.mulf %mul3A_386, %get3A_385 : vector<16xf32>
        %add3A_388 = arith.addf %add3A_375, %mul3A_387 : vector<16xf32>
        %slice3A_389 = vector.extract_strided_slice %get3A_242 {offsets = [2], sizes = [1], strides = [1]} : vector<16xf32> to vector<1xf32>
        %squeeze3A_390 = vector.extract %slice3A_389[0] : f32 from vector<1xf32>
        %mul3A_391 = arith.constant 4 : i32
        %mul3A_392 = arith.muli %mul3A_391, %while3A_233 : i32
        %add3A_393 = arith.constant 2 : i32
        %add3A_394 = arith.addi %mul3A_392, %add3A_393 : i32
        %get3A_395 = arith.index_cast %add3A_394 : i32 to index
        %get3A_396 = arith.constant 32 : index
        %get3A_397 = tpu.vector_load %arg11[%get3A_395, %get3A_396] {strides = array<i32>} : memref<416x128xf32, #tpu.memory_space<vmem>>, vector<1x16xf32>,
        %get3A_398 = vector.shape_cast %get3A_397 : vector<1x16xf32> to vector<16xf32>
        %mul3A_399 = vector.broadcast %squeeze3A_390 : f32 to vector<16xf32>
        %mul3A_400 = arith.mulf %mul3A_399, %get3A_398 : vector<16xf32>
        %add3A_401 = arith.addf %add3A_388, %mul3A_400 : vector<16xf32>
        %slice3A_402 = vector.extract_strided_slice %get3A_242 {offsets = [3], sizes = [1], strides = [1]} : vector<16xf32> to vector<1xf32>
        %squeeze3A_403 = vector.extract %slice3A_402[0] : f32 from vector<1xf32>
        %mul3A_404 = arith.constant 4 : i32
        %mul3A_405 = arith.muli %mul3A_404, %while3A_233 : i32
        %add3A_406 = arith.constant 3 : i32
        %add3A_407 = arith.addi %mul3A_405, %add3A_406 : i32
        %get3A_408 = arith.index_cast %add3A_407 : i32 to index
        %get3A_409 = arith.constant 32 : index
        %get3A_410 = tpu.vector_load %arg11[%get3A_408, %get3A_409] {strides = array<i32>} : memref<416x128xf32, #tpu.memory_space<vmem>>, vector<1x16xf32>,
        %get3A_411 = vector.shape_cast %get3A_410 : vector<1x16xf32> to vector<16xf32>
        %mul3A_412 = vector.broadcast %squeeze3A_403 : f32 to vector<16xf32>
        %mul3A_413 = arith.mulf %mul3A_412, %get3A_411 : vector<16xf32>
        %add3A_414 = arith.addf %add3A_401, %mul3A_413 : vector<16xf32>
        %swap3A_415 = arith.index_cast %squeeze3A : i32 to index
        %swap3A_416 = arith.constant 32 : index
        %swap3A_417 = tpu.vector_load %arg12[%swap3A_415, %swap3A_416] {strides = array<i32>} : memref<104x80xf32, #tpu.memory_space<vmem>>, vector<1x16xf32>,
        %swap3A_418 = vector.shape_cast %swap3A_417 : vector<1x16xf32> to vector<16xf32>
        %swap3A_419 = vector.shape_cast %add3A_414 : vector<16xf32> to vector<1x16xf32>
        tpu.vector_store %arg12[%swap3A_415, %swap3A_416], %swap3A_419 {strides = array<i32>} : memref<104x80xf32, #tpu.memory_space<vmem>>, vector<1x16xf32>,
        %get3A_420 = arith.index_cast %squeeze3A : i32 to index
        %get3A_421 = arith.constant 48 : index
        %get3A_422 = tpu.vector_load %arg12[%get3A_420, %get3A_421] {strides = array<i32>} : memref<104x80xf32, #tpu.memory_space<vmem>>, vector<1x16xf32>,
        %get3A_423 = vector.shape_cast %get3A_422 : vector<1x16xf32> to vector<16xf32>
        %slice3A_424 = vector.extract_strided_slice %get3A_242 {offsets = [0], sizes = [1], strides = [1]} : vector<16xf32> to vector<1xf32>
        %squeeze3A_425 = vector.extract %slice3A_424[0] : f32 from vector<1xf32>
        %mul3A_426 = arith.constant 4 : i32
        %mul3A_427 = arith.muli %mul3A_426, %while3A_233 : i32
        %get3A_428 = arith.index_cast %mul3A_427 : i32 to index
        %get3A_429 = arith.constant 48 : index
        %get3A_430 = tpu.vector_load %arg11[%get3A_428, %get3A_429] {strides = array<i32>} : memref<416x128xf32, #tpu.memory_space<vmem>>, vector<1x16xf32>,
        %get3A_431 = vector.shape_cast %get3A_430 : vector<1x16xf32> to vector<16xf32>
        %mul3A_432 = vector.broadcast %squeeze3A_425 : f32 to vector<16xf32>
        %mul3A_433 = arith.mulf %mul3A_432, %get3A_431 : vector<16xf32>
        %add3A_434 = arith.addf %get3A_423, %mul3A_433 : vector<16xf32>
        %slice3A_435 = vector.extract_strided_slice %get3A_242 {offsets = [1], sizes = [1], strides = [1]} : vector<16xf32> to vector<1xf32>
        %squeeze3A_436 = vector.extract %slice3A_435[0] : f32 from vector<1xf32>
        %mul3A_437 = arith.constant 4 : i32
        %mul3A_438 = arith.muli %mul3A_437, %while3A_233 : i32
        %add3A_439 = arith.constant 1 : i32
        %add3A_440 = arith.addi %mul3A_438, %add3A_439 : i32
        %get3A_441 = arith.index_cast %add3A_440 : i32 to index
        %get3A_442 = arith.constant 48 : index
        %get3A_443 = tpu.vector_load %arg11[%get3A_441, %get3A_442] {strides = array<i32>} : memref<416x128xf32, #tpu.memory_space<vmem>>, vector<1x16xf32>,
        %get3A_444 = vector.shape_cast %get3A_443 : vector<1x16xf32> to vector<16xf32>
        %mul3A_445 = vector.broadcast %squeeze3A_436 : f32 to vector<16xf32>
        %mul3A_446 = arith.mulf %mul3A_445, %get3A_444 : vector<16xf32>
        %add3A_447 = arith.addf %add3A_434, %mul3A_446 : vector<16xf32>
        %slice3A_448 = vector.extract_strided_slice %get3A_242 {offsets = [2], sizes = [1], strides = [1]} : vector<16xf32> to vector<1xf32>
        %squeeze3A_449 = vector.extract %slice3A_448[0] : f32 from vector<1xf32>
        %mul3A_450 = arith.constant 4 : i32
        %mul3A_451 = arith.muli %mul3A_450, %while3A_233 : i32
        %add3A_452 = arith.constant 2 : i32
        %add3A_453 = arith.addi %mul3A_451, %add3A_452 : i32
        %get3A_454 = arith.index_cast %add3A_453 : i32 to index
        %get3A_455 = arith.constant 48 : index
        %get3A_456 = tpu.vector_load %arg11[%get3A_454, %get3A_455] {strides = array<i32>} : memref<416x128xf32, #tpu.memory_space<vmem>>, vector<1x16xf32>,
        %get3A_457 = vector.shape_cast %get3A_456 : vector<1x16xf32> to vector<16xf32>
        %mul3A_458 = vector.broadcast %squeeze3A_449 : f32 to vector<16xf32>
        %mul3A_459 = arith.mulf %mul3A_458, %get3A_457 : vector<16xf32>
        %add3A_460 = arith.addf %add3A_447, %mul3A_459 : vector<16xf32>
        %slice3A_461 = vector.extract_strided_slice %get3A_242 {offsets = [3], sizes = [1], strides = [1]} : vector<16xf32> to vector<1xf32>
        %squeeze3A_462 = vector.extract %slice3A_461[0] : f32 from vector<1xf32>
        %mul3A_463 = arith.constant 4 : i32
        %mul3A_464 = arith.muli %mul3A_463, %while3A_233 : i32
        %add3A_465 = arith.constant 3 : i32
        %add3A_466 = arith.addi %mul3A_464, %add3A_465 : i32
        %get3A_467 = arith.index_cast %add3A_466 : i32 to index
        %get3A_468 = arith.constant 48 : index
        %get3A_469 = tpu.vector_load %arg11[%get3A_467, %get3A_468] {strides = array<i32>} : memref<416x128xf32, #tpu.memory_space<vmem>>, vector<1x16xf32>,
        %get3A_470 = vector.shape_cast %get3A_469 : vector<1x16xf32> to vector<16xf32>
        %mul3A_471 = vector.broadcast %squeeze3A_462 : f32 to vector<16xf32>
        %mul3A_472 = arith.mulf %mul3A_471, %get3A_470 : vector<16xf32>
        %add3A_473 = arith.addf %add3A_460, %mul3A_472 : vector<16xf32>
        %swap3A_474 = arith.index_cast %squeeze3A : i32 to index
        %swap3A_475 = arith.constant 48 : index
        %swap3A_476 = tpu.vector_load %arg12[%swap3A_474, %swap3A_475] {strides = array<i32>} : memref<104x80xf32, #tpu.memory_space<vmem>>, vector<1x16xf32>,
        %swap3A_477 = vector.shape_cast %swap3A_476 : vector<1x16xf32> to vector<16xf32>
        %swap3A_478 = vector.shape_cast %add3A_473 : vector<16xf32> to vector<1x16xf32>
        tpu.vector_store %arg12[%swap3A_474, %swap3A_475], %swap3A_478 {strides = array<i32>} : memref<104x80xf32, #tpu.memory_space<vmem>>, vector<1x16xf32>,
        %get3A_479 = arith.index_cast %squeeze3A : i32 to index
        %get3A_480 = arith.constant 64 : index
        %get3A_481 = tpu.vector_load %arg12[%get3A_479, %get3A_480] {strides = array<i32>} : memref<104x80xf32, #tpu.memory_space<vmem>>, vector<1x16xf32>,
        %get3A_482 = vector.shape_cast %get3A_481 : vector<1x16xf32> to vector<16xf32>
        %slice3A_483 = vector.extract_strided_slice %get3A_242 {offsets = [0], sizes = [1], strides = [1]} : vector<16xf32> to vector<1xf32>
        %squeeze3A_484 = vector.extract %slice3A_483[0] : f32 from vector<1xf32>
        %mul3A_485 = arith.constant 4 : i32
        %mul3A_486 = arith.muli %mul3A_485, %while3A_233 : i32
        %get3A_487 = arith.index_cast %mul3A_486 : i32 to index
        %get3A_488 = arith.constant 64 : index
        %get3A_489 = tpu.vector_load %arg11[%get3A_487, %get3A_488] {strides = array<i32>} : memref<416x128xf32, #tpu.memory_space<vmem>>, vector<1x16xf32>,
        %get3A_490 = vector.shape_cast %get3A_489 : vector<1x16xf32> to vector<16xf32>
        %mul3A_491 = vector.broadcast %squeeze3A_484 : f32 to vector<16xf32>
        %mul3A_492 = arith.mulf %mul3A_491, %get3A_490 : vector<16xf32>
        %add3A_493 = arith.addf %get3A_482, %mul3A_492 : vector<16xf32>
        %slice3A_494 = vector.extract_strided_slice %get3A_242 {offsets = [1], sizes = [1], strides = [1]} : vector<16xf32> to vector<1xf32>
        %squeeze3A_495 = vector.extract %slice3A_494[0] : f32 from vector<1xf32>
        %mul3A_496 = arith.constant 4 : i32
        %mul3A_497 = arith.muli %mul3A_496, %while3A_233 : i32
        %add3A_498 = arith.constant 1 : i32
        %add3A_499 = arith.addi %mul3A_497, %add3A_498 : i32
        %get3A_500 = arith.index_cast %add3A_499 : i32 to index
        %get3A_501 = arith.constant 64 : index
        %get3A_502 = tpu.vector_load %arg11[%get3A_500, %get3A_501] {strides = array<i32>} : memref<416x128xf32, #tpu.memory_space<vmem>>, vector<1x16xf32>,
        %get3A_503 = vector.shape_cast %get3A_502 : vector<1x16xf32> to vector<16xf32>
        %mul3A_504 = vector.broadcast %squeeze3A_495 : f32 to vector<16xf32>
        %mul3A_505 = arith.mulf %mul3A_504, %get3A_503 : vector<16xf32>
        %add3A_506 = arith.addf %add3A_493, %mul3A_505 : vector<16xf32>
        %slice3A_507 = vector.extract_strided_slice %get3A_242 {offsets = [2], sizes = [1], strides = [1]} : vector<16xf32> to vector<1xf32>
        %squeeze3A_508 = vector.extract %slice3A_507[0] : f32 from vector<1xf32>
        %mul3A_509 = arith.constant 4 : i32
        %mul3A_510 = arith.muli %mul3A_509, %while3A_233 : i32
        %add3A_511 = arith.constant 2 : i32
        %add3A_512 = arith.addi %mul3A_510, %add3A_511 : i32
        %get3A_513 = arith.index_cast %add3A_512 : i32 to index
        %get3A_514 = arith.constant 64 : index
        %get3A_515 = tpu.vector_load %arg11[%get3A_513, %get3A_514] {strides = array<i32>} : memref<416x128xf32, #tpu.memory_space<vmem>>, vector<1x16xf32>,
        %get3A_516 = vector.shape_cast %get3A_515 : vector<1x16xf32> to vector<16xf32>
        %mul3A_517 = vector.broadcast %squeeze3A_508 : f32 to vector<16xf32>
        %mul3A_518 = arith.mulf %mul3A_517, %get3A_516 : vector<16xf32>
        %add3A_519 = arith.addf %add3A_506, %mul3A_518 : vector<16xf32>
        %slice3A_520 = vector.extract_strided_slice %get3A_242 {offsets = [3], sizes = [1], strides = [1]} : vector<16xf32> to vector<1xf32>
        %squeeze3A_521 = vector.extract %slice3A_520[0] : f32 from vector<1xf32>
        %mul3A_522 = arith.constant 4 : i32
        %mul3A_523 = arith.muli %mul3A_522, %while3A_233 : i32
        %add3A_524 = arith.constant 3 : i32
        %add3A_525 = arith.addi %mul3A_523, %add3A_524 : i32
        %get3A_526 = arith.index_cast %add3A_525 : i32 to index
        %get3A_527 = arith.constant 64 : index
        %get3A_528 = tpu.vector_load %arg11[%get3A_526, %get3A_527] {strides = array<i32>} : memref<416x128xf32, #tpu.memory_space<vmem>>, vector<1x16xf32>,
        %get3A_529 = vector.shape_cast %get3A_528 : vector<1x16xf32> to vector<16xf32>
        %mul3A_530 = vector.broadcast %squeeze3A_521 : f32 to vector<16xf32>
        %mul3A_531 = arith.mulf %mul3A_530, %get3A_529 : vector<16xf32>
        %add3A_532 = arith.addf %add3A_519, %mul3A_531 : vector<16xf32>
        %swap3A_533 = arith.index_cast %squeeze3A : i32 to index
        %swap3A_534 = arith.constant 64 : index
        %swap3A_535 = tpu.vector_load %arg12[%swap3A_533, %swap3A_534] {strides = array<i32>} : memref<104x80xf32, #tpu.memory_space<vmem>>, vector<1x16xf32>,
        %swap3A_536 = vector.shape_cast %swap3A_535 : vector<1x16xf32> to vector<16xf32>
        %swap3A_537 = vector.shape_cast %add3A_532 : vector<16xf32> to vector<1x16xf32>
        tpu.vector_store %arg12[%swap3A_533, %swap3A_534], %swap3A_537 {strides = array<i32>} : memref<104x80xf32, #tpu.memory_space<vmem>>, vector<1x16xf32>,
      }
      "tpu.region"() ({
        %run_scoped3A = tpu.sem_alloc : memref<!tpu.dma_semaphore, #tpu.memory_space<semaphore_mem>>
        %dma_start3A = arith.constant 0 : i32
        %dma_start3A_233 = arith.constant 0 : i32
        %dma_start3A_234 = tpu.memref_slice %arg12[%dma_start3A, %dma_start3A_233] : memref<104x80xf32, #tpu.memory_space<vmem>> -> memref<104x80xf32, #tpu.memory_space<vmem>>
        %dma_start3A_235 = arith.constant 0 : i32
        %dma_start3A_236 = tpu.memref_slice %arg5[%multiple_of3A_28, %dma_start3A_235] : memref<40000x80xf32, #tpu.memory_space<hbm>> -> memref<104x80xf32, #tpu.memory_space<hbm>>
        %dma_start3A_237 = arith.constant 0 : i32
        %dma_start3A_238 = tpu.memref_slice %arg5[%multiple_of3A_28, %dma_start3A_237] : memref<40000x80xf32, #tpu.memory_space<hbm>> -> memref<104x80xf32, #tpu.memory_space<hbm>>
        %dma_start3A_239 = arith.constant 0 : i32
        %dma_start3A_240 = arith.constant 0 : i32
        %dma_start3A_241 = tpu.memref_slice %arg12[%dma_start3A_239, %dma_start3A_240] : memref<104x80xf32, #tpu.memory_space<vmem>> -> memref<104x80xf32, #tpu.memory_space<vmem>>
        tpu.enqueue_dma source(%dma_start3A_241 : memref<104x80xf32, #tpu.memory_space<vmem>>) target(%dma_start3A_238 : memref<104x80xf32, #tpu.memory_space<hbm>>) target_semaphore(%run_scoped3A : memref<!tpu.dma_semaphore, #tpu.memory_space<semaphore_mem>>)
        %dma_wait3A = arith.constant 0 : i32
        %dma_wait3A_242 = arith.constant 0 : i32
        %dma_wait3A_243 = tpu.memref_slice %arg12[%dma_wait3A, %dma_wait3A_242] : memref<104x80xf32, #tpu.memory_space<vmem>> -> memref<104x80xf32, #tpu.memory_space<vmem>>
        %dma_wait3A_244 = arith.constant 0 : i32
        %dma_wait3A_245 = tpu.memref_slice %arg5[%multiple_of3A_28, %dma_wait3A_244] : memref<40000x80xf32, #tpu.memory_space<hbm>> -> memref<104x80xf32, #tpu.memory_space<hbm>>
        %dma_wait3A_246 = arith.constant 0 : i32
        %dma_wait3A_247 = tpu.memref_slice %arg5[%multiple_of3A_28, %dma_wait3A_246] : memref<40000x80xf32, #tpu.memory_space<hbm>> -> memref<104x80xf32, #tpu.memory_space<hbm>>
        %dma_wait3A_248 = arith.constant 0 : i32
        %dma_wait3A_249 = arith.constant 0 : i32
        %dma_wait3A_250 = tpu.memref_slice %arg12[%dma_wait3A_248, %dma_wait3A_249] : memref<104x80xf32, #tpu.memory_space<vmem>> -> memref<104x80xf32, #tpu.memory_space<vmem>>
        tpu.wait_dma2 semaphore(%run_scoped3A : memref<!tpu.dma_semaphore, #tpu.memory_space<semaphore_mem>>) src(%dma_wait3A_250 : memref<104x80xf32, #tpu.memory_space<vmem>>) dst(%dma_wait3A_247 : memref<104x80xf32, #tpu.memory_space<hbm>>)
        tpu.yield
      }) : () -> ()
    }
    %scan3A_15 = arith.constant 12 : i32
    %ge3A = arith.constant 24 : i32
    %ge3A_16 = arith.cmpi sge, %add3A, %ge3A : i32
    %convert_element_type3A = arith.extui %ge3A_16 : i1 to i32
    %cond3A = arith.constant 0 : i32
    %cond3A_17 = arith.cmpi ne, %convert_element_type3A, %cond3A : i32
    scf.if %cond3A_17 {
      %add3A_18 = arith.constant 1248 : i32
      %add3A_19 = arith.addi %multiple_of3A, %add3A_18 : i32
      %multiple_of3A_20 = tpu.assume_multiple %add3A_19, 8 : i32
      %scan3A_21 = arith.constant 0 : i32
      %scan3A_22 = arith.constant 0 : i32
      %scan3A_23 = arith.constant 8 : i32
      %scan3A_24 = arith.addi %scan3A_22, %scan3A_23 : i32
      %scan3A_25 = arith.constant 1 : i32
      scf.for %scan3A_105 = %scan3A_22 to %scan3A_24 step %scan3A_25  : i32 {
        %broadcast_in_dim3A_106 = arith.constant 0.000000e+00 : f32
        %broadcast_in_dim3A_107 = vector.broadcast %broadcast_in_dim3A_106 : f32 to vector<16xf32>
        %swap3A_108 = arith.index_cast %scan3A_105 : i32 to index
        %swap3A_109 = arith.constant 0 : index
        %swap3A_110 = tpu.vector_load %arg12[%swap3A_108, %swap3A_109] {strides = array<i32>} : memref<104x80xf32, #tpu.memory_space<vmem>>, vector<1x16xf32>,
        %swap3A_111 = vector.shape_cast %swap3A_110 : vector<1x16xf32> to vector<16xf32>
        %swap3A_112 = vector.shape_cast %broadcast_in_dim3A_107 : vector<16xf32> to vector<1x16xf32>
        tpu.vector_store %arg12[%swap3A_108, %swap3A_109], %swap3A_112 {strides = array<i32>} : memref<104x80xf32, #tpu.memory_space<vmem>>, vector<1x16xf32>,
        %broadcast_in_dim3A_113 = arith.constant 0.000000e+00 : f32
        %broadcast_in_dim3A_114 = vector.broadcast %broadcast_in_dim3A_113 : f32 to vector<16xf32>
        %swap3A_115 = arith.index_cast %scan3A_105 : i32 to index
        %swap3A_116 = arith.constant 16 : index
        %swap3A_117 = tpu.vector_load %arg12[%swap3A_115, %swap3A_116] {strides = array<i32>} : memref<104x80xf32, #tpu.memory_space<vmem>>, vector<1x16xf32>,
        %swap3A_118 = vector.shape_cast %swap3A_117 : vector<1x16xf32> to vector<16xf32>
        %swap3A_119 = vector.shape_cast %broadcast_in_dim3A_114 : vector<16xf32> to vector<1x16xf32>
        tpu.vector_store %arg12[%swap3A_115, %swap3A_116], %swap3A_119 {strides = array<i32>} : memref<104x80xf32, #tpu.memory_space<vmem>>, vector<1x16xf32>,
        %broadcast_in_dim3A_120 = arith.constant 0.000000e+00 : f32
        %broadcast_in_dim3A_121 = vector.broadcast %broadcast_in_dim3A_120 : f32 to vector<16xf32>
        %swap3A_122 = arith.index_cast %scan3A_105 : i32 to index
        %swap3A_123 = arith.constant 32 : index
        %swap3A_124 = tpu.vector_load %arg12[%swap3A_122, %swap3A_123] {strides = array<i32>} : memref<104x80xf32, #tpu.memory_space<vmem>>, vector<1x16xf32>,
        %swap3A_125 = vector.shape_cast %swap3A_124 : vector<1x16xf32> to vector<16xf32>
        %swap3A_126 = vector.shape_cast %broadcast_in_dim3A_121 : vector<16xf32> to vector<1x16xf32>
        tpu.vector_store %arg12[%swap3A_122, %swap3A_123], %swap3A_126 {strides = array<i32>} : memref<104x80xf32, #tpu.memory_space<vmem>>, vector<1x16xf32>,
        %broadcast_in_dim3A_127 = arith.constant 0.000000e+00 : f32
        %broadcast_in_dim3A_128 = vector.broadcast %broadcast_in_dim3A_127 : f32 to vector<16xf32>
        %swap3A_129 = arith.index_cast %scan3A_105 : i32 to index
        %swap3A_130 = arith.constant 48 : index
        %swap3A_131 = tpu.vector_load %arg12[%swap3A_129, %swap3A_130] {strides = array<i32>} : memref<104x80xf32, #tpu.memory_space<vmem>>, vector<1x16xf32>,
        %swap3A_132 = vector.shape_cast %swap3A_131 : vector<1x16xf32> to vector<16xf32>
        %swap3A_133 = vector.shape_cast %broadcast_in_dim3A_128 : vector<16xf32> to vector<1x16xf32>
        tpu.vector_store %arg12[%swap3A_129, %swap3A_130], %swap3A_133 {strides = array<i32>} : memref<104x80xf32, #tpu.memory_space<vmem>>, vector<1x16xf32>,
        %broadcast_in_dim3A_134 = arith.constant 0.000000e+00 : f32
        %broadcast_in_dim3A_135 = vector.broadcast %broadcast_in_dim3A_134 : f32 to vector<16xf32>
        %swap3A_136 = arith.index_cast %scan3A_105 : i32 to index
        %swap3A_137 = arith.constant 64 : index
        %swap3A_138 = tpu.vector_load %arg12[%swap3A_136, %swap3A_137] {strides = array<i32>} : memref<104x80xf32, #tpu.memory_space<vmem>>, vector<1x16xf32>,
        %swap3A_139 = vector.shape_cast %swap3A_138 : vector<1x16xf32> to vector<16xf32>
        %swap3A_140 = vector.shape_cast %broadcast_in_dim3A_135 : vector<16xf32> to vector<1x16xf32>
        tpu.vector_store %arg12[%swap3A_136, %swap3A_137], %swap3A_140 {strides = array<i32>} : memref<104x80xf32, #tpu.memory_space<vmem>>, vector<1x16xf32>,
      }
      %scan3A_26 = arith.constant 8 : i32
      %scan3A_27 = arith.constant 0 : i32
      %scan3A_28 = arith.constant 0 : i32
      %scan3A_29 = arith.constant 8 : i32
      %scan3A_30 = arith.addi %scan3A_28, %scan3A_29 : i32
      %scan3A_31 = arith.constant 1 : i32
      %scan3A_32 = scf.for %scan3A_105 = %scan3A_28 to %scan3A_30 step %scan3A_31 iter_args(%scan3A_106 = %scan3A_27) -> (i32)  : i32 {
        %mul3A_107 = arith.constant 4 : i32
        %mul3A_108 = arith.muli %mul3A_107, %scan3A_105 : i32
        %add3A_109 = arith.constant 4992 : i32
        %add3A_110 = arith.addi %add3A_109, %mul3A_108 : i32
        %get3A = arith.index_cast %add3A_110 : i32 to index
        %get3A_111 = tpu.vector_load %arg7[%get3A] {strides = array<i32>} : memref<5056xf32, #tpu.memory_space<vmem>>, vector<16xf32>,
        %get3A_112 = vector.shape_cast %get3A_111 : vector<16xf32> to vector<16xf32>
        %slice3A = vector.extract_strided_slice %get3A_112 {offsets = [0], sizes = [1], strides = [1]} : vector<16xf32> to vector<1xf32>
        %squeeze3A = vector.extract %slice3A[0] : f32 from vector<1xf32>
        %abs3A = math.absf %squeeze3A : f32
        %slice3A_113 = vector.extract_strided_slice %get3A_112 {offsets = [1], sizes = [1], strides = [1]} : vector<16xf32> to vector<1xf32>
        %squeeze3A_114 = vector.extract %slice3A_113[0] : f32 from vector<1xf32>
        %abs3A_115 = math.absf %squeeze3A_114 : f32
        %add3A_116 = arith.addf %abs3A, %abs3A_115 : f32
        %slice3A_117 = vector.extract_strided_slice %get3A_112 {offsets = [2], sizes = [1], strides = [1]} : vector<16xf32> to vector<1xf32>
        %squeeze3A_118 = vector.extract %slice3A_117[0] : f32 from vector<1xf32>
        %abs3A_119 = math.absf %squeeze3A_118 : f32
        %add3A_120 = arith.addf %add3A_116, %abs3A_119 : f32
        %slice3A_121 = vector.extract_strided_slice %get3A_112 {offsets = [3], sizes = [1], strides = [1]} : vector<16xf32> to vector<1xf32>
        %squeeze3A_122 = vector.extract %slice3A_121[0] : f32 from vector<1xf32>
        %abs3A_123 = math.absf %squeeze3A_122 : f32
        %add3A_124 = arith.addf %add3A_120, %abs3A_123 : f32
        %mul3A_125 = arith.constant 9.99999968E+37 : f32
        %mul3A_126 = arith.mulf %add3A_124, %mul3A_125 : f32
        %min3A = arith.constant 1.000000e+00 : f32
        %min3A_127 = arith.minimumf %mul3A_126, %min3A : f32
        %convert_element_type3A_128 = arith.fptosi %min3A_127 : f32 to i32
        %eq3A = arith.constant 1 : i32
        %eq3A_129 = arith.cmpi eq, %convert_element_type3A_128, %eq3A : i32
        %convert_element_type3A_130 = arith.extui %eq3A_129 : i1 to i32
        %cond3A_131 = arith.constant 0 : i32
        %cond3A_132 = arith.cmpi ne, %convert_element_type3A_130, %cond3A_131 : i32
        scf.if %cond3A_132 {
          %get3A_136 = arith.index_cast %add3A_110 : i32 to index
          %get3A_137 = tpu.vector_load %arg6[%get3A_136] {strides = array<i32>} : memref<5056xi32, #tpu.memory_space<vmem>>, vector<16xi32>,
          %get3A_138 = vector.shape_cast %get3A_137 : vector<16xi32> to vector<16xi32>
          %swap3A_139 = arith.index_cast %scan3A_106 : i32 to index
          %swap3A_140 = tpu.vector_load %arg8[%swap3A_139] {strides = array<i32>} : memref<512xi32, #tpu.memory_space<vmem>>, vector<16xi32>,
          %swap3A_141 = vector.shape_cast %swap3A_140 : vector<16xi32> to vector<16xi32>
          %swap3A_142 = vector.shape_cast %get3A_138 : vector<16xi32> to vector<16xi32>
          tpu.vector_store %arg8[%swap3A_139], %swap3A_142 {strides = array<i32>} : memref<512xi32, #tpu.memory_space<vmem>>, vector<16xi32>,
          %swap3A_143 = arith.index_cast %scan3A_106 : i32 to index
          %swap3A_144 = tpu.vector_load %arg9[%swap3A_143] {strides = array<i32>} : memref<512xf32, #tpu.memory_space<vmem>>, vector<16xf32>,
          %swap3A_145 = vector.shape_cast %swap3A_144 : vector<16xf32> to vector<16xf32>
          %swap3A_146 = vector.shape_cast %get3A_112 : vector<16xf32> to vector<16xf32>
          tpu.vector_store %arg9[%swap3A_143], %swap3A_146 {strides = array<i32>} : memref<512xf32, #tpu.memory_space<vmem>>, vector<16xf32>,
          %broadcast_in_dim3A_147 = arith.constant 0 : i32
          %broadcast_in_dim3A_148 = vector.broadcast %broadcast_in_dim3A_147 : i32 to vector<16xi32>
          %add3A_149 = vector.broadcast %scan3A_105 : i32 to vector<16xi32>
          %add3A_150 = arith.addi %broadcast_in_dim3A_148, %add3A_149 : vector<16xi32>
          %swap3A_151 = arith.index_cast %scan3A_106 : i32 to index
          %swap3A_152 = tpu.vector_load %arg10[%swap3A_151] {strides = array<i32>} : memref<512xi32, #tpu.memory_space<vmem>>, vector<16xi32>,
          %swap3A_153 = vector.shape_cast %swap3A_152 : vector<16xi32> to vector<16xi32>
          %swap3A_154 = vector.shape_cast %add3A_150 : vector<16xi32> to vector<16xi32>
          tpu.vector_store %arg10[%swap3A_151], %swap3A_154 {strides = array<i32>} : memref<512xi32, #tpu.memory_space<vmem>>, vector<16xi32>,
        } else {
        }
        %mul3A_133 = arith.constant 4 : i32
        %mul3A_134 = arith.muli %mul3A_133, %convert_element_type3A_128 : i32
        %add3A_135 = arith.addi %scan3A_106, %mul3A_134 : i32
        scf.yield %add3A_135 : i32
      }
      %scan3A_33 = arith.constant 8 : i32
      %broadcast_in_dim3A = arith.constant 0 : i32
      %broadcast_in_dim3A_34 = vector.broadcast %broadcast_in_dim3A : i32 to vector<16xi32>
      %swap3A = arith.index_cast %scan3A_32 : i32 to index
      %swap3A_35 = tpu.vector_load %arg8[%swap3A] {strides = array<i32>} : memref<512xi32, #tpu.memory_space<vmem>>, vector<16xi32>,
      %swap3A_36 = vector.shape_cast %swap3A_35 : vector<16xi32> to vector<16xi32>
      %swap3A_37 = vector.shape_cast %broadcast_in_dim3A_34 : vector<16xi32> to vector<16xi32>
      tpu.vector_store %arg8[%swap3A], %swap3A_37 {strides = array<i32>} : memref<512xi32, #tpu.memory_space<vmem>>, vector<16xi32>,
      %add3A_38 = arith.constant 16 : i32
      %add3A_39 = arith.addi %scan3A_32, %add3A_38 : i32
      %swap3A_40 = arith.index_cast %add3A_39 : i32 to index
      %swap3A_41 = tpu.vector_load %arg8[%swap3A_40] {strides = array<i32>} : memref<512xi32, #tpu.memory_space<vmem>>, vector<16xi32>,
      %swap3A_42 = vector.shape_cast %swap3A_41 : vector<16xi32> to vector<16xi32>
      %swap3A_43 = vector.shape_cast %broadcast_in_dim3A_34 : vector<16xi32> to vector<16xi32>
      tpu.vector_store %arg8[%swap3A_40], %swap3A_43 {strides = array<i32>} : memref<512xi32, #tpu.memory_space<vmem>>, vector<16xi32>,
      %add3A_44 = arith.constant 31 : i32
      %add3A_45 = arith.addi %scan3A_32, %add3A_44 : i32
      %jit3A = arith.constant 32 : i32
      %div3A = arith.divsi %add3A_45, %jit3A : i32
      %sign3A = arith.constant 0 : i32
      %sign3A_46 = arith.cmpi sgt, %add3A_45, %sign3A : i32
      %sign3A_47 = arith.extui %sign3A_46 : i1 to i32
      %sign3A_48 = arith.constant 0 : i32
      %sign3A_49 = arith.cmpi slt, %add3A_45, %sign3A_48 : i32
      %sign3A_50 = arith.extui %sign3A_49 : i1 to i32
      %sign3A_51 = arith.subi %sign3A_47, %sign3A_50 : i32
      %sign3A_52 = arith.constant 0 : i32
      %sign3A_53 = arith.cmpi sgt, %jit3A, %sign3A_52 : i32
      %sign3A_54 = arith.extui %sign3A_53 : i1 to i32
      %sign3A_55 = arith.constant 0 : i32
      %sign3A_56 = arith.cmpi slt, %jit3A, %sign3A_55 : i32
      %sign3A_57 = arith.extui %sign3A_56 : i1 to i32
      %sign3A_58 = arith.subi %sign3A_54, %sign3A_57 : i32
      %ne3A = arith.cmpi ne, %sign3A_51, %sign3A_58 : i32
      %rem3A = arith.remsi %add3A_45, %jit3A : i32
      %ne3A_59 = arith.constant 0 : i32
      %ne3A_60 = arith.cmpi ne, %rem3A, %ne3A_59 : i32
      %and3A = arith.andi %ne3A, %ne3A_60 : i1
      %sub3A_61 = arith.constant 1 : i32
      %sub3A_62 = arith.subi %div3A, %sub3A_61 : i32
      %select_n3A = arith.select %and3A, %sub3A_62, %div3A : i32
      %gt3A = arith.constant 0 : i32
      %gt3A_63 = arith.cmpi sgt, %select_n3A, %gt3A : i32
      %convert_element_type3A_64 = arith.extui %gt3A_63 : i1 to i32
      %cond3A_65 = arith.constant 0 : i32
      %cond3A_66 = arith.cmpi ne, %convert_element_type3A_64, %cond3A_65 : i32
      scf.if %cond3A_66 {
        %dma_start3A = arith.constant 0 : i32
        %dma_start3A_105 = arith.constant 0 : i32
        %dma_start3A_106 = tpu.memref_slice %arg11[%dma_start3A, %dma_start3A_105] : memref<416x128xf32, #tpu.memory_space<vmem>> -> memref<32x128xf32, #tpu.memory_space<vmem>>
        %dma_start3A_107 = arith.constant 0 : i32
        %dma_start3A_108 = tpu.memref_slice %arg8[%dma_start3A_107] : memref<512xi32, #tpu.memory_space<vmem>> -> memref<32xi32, #tpu.memory_space<vmem>>
        %dma_start3A_109 = arith.constant 0 : i32
        %dma_start3A_110 = arith.constant 0 : i32
        %dma_start3A_111 = tpu.memref_slice %arg2[%dma_start3A_109, %dma_start3A_110] : memref<67584x128xf32, #tpu.memory_space<hbm>> -> memref<67584x128xf32, #tpu.memory_space<hbm>>
        tpu.enqueue_indirect_dma source(%dma_start3A_111 : memref<67584x128xf32, #tpu.memory_space<hbm>>) target(%dma_start3A_106 : memref<32x128xf32, #tpu.memory_space<vmem>>) offsets(%dma_start3A_108 : memref<32xi32, #tpu.memory_space<vmem>>) semaphore(%arg13 : memref<!tpu.dma_semaphore, #tpu.memory_space<semaphore_mem>>)
      } else {
      }
      %gt3A_67 = arith.constant 0 : i32
      %gt3A_68 = arith.cmpi sgt, %select_n3A, %gt3A_67 : i32
      %convert_element_type3A_69 = arith.extui %gt3A_68 : i1 to i32
      %cond3A_70 = arith.constant 0 : i32
      %cond3A_71 = arith.cmpi ne, %convert_element_type3A_69, %cond3A_70 : i32
      scf.if %cond3A_71 {
        %dma_wait3A = arith.constant 0 : i32
        %dma_wait3A_105 = arith.constant 0 : i32
        %dma_wait3A_106 = tpu.memref_slice %arg11[%dma_wait3A, %dma_wait3A_105] : memref<416x128xf32, #tpu.memory_space<vmem>> -> memref<32x128xf32, #tpu.memory_space<vmem>>
        %dma_wait3A_107 = arith.constant 0 : i32
        %dma_wait3A_108 = tpu.memref_slice %arg8[%dma_wait3A_107] : memref<512xi32, #tpu.memory_space<vmem>> -> memref<32xi32, #tpu.memory_space<vmem>>
        %dma_wait3A_109 = arith.constant 0 : i32
        %dma_wait3A_110 = arith.constant 0 : i32
        %dma_wait3A_111 = tpu.memref_slice %arg2[%dma_wait3A_109, %dma_wait3A_110] : memref<67584x128xf32, #tpu.memory_space<hbm>> -> memref<67584x128xf32, #tpu.memory_space<hbm>>
        tpu.wait_indirect_dma semaphore(%arg13 : memref<!tpu.dma_semaphore, #tpu.memory_space<semaphore_mem>>) src(%dma_wait3A_111 : memref<67584x128xf32, #tpu.memory_space<hbm>>) dst(%dma_wait3A_106 : memref<32x128xf32, #tpu.memory_space<vmem>>)
      } else {
      }
      %jit3A_72 = arith.constant 4 : i32
      %div3A_73 = arith.divsi %scan3A_32, %jit3A_72 : i32
      %sign3A_74 = arith.constant 0 : i32
      %sign3A_75 = arith.cmpi sgt, %scan3A_32, %sign3A_74 : i32
      %sign3A_76 = arith.extui %sign3A_75 : i1 to i32
      %sign3A_77 = arith.constant 0 : i32
      %sign3A_78 = arith.cmpi slt, %scan3A_32, %sign3A_77 : i32
      %sign3A_79 = arith.extui %sign3A_78 : i1 to i32
      %sign3A_80 = arith.subi %sign3A_76, %sign3A_79 : i32
      %sign3A_81 = arith.constant 0 : i32
      %sign3A_82 = arith.cmpi sgt, %jit3A_72, %sign3A_81 : i32
      %sign3A_83 = arith.extui %sign3A_82 : i1 to i32
      %sign3A_84 = arith.constant 0 : i32
      %sign3A_85 = arith.cmpi slt, %jit3A_72, %sign3A_84 : i32
      %sign3A_86 = arith.extui %sign3A_85 : i1 to i32
      %sign3A_87 = arith.subi %sign3A_83, %sign3A_86 : i32
      %ne3A_88 = arith.cmpi ne, %sign3A_80, %sign3A_87 : i32
      %rem3A_89 = arith.remsi %scan3A_32, %jit3A_72 : i32
      %ne3A_90 = arith.constant 0 : i32
      %ne3A_91 = arith.cmpi ne, %rem3A_89, %ne3A_90 : i32
      %and3A_92 = arith.andi %ne3A_88, %ne3A_91 : i1
      %sub3A_93 = arith.constant 1 : i32
      %sub3A_94 = arith.subi %div3A_73, %sub3A_93 : i32
      %select_n3A_95 = arith.select %and3A_92, %sub3A_94, %div3A_73 : i32
      %while3A = arith.constant 0 : i32
      %while3A_96 = arith.constant 0 : i32
      %while3A_97 = arith.subi %select_n3A_95, %while3A_96 : i32
      %while3A_98 = arith.addi %while3A_96, %while3A_97 : i32
      %while3A_99 = arith.constant 1 : i32
      %while3A_100 = arith.divsi %while3A_97, %while3A_99 : i32
      %while3A_101 = arith.muli %while3A_100, %while3A_99 : i32
      %while3A_102 = arith.addi %while3A_96, %while3A_101 : i32
      %while3A_103 = arith.constant 1 : i32
      scf.for %while3A_105 = %while3A_96 to %while3A_102 step %while3A_103  : i32 {
        %mul3A_106 = arith.constant 4 : i32
        %mul3A_107 = arith.muli %mul3A_106, %while3A_105 : i32
        %get3A = arith.index_cast %mul3A_107 : i32 to index
        %get3A_108 = tpu.vector_load %arg10[%get3A] {strides = array<i32>} : memref<512xi32, #tpu.memory_space<vmem>>, vector<16xi32>,
        %get3A_109 = vector.shape_cast %get3A_108 : vector<16xi32> to vector<16xi32>
        %slice3A = vector.extract_strided_slice %get3A_109 {offsets = [0], sizes = [1], strides = [1]} : vector<16xi32> to vector<1xi32>
        %squeeze3A = vector.extract %slice3A[0] : i32 from vector<1xi32>
        %mul3A_110 = arith.constant 4 : i32
        %mul3A_111 = arith.muli %mul3A_110, %while3A_105 : i32
        %get3A_112 = arith.index_cast %mul3A_111 : i32 to index
        %get3A_113 = tpu.vector_load %arg9[%get3A_112] {strides = array<i32>} : memref<512xf32, #tpu.memory_space<vmem>>, vector<16xf32>,
        %get3A_114 = vector.shape_cast %get3A_113 : vector<16xf32> to vector<16xf32>
        %get3A_115 = arith.index_cast %squeeze3A : i32 to index
        %get3A_116 = arith.constant 0 : index
        %get3A_117 = tpu.vector_load %arg12[%get3A_115, %get3A_116] {strides = array<i32>} : memref<104x80xf32, #tpu.memory_space<vmem>>, vector<1x16xf32>,
        %get3A_118 = vector.shape_cast %get3A_117 : vector<1x16xf32> to vector<16xf32>
        %slice3A_119 = vector.extract_strided_slice %get3A_114 {offsets = [0], sizes = [1], strides = [1]} : vector<16xf32> to vector<1xf32>
        %squeeze3A_120 = vector.extract %slice3A_119[0] : f32 from vector<1xf32>
        %mul3A_121 = arith.constant 4 : i32
        %mul3A_122 = arith.muli %mul3A_121, %while3A_105 : i32
        %get3A_123 = arith.index_cast %mul3A_122 : i32 to index
        %get3A_124 = arith.constant 0 : index
        %get3A_125 = tpu.vector_load %arg11[%get3A_123, %get3A_124] {strides = array<i32>} : memref<416x128xf32, #tpu.memory_space<vmem>>, vector<1x16xf32>,
        %get3A_126 = vector.shape_cast %get3A_125 : vector<1x16xf32> to vector<16xf32>
        %mul3A_127 = vector.broadcast %squeeze3A_120 : f32 to vector<16xf32>
        %mul3A_128 = arith.mulf %mul3A_127, %get3A_126 : vector<16xf32>
        %add3A_129 = arith.addf %get3A_118, %mul3A_128 : vector<16xf32>
        %slice3A_130 = vector.extract_strided_slice %get3A_114 {offsets = [1], sizes = [1], strides = [1]} : vector<16xf32> to vector<1xf32>
        %squeeze3A_131 = vector.extract %slice3A_130[0] : f32 from vector<1xf32>
        %mul3A_132 = arith.constant 4 : i32
        %mul3A_133 = arith.muli %mul3A_132, %while3A_105 : i32
        %add3A_134 = arith.constant 1 : i32
        %add3A_135 = arith.addi %mul3A_133, %add3A_134 : i32
        %get3A_136 = arith.index_cast %add3A_135 : i32 to index
        %get3A_137 = arith.constant 0 : index
        %get3A_138 = tpu.vector_load %arg11[%get3A_136, %get3A_137] {strides = array<i32>} : memref<416x128xf32, #tpu.memory_space<vmem>>, vector<1x16xf32>,
        %get3A_139 = vector.shape_cast %get3A_138 : vector<1x16xf32> to vector<16xf32>
        %mul3A_140 = vector.broadcast %squeeze3A_131 : f32 to vector<16xf32>
        %mul3A_141 = arith.mulf %mul3A_140, %get3A_139 : vector<16xf32>
        %add3A_142 = arith.addf %add3A_129, %mul3A_141 : vector<16xf32>
        %slice3A_143 = vector.extract_strided_slice %get3A_114 {offsets = [2], sizes = [1], strides = [1]} : vector<16xf32> to vector<1xf32>
        %squeeze3A_144 = vector.extract %slice3A_143[0] : f32 from vector<1xf32>
        %mul3A_145 = arith.constant 4 : i32
        %mul3A_146 = arith.muli %mul3A_145, %while3A_105 : i32
        %add3A_147 = arith.constant 2 : i32
        %add3A_148 = arith.addi %mul3A_146, %add3A_147 : i32
        %get3A_149 = arith.index_cast %add3A_148 : i32 to index
        %get3A_150 = arith.constant 0 : index
        %get3A_151 = tpu.vector_load %arg11[%get3A_149, %get3A_150] {strides = array<i32>} : memref<416x128xf32, #tpu.memory_space<vmem>>, vector<1x16xf32>,
        %get3A_152 = vector.shape_cast %get3A_151 : vector<1x16xf32> to vector<16xf32>
        %mul3A_153 = vector.broadcast %squeeze3A_144 : f32 to vector<16xf32>
        %mul3A_154 = arith.mulf %mul3A_153, %get3A_152 : vector<16xf32>
        %add3A_155 = arith.addf %add3A_142, %mul3A_154 : vector<16xf32>
        %slice3A_156 = vector.extract_strided_slice %get3A_114 {offsets = [3], sizes = [1], strides = [1]} : vector<16xf32> to vector<1xf32>
        %squeeze3A_157 = vector.extract %slice3A_156[0] : f32 from vector<1xf32>
        %mul3A_158 = arith.constant 4 : i32
        %mul3A_159 = arith.muli %mul3A_158, %while3A_105 : i32
        %add3A_160 = arith.constant 3 : i32
        %add3A_161 = arith.addi %mul3A_159, %add3A_160 : i32
        %get3A_162 = arith.index_cast %add3A_161 : i32 to index
        %get3A_163 = arith.constant 0 : index
        %get3A_164 = tpu.vector_load %arg11[%get3A_162, %get3A_163] {strides = array<i32>} : memref<416x128xf32, #tpu.memory_space<vmem>>, vector<1x16xf32>,
        %get3A_165 = vector.shape_cast %get3A_164 : vector<1x16xf32> to vector<16xf32>
        %mul3A_166 = vector.broadcast %squeeze3A_157 : f32 to vector<16xf32>
        %mul3A_167 = arith.mulf %mul3A_166, %get3A_165 : vector<16xf32>
        %add3A_168 = arith.addf %add3A_155, %mul3A_167 : vector<16xf32>
        %swap3A_169 = arith.index_cast %squeeze3A : i32 to index
        %swap3A_170 = arith.constant 0 : index
        %swap3A_171 = tpu.vector_load %arg12[%swap3A_169, %swap3A_170] {strides = array<i32>} : memref<104x80xf32, #tpu.memory_space<vmem>>, vector<1x16xf32>,
        %swap3A_172 = vector.shape_cast %swap3A_171 : vector<1x16xf32> to vector<16xf32>
        %swap3A_173 = vector.shape_cast %add3A_168 : vector<16xf32> to vector<1x16xf32>
        tpu.vector_store %arg12[%swap3A_169, %swap3A_170], %swap3A_173 {strides = array<i32>} : memref<104x80xf32, #tpu.memory_space<vmem>>, vector<1x16xf32>,
        %get3A_174 = arith.index_cast %squeeze3A : i32 to index
        %get3A_175 = arith.constant 16 : index
        %get3A_176 = tpu.vector_load %arg12[%get3A_174, %get3A_175] {strides = array<i32>} : memref<104x80xf32, #tpu.memory_space<vmem>>, vector<1x16xf32>,
        %get3A_177 = vector.shape_cast %get3A_176 : vector<1x16xf32> to vector<16xf32>
        %slice3A_178 = vector.extract_strided_slice %get3A_114 {offsets = [0], sizes = [1], strides = [1]} : vector<16xf32> to vector<1xf32>
        %squeeze3A_179 = vector.extract %slice3A_178[0] : f32 from vector<1xf32>
        %mul3A_180 = arith.constant 4 : i32
        %mul3A_181 = arith.muli %mul3A_180, %while3A_105 : i32
        %get3A_182 = arith.index_cast %mul3A_181 : i32 to index
        %get3A_183 = arith.constant 16 : index
        %get3A_184 = tpu.vector_load %arg11[%get3A_182, %get3A_183] {strides = array<i32>} : memref<416x128xf32, #tpu.memory_space<vmem>>, vector<1x16xf32>,
        %get3A_185 = vector.shape_cast %get3A_184 : vector<1x16xf32> to vector<16xf32>
        %mul3A_186 = vector.broadcast %squeeze3A_179 : f32 to vector<16xf32>
        %mul3A_187 = arith.mulf %mul3A_186, %get3A_185 : vector<16xf32>
        %add3A_188 = arith.addf %get3A_177, %mul3A_187 : vector<16xf32>
        %slice3A_189 = vector.extract_strided_slice %get3A_114 {offsets = [1], sizes = [1], strides = [1]} : vector<16xf32> to vector<1xf32>
        %squeeze3A_190 = vector.extract %slice3A_189[0] : f32 from vector<1xf32>
        %mul3A_191 = arith.constant 4 : i32
        %mul3A_192 = arith.muli %mul3A_191, %while3A_105 : i32
        %add3A_193 = arith.constant 1 : i32
        %add3A_194 = arith.addi %mul3A_192, %add3A_193 : i32
        %get3A_195 = arith.index_cast %add3A_194 : i32 to index
        %get3A_196 = arith.constant 16 : index
        %get3A_197 = tpu.vector_load %arg11[%get3A_195, %get3A_196] {strides = array<i32>} : memref<416x128xf32, #tpu.memory_space<vmem>>, vector<1x16xf32>,
        %get3A_198 = vector.shape_cast %get3A_197 : vector<1x16xf32> to vector<16xf32>
        %mul3A_199 = vector.broadcast %squeeze3A_190 : f32 to vector<16xf32>
        %mul3A_200 = arith.mulf %mul3A_199, %get3A_198 : vector<16xf32>
        %add3A_201 = arith.addf %add3A_188, %mul3A_200 : vector<16xf32>
        %slice3A_202 = vector.extract_strided_slice %get3A_114 {offsets = [2], sizes = [1], strides = [1]} : vector<16xf32> to vector<1xf32>
        %squeeze3A_203 = vector.extract %slice3A_202[0] : f32 from vector<1xf32>
        %mul3A_204 = arith.constant 4 : i32
        %mul3A_205 = arith.muli %mul3A_204, %while3A_105 : i32
        %add3A_206 = arith.constant 2 : i32
        %add3A_207 = arith.addi %mul3A_205, %add3A_206 : i32
        %get3A_208 = arith.index_cast %add3A_207 : i32 to index
        %get3A_209 = arith.constant 16 : index
        %get3A_210 = tpu.vector_load %arg11[%get3A_208, %get3A_209] {strides = array<i32>} : memref<416x128xf32, #tpu.memory_space<vmem>>, vector<1x16xf32>,
        %get3A_211 = vector.shape_cast %get3A_210 : vector<1x16xf32> to vector<16xf32>
        %mul3A_212 = vector.broadcast %squeeze3A_203 : f32 to vector<16xf32>
        %mul3A_213 = arith.mulf %mul3A_212, %get3A_211 : vector<16xf32>
        %add3A_214 = arith.addf %add3A_201, %mul3A_213 : vector<16xf32>
        %slice3A_215 = vector.extract_strided_slice %get3A_114 {offsets = [3], sizes = [1], strides = [1]} : vector<16xf32> to vector<1xf32>
        %squeeze3A_216 = vector.extract %slice3A_215[0] : f32 from vector<1xf32>
        %mul3A_217 = arith.constant 4 : i32
        %mul3A_218 = arith.muli %mul3A_217, %while3A_105 : i32
        %add3A_219 = arith.constant 3 : i32
        %add3A_220 = arith.addi %mul3A_218, %add3A_219 : i32
        %get3A_221 = arith.index_cast %add3A_220 : i32 to index
        %get3A_222 = arith.constant 16 : index
        %get3A_223 = tpu.vector_load %arg11[%get3A_221, %get3A_222] {strides = array<i32>} : memref<416x128xf32, #tpu.memory_space<vmem>>, vector<1x16xf32>,
        %get3A_224 = vector.shape_cast %get3A_223 : vector<1x16xf32> to vector<16xf32>
        %mul3A_225 = vector.broadcast %squeeze3A_216 : f32 to vector<16xf32>
        %mul3A_226 = arith.mulf %mul3A_225, %get3A_224 : vector<16xf32>
        %add3A_227 = arith.addf %add3A_214, %mul3A_226 : vector<16xf32>
        %swap3A_228 = arith.index_cast %squeeze3A : i32 to index
        %swap3A_229 = arith.constant 16 : index
        %swap3A_230 = tpu.vector_load %arg12[%swap3A_228, %swap3A_229] {strides = array<i32>} : memref<104x80xf32, #tpu.memory_space<vmem>>, vector<1x16xf32>,
        %swap3A_231 = vector.shape_cast %swap3A_230 : vector<1x16xf32> to vector<16xf32>
        %swap3A_232 = vector.shape_cast %add3A_227 : vector<16xf32> to vector<1x16xf32>
        tpu.vector_store %arg12[%swap3A_228, %swap3A_229], %swap3A_232 {strides = array<i32>} : memref<104x80xf32, #tpu.memory_space<vmem>>, vector<1x16xf32>,
        %get3A_233 = arith.index_cast %squeeze3A : i32 to index
        %get3A_234 = arith.constant 32 : index
        %get3A_235 = tpu.vector_load %arg12[%get3A_233, %get3A_234] {strides = array<i32>} : memref<104x80xf32, #tpu.memory_space<vmem>>, vector<1x16xf32>,
        %get3A_236 = vector.shape_cast %get3A_235 : vector<1x16xf32> to vector<16xf32>
        %slice3A_237 = vector.extract_strided_slice %get3A_114 {offsets = [0], sizes = [1], strides = [1]} : vector<16xf32> to vector<1xf32>
        %squeeze3A_238 = vector.extract %slice3A_237[0] : f32 from vector<1xf32>
        %mul3A_239 = arith.constant 4 : i32
        %mul3A_240 = arith.muli %mul3A_239, %while3A_105 : i32
        %get3A_241 = arith.index_cast %mul3A_240 : i32 to index
        %get3A_242 = arith.constant 32 : index
        %get3A_243 = tpu.vector_load %arg11[%get3A_241, %get3A_242] {strides = array<i32>} : memref<416x128xf32, #tpu.memory_space<vmem>>, vector<1x16xf32>,
        %get3A_244 = vector.shape_cast %get3A_243 : vector<1x16xf32> to vector<16xf32>
        %mul3A_245 = vector.broadcast %squeeze3A_238 : f32 to vector<16xf32>
        %mul3A_246 = arith.mulf %mul3A_245, %get3A_244 : vector<16xf32>
        %add3A_247 = arith.addf %get3A_236, %mul3A_246 : vector<16xf32>
        %slice3A_248 = vector.extract_strided_slice %get3A_114 {offsets = [1], sizes = [1], strides = [1]} : vector<16xf32> to vector<1xf32>
        %squeeze3A_249 = vector.extract %slice3A_248[0] : f32 from vector<1xf32>
        %mul3A_250 = arith.constant 4 : i32
        %mul3A_251 = arith.muli %mul3A_250, %while3A_105 : i32
        %add3A_252 = arith.constant 1 : i32
        %add3A_253 = arith.addi %mul3A_251, %add3A_252 : i32
        %get3A_254 = arith.index_cast %add3A_253 : i32 to index
        %get3A_255 = arith.constant 32 : index
        %get3A_256 = tpu.vector_load %arg11[%get3A_254, %get3A_255] {strides = array<i32>} : memref<416x128xf32, #tpu.memory_space<vmem>>, vector<1x16xf32>,
        %get3A_257 = vector.shape_cast %get3A_256 : vector<1x16xf32> to vector<16xf32>
        %mul3A_258 = vector.broadcast %squeeze3A_249 : f32 to vector<16xf32>
        %mul3A_259 = arith.mulf %mul3A_258, %get3A_257 : vector<16xf32>
        %add3A_260 = arith.addf %add3A_247, %mul3A_259 : vector<16xf32>
        %slice3A_261 = vector.extract_strided_slice %get3A_114 {offsets = [2], sizes = [1], strides = [1]} : vector<16xf32> to vector<1xf32>
        %squeeze3A_262 = vector.extract %slice3A_261[0] : f32 from vector<1xf32>
        %mul3A_263 = arith.constant 4 : i32
        %mul3A_264 = arith.muli %mul3A_263, %while3A_105 : i32
        %add3A_265 = arith.constant 2 : i32
        %add3A_266 = arith.addi %mul3A_264, %add3A_265 : i32
        %get3A_267 = arith.index_cast %add3A_266 : i32 to index
        %get3A_268 = arith.constant 32 : index
        %get3A_269 = tpu.vector_load %arg11[%get3A_267, %get3A_268] {strides = array<i32>} : memref<416x128xf32, #tpu.memory_space<vmem>>, vector<1x16xf32>,
        %get3A_270 = vector.shape_cast %get3A_269 : vector<1x16xf32> to vector<16xf32>
        %mul3A_271 = vector.broadcast %squeeze3A_262 : f32 to vector<16xf32>
        %mul3A_272 = arith.mulf %mul3A_271, %get3A_270 : vector<16xf32>
        %add3A_273 = arith.addf %add3A_260, %mul3A_272 : vector<16xf32>
        %slice3A_274 = vector.extract_strided_slice %get3A_114 {offsets = [3], sizes = [1], strides = [1]} : vector<16xf32> to vector<1xf32>
        %squeeze3A_275 = vector.extract %slice3A_274[0] : f32 from vector<1xf32>
        %mul3A_276 = arith.constant 4 : i32
        %mul3A_277 = arith.muli %mul3A_276, %while3A_105 : i32
        %add3A_278 = arith.constant 3 : i32
        %add3A_279 = arith.addi %mul3A_277, %add3A_278 : i32
        %get3A_280 = arith.index_cast %add3A_279 : i32 to index
        %get3A_281 = arith.constant 32 : index
        %get3A_282 = tpu.vector_load %arg11[%get3A_280, %get3A_281] {strides = array<i32>} : memref<416x128xf32, #tpu.memory_space<vmem>>, vector<1x16xf32>,
        %get3A_283 = vector.shape_cast %get3A_282 : vector<1x16xf32> to vector<16xf32>
        %mul3A_284 = vector.broadcast %squeeze3A_275 : f32 to vector<16xf32>
        %mul3A_285 = arith.mulf %mul3A_284, %get3A_283 : vector<16xf32>
        %add3A_286 = arith.addf %add3A_273, %mul3A_285 : vector<16xf32>
        %swap3A_287 = arith.index_cast %squeeze3A : i32 to index
        %swap3A_288 = arith.constant 32 : index
        %swap3A_289 = tpu.vector_load %arg12[%swap3A_287, %swap3A_288] {strides = array<i32>} : memref<104x80xf32, #tpu.memory_space<vmem>>, vector<1x16xf32>,
        %swap3A_290 = vector.shape_cast %swap3A_289 : vector<1x16xf32> to vector<16xf32>
        %swap3A_291 = vector.shape_cast %add3A_286 : vector<16xf32> to vector<1x16xf32>
        tpu.vector_store %arg12[%swap3A_287, %swap3A_288], %swap3A_291 {strides = array<i32>} : memref<104x80xf32, #tpu.memory_space<vmem>>, vector<1x16xf32>,
        %get3A_292 = arith.index_cast %squeeze3A : i32 to index
        %get3A_293 = arith.constant 48 : index
        %get3A_294 = tpu.vector_load %arg12[%get3A_292, %get3A_293] {strides = array<i32>} : memref<104x80xf32, #tpu.memory_space<vmem>>, vector<1x16xf32>,
        %get3A_295 = vector.shape_cast %get3A_294 : vector<1x16xf32> to vector<16xf32>
        %slice3A_296 = vector.extract_strided_slice %get3A_114 {offsets = [0], sizes = [1], strides = [1]} : vector<16xf32> to vector<1xf32>
        %squeeze3A_297 = vector.extract %slice3A_296[0] : f32 from vector<1xf32>
        %mul3A_298 = arith.constant 4 : i32
        %mul3A_299 = arith.muli %mul3A_298, %while3A_105 : i32
        %get3A_300 = arith.index_cast %mul3A_299 : i32 to index
        %get3A_301 = arith.constant 48 : index
        %get3A_302 = tpu.vector_load %arg11[%get3A_300, %get3A_301] {strides = array<i32>} : memref<416x128xf32, #tpu.memory_space<vmem>>, vector<1x16xf32>,
        %get3A_303 = vector.shape_cast %get3A_302 : vector<1x16xf32> to vector<16xf32>
        %mul3A_304 = vector.broadcast %squeeze3A_297 : f32 to vector<16xf32>
        %mul3A_305 = arith.mulf %mul3A_304, %get3A_303 : vector<16xf32>
        %add3A_306 = arith.addf %get3A_295, %mul3A_305 : vector<16xf32>
        %slice3A_307 = vector.extract_strided_slice %get3A_114 {offsets = [1], sizes = [1], strides = [1]} : vector<16xf32> to vector<1xf32>
        %squeeze3A_308 = vector.extract %slice3A_307[0] : f32 from vector<1xf32>
        %mul3A_309 = arith.constant 4 : i32
        %mul3A_310 = arith.muli %mul3A_309, %while3A_105 : i32
        %add3A_311 = arith.constant 1 : i32
        %add3A_312 = arith.addi %mul3A_310, %add3A_311 : i32
        %get3A_313 = arith.index_cast %add3A_312 : i32 to index
        %get3A_314 = arith.constant 48 : index
        %get3A_315 = tpu.vector_load %arg11[%get3A_313, %get3A_314] {strides = array<i32>} : memref<416x128xf32, #tpu.memory_space<vmem>>, vector<1x16xf32>,
        %get3A_316 = vector.shape_cast %get3A_315 : vector<1x16xf32> to vector<16xf32>
        %mul3A_317 = vector.broadcast %squeeze3A_308 : f32 to vector<16xf32>
        %mul3A_318 = arith.mulf %mul3A_317, %get3A_316 : vector<16xf32>
        %add3A_319 = arith.addf %add3A_306, %mul3A_318 : vector<16xf32>
        %slice3A_320 = vector.extract_strided_slice %get3A_114 {offsets = [2], sizes = [1], strides = [1]} : vector<16xf32> to vector<1xf32>
        %squeeze3A_321 = vector.extract %slice3A_320[0] : f32 from vector<1xf32>
        %mul3A_322 = arith.constant 4 : i32
        %mul3A_323 = arith.muli %mul3A_322, %while3A_105 : i32
        %add3A_324 = arith.constant 2 : i32
        %add3A_325 = arith.addi %mul3A_323, %add3A_324 : i32
        %get3A_326 = arith.index_cast %add3A_325 : i32 to index
        %get3A_327 = arith.constant 48 : index
        %get3A_328 = tpu.vector_load %arg11[%get3A_326, %get3A_327] {strides = array<i32>} : memref<416x128xf32, #tpu.memory_space<vmem>>, vector<1x16xf32>,
        %get3A_329 = vector.shape_cast %get3A_328 : vector<1x16xf32> to vector<16xf32>
        %mul3A_330 = vector.broadcast %squeeze3A_321 : f32 to vector<16xf32>
        %mul3A_331 = arith.mulf %mul3A_330, %get3A_329 : vector<16xf32>
        %add3A_332 = arith.addf %add3A_319, %mul3A_331 : vector<16xf32>
        %slice3A_333 = vector.extract_strided_slice %get3A_114 {offsets = [3], sizes = [1], strides = [1]} : vector<16xf32> to vector<1xf32>
        %squeeze3A_334 = vector.extract %slice3A_333[0] : f32 from vector<1xf32>
        %mul3A_335 = arith.constant 4 : i32
        %mul3A_336 = arith.muli %mul3A_335, %while3A_105 : i32
        %add3A_337 = arith.constant 3 : i32
        %add3A_338 = arith.addi %mul3A_336, %add3A_337 : i32
        %get3A_339 = arith.index_cast %add3A_338 : i32 to index
        %get3A_340 = arith.constant 48 : index
        %get3A_341 = tpu.vector_load %arg11[%get3A_339, %get3A_340] {strides = array<i32>} : memref<416x128xf32, #tpu.memory_space<vmem>>, vector<1x16xf32>,
        %get3A_342 = vector.shape_cast %get3A_341 : vector<1x16xf32> to vector<16xf32>
        %mul3A_343 = vector.broadcast %squeeze3A_334 : f32 to vector<16xf32>
        %mul3A_344 = arith.mulf %mul3A_343, %get3A_342 : vector<16xf32>
        %add3A_345 = arith.addf %add3A_332, %mul3A_344 : vector<16xf32>
        %swap3A_346 = arith.index_cast %squeeze3A : i32 to index
        %swap3A_347 = arith.constant 48 : index
        %swap3A_348 = tpu.vector_load %arg12[%swap3A_346, %swap3A_347] {strides = array<i32>} : memref<104x80xf32, #tpu.memory_space<vmem>>, vector<1x16xf32>,
        %swap3A_349 = vector.shape_cast %swap3A_348 : vector<1x16xf32> to vector<16xf32>
        %swap3A_350 = vector.shape_cast %add3A_345 : vector<16xf32> to vector<1x16xf32>
        tpu.vector_store %arg12[%swap3A_346, %swap3A_347], %swap3A_350 {strides = array<i32>} : memref<104x80xf32, #tpu.memory_space<vmem>>, vector<1x16xf32>,
        %get3A_351 = arith.index_cast %squeeze3A : i32 to index
        %get3A_352 = arith.constant 64 : index
        %get3A_353 = tpu.vector_load %arg12[%get3A_351, %get3A_352] {strides = array<i32>} : memref<104x80xf32, #tpu.memory_space<vmem>>, vector<1x16xf32>,
        %get3A_354 = vector.shape_cast %get3A_353 : vector<1x16xf32> to vector<16xf32>
        %slice3A_355 = vector.extract_strided_slice %get3A_114 {offsets = [0], sizes = [1], strides = [1]} : vector<16xf32> to vector<1xf32>
        %squeeze3A_356 = vector.extract %slice3A_355[0] : f32 from vector<1xf32>
        %mul3A_357 = arith.constant 4 : i32
        %mul3A_358 = arith.muli %mul3A_357, %while3A_105 : i32
        %get3A_359 = arith.index_cast %mul3A_358 : i32 to index
        %get3A_360 = arith.constant 64 : index
        %get3A_361 = tpu.vector_load %arg11[%get3A_359, %get3A_360] {strides = array<i32>} : memref<416x128xf32, #tpu.memory_space<vmem>>, vector<1x16xf32>,
        %get3A_362 = vector.shape_cast %get3A_361 : vector<1x16xf32> to vector<16xf32>
        %mul3A_363 = vector.broadcast %squeeze3A_356 : f32 to vector<16xf32>
        %mul3A_364 = arith.mulf %mul3A_363, %get3A_362 : vector<16xf32>
        %add3A_365 = arith.addf %get3A_354, %mul3A_364 : vector<16xf32>
        %slice3A_366 = vector.extract_strided_slice %get3A_114 {offsets = [1], sizes = [1], strides = [1]} : vector<16xf32> to vector<1xf32>
        %squeeze3A_367 = vector.extract %slice3A_366[0] : f32 from vector<1xf32>
        %mul3A_368 = arith.constant 4 : i32
        %mul3A_369 = arith.muli %mul3A_368, %while3A_105 : i32
        %add3A_370 = arith.constant 1 : i32
        %add3A_371 = arith.addi %mul3A_369, %add3A_370 : i32
        %get3A_372 = arith.index_cast %add3A_371 : i32 to index
        %get3A_373 = arith.constant 64 : index
        %get3A_374 = tpu.vector_load %arg11[%get3A_372, %get3A_373] {strides = array<i32>} : memref<416x128xf32, #tpu.memory_space<vmem>>, vector<1x16xf32>,
        %get3A_375 = vector.shape_cast %get3A_374 : vector<1x16xf32> to vector<16xf32>
        %mul3A_376 = vector.broadcast %squeeze3A_367 : f32 to vector<16xf32>
        %mul3A_377 = arith.mulf %mul3A_376, %get3A_375 : vector<16xf32>
        %add3A_378 = arith.addf %add3A_365, %mul3A_377 : vector<16xf32>
        %slice3A_379 = vector.extract_strided_slice %get3A_114 {offsets = [2], sizes = [1], strides = [1]} : vector<16xf32> to vector<1xf32>
        %squeeze3A_380 = vector.extract %slice3A_379[0] : f32 from vector<1xf32>
        %mul3A_381 = arith.constant 4 : i32
        %mul3A_382 = arith.muli %mul3A_381, %while3A_105 : i32
        %add3A_383 = arith.constant 2 : i32
        %add3A_384 = arith.addi %mul3A_382, %add3A_383 : i32
        %get3A_385 = arith.index_cast %add3A_384 : i32 to index
        %get3A_386 = arith.constant 64 : index
        %get3A_387 = tpu.vector_load %arg11[%get3A_385, %get3A_386] {strides = array<i32>} : memref<416x128xf32, #tpu.memory_space<vmem>>, vector<1x16xf32>,
        %get3A_388 = vector.shape_cast %get3A_387 : vector<1x16xf32> to vector<16xf32>
        %mul3A_389 = vector.broadcast %squeeze3A_380 : f32 to vector<16xf32>
        %mul3A_390 = arith.mulf %mul3A_389, %get3A_388 : vector<16xf32>
        %add3A_391 = arith.addf %add3A_378, %mul3A_390 : vector<16xf32>
        %slice3A_392 = vector.extract_strided_slice %get3A_114 {offsets = [3], sizes = [1], strides = [1]} : vector<16xf32> to vector<1xf32>
        %squeeze3A_393 = vector.extract %slice3A_392[0] : f32 from vector<1xf32>
        %mul3A_394 = arith.constant 4 : i32
        %mul3A_395 = arith.muli %mul3A_394, %while3A_105 : i32
        %add3A_396 = arith.constant 3 : i32
        %add3A_397 = arith.addi %mul3A_395, %add3A_396 : i32
        %get3A_398 = arith.index_cast %add3A_397 : i32 to index
        %get3A_399 = arith.constant 64 : index
        %get3A_400 = tpu.vector_load %arg11[%get3A_398, %get3A_399] {strides = array<i32>} : memref<416x128xf32, #tpu.memory_space<vmem>>, vector<1x16xf32>,
        %get3A_401 = vector.shape_cast %get3A_400 : vector<1x16xf32> to vector<16xf32>
        %mul3A_402 = vector.broadcast %squeeze3A_393 : f32 to vector<16xf32>
        %mul3A_403 = arith.mulf %mul3A_402, %get3A_401 : vector<16xf32>
        %add3A_404 = arith.addf %add3A_391, %mul3A_403 : vector<16xf32>
        %swap3A_405 = arith.index_cast %squeeze3A : i32 to index
        %swap3A_406 = arith.constant 64 : index
        %swap3A_407 = tpu.vector_load %arg12[%swap3A_405, %swap3A_406] {strides = array<i32>} : memref<104x80xf32, #tpu.memory_space<vmem>>, vector<1x16xf32>,
        %swap3A_408 = vector.shape_cast %swap3A_407 : vector<1x16xf32> to vector<16xf32>
        %swap3A_409 = vector.shape_cast %add3A_404 : vector<16xf32> to vector<1x16xf32>
        tpu.vector_store %arg12[%swap3A_405, %swap3A_406], %swap3A_409 {strides = array<i32>} : memref<104x80xf32, #tpu.memory_space<vmem>>, vector<1x16xf32>,
      }
      %while3A_104 = arith.constant 1 : i32
      scf.for %while3A_105 = %while3A_102 to %while3A_98 step %while3A_104  : i32 {
        %mul3A_106 = arith.constant 4 : i32
        %mul3A_107 = arith.muli %mul3A_106, %while3A_105 : i32
        %get3A = arith.index_cast %mul3A_107 : i32 to index
        %get3A_108 = tpu.vector_load %arg10[%get3A] {strides = array<i32>} : memref<512xi32, #tpu.memory_space<vmem>>, vector<16xi32>,
        %get3A_109 = vector.shape_cast %get3A_108 : vector<16xi32> to vector<16xi32>
        %slice3A = vector.extract_strided_slice %get3A_109 {offsets = [0], sizes = [1], strides = [1]} : vector<16xi32> to vector<1xi32>
        %squeeze3A = vector.extract %slice3A[0] : i32 from vector<1xi32>
        %mul3A_110 = arith.constant 4 : i32
        %mul3A_111 = arith.muli %mul3A_110, %while3A_105 : i32
        %get3A_112 = arith.index_cast %mul3A_111 : i32 to index
        %get3A_113 = tpu.vector_load %arg9[%get3A_112] {strides = array<i32>} : memref<512xf32, #tpu.memory_space<vmem>>, vector<16xf32>,
        %get3A_114 = vector.shape_cast %get3A_113 : vector<16xf32> to vector<16xf32>
        %get3A_115 = arith.index_cast %squeeze3A : i32 to index
        %get3A_116 = arith.constant 0 : index
        %get3A_117 = tpu.vector_load %arg12[%get3A_115, %get3A_116] {strides = array<i32>} : memref<104x80xf32, #tpu.memory_space<vmem>>, vector<1x16xf32>,
        %get3A_118 = vector.shape_cast %get3A_117 : vector<1x16xf32> to vector<16xf32>
        %slice3A_119 = vector.extract_strided_slice %get3A_114 {offsets = [0], sizes = [1], strides = [1]} : vector<16xf32> to vector<1xf32>
        %squeeze3A_120 = vector.extract %slice3A_119[0] : f32 from vector<1xf32>
        %mul3A_121 = arith.constant 4 : i32
        %mul3A_122 = arith.muli %mul3A_121, %while3A_105 : i32
        %get3A_123 = arith.index_cast %mul3A_122 : i32 to index
        %get3A_124 = arith.constant 0 : index
        %get3A_125 = tpu.vector_load %arg11[%get3A_123, %get3A_124] {strides = array<i32>} : memref<416x128xf32, #tpu.memory_space<vmem>>, vector<1x16xf32>,
        %get3A_126 = vector.shape_cast %get3A_125 : vector<1x16xf32> to vector<16xf32>
        %mul3A_127 = vector.broadcast %squeeze3A_120 : f32 to vector<16xf32>
        %mul3A_128 = arith.mulf %mul3A_127, %get3A_126 : vector<16xf32>
        %add3A_129 = arith.addf %get3A_118, %mul3A_128 : vector<16xf32>
        %slice3A_130 = vector.extract_strided_slice %get3A_114 {offsets = [1], sizes = [1], strides = [1]} : vector<16xf32> to vector<1xf32>
        %squeeze3A_131 = vector.extract %slice3A_130[0] : f32 from vector<1xf32>
        %mul3A_132 = arith.constant 4 : i32
        %mul3A_133 = arith.muli %mul3A_132, %while3A_105 : i32
        %add3A_134 = arith.constant 1 : i32
        %add3A_135 = arith.addi %mul3A_133, %add3A_134 : i32
        %get3A_136 = arith.index_cast %add3A_135 : i32 to index
        %get3A_137 = arith.constant 0 : index
        %get3A_138 = tpu.vector_load %arg11[%get3A_136, %get3A_137] {strides = array<i32>} : memref<416x128xf32, #tpu.memory_space<vmem>>, vector<1x16xf32>,
        %get3A_139 = vector.shape_cast %get3A_138 : vector<1x16xf32> to vector<16xf32>
        %mul3A_140 = vector.broadcast %squeeze3A_131 : f32 to vector<16xf32>
        %mul3A_141 = arith.mulf %mul3A_140, %get3A_139 : vector<16xf32>
        %add3A_142 = arith.addf %add3A_129, %mul3A_141 : vector<16xf32>
        %slice3A_143 = vector.extract_strided_slice %get3A_114 {offsets = [2], sizes = [1], strides = [1]} : vector<16xf32> to vector<1xf32>
        %squeeze3A_144 = vector.extract %slice3A_143[0] : f32 from vector<1xf32>
        %mul3A_145 = arith.constant 4 : i32
        %mul3A_146 = arith.muli %mul3A_145, %while3A_105 : i32
        %add3A_147 = arith.constant 2 : i32
        %add3A_148 = arith.addi %mul3A_146, %add3A_147 : i32
        %get3A_149 = arith.index_cast %add3A_148 : i32 to index
        %get3A_150 = arith.constant 0 : index
        %get3A_151 = tpu.vector_load %arg11[%get3A_149, %get3A_150] {strides = array<i32>} : memref<416x128xf32, #tpu.memory_space<vmem>>, vector<1x16xf32>,
        %get3A_152 = vector.shape_cast %get3A_151 : vector<1x16xf32> to vector<16xf32>
        %mul3A_153 = vector.broadcast %squeeze3A_144 : f32 to vector<16xf32>
        %mul3A_154 = arith.mulf %mul3A_153, %get3A_152 : vector<16xf32>
        %add3A_155 = arith.addf %add3A_142, %mul3A_154 : vector<16xf32>
        %slice3A_156 = vector.extract_strided_slice %get3A_114 {offsets = [3], sizes = [1], strides = [1]} : vector<16xf32> to vector<1xf32>
        %squeeze3A_157 = vector.extract %slice3A_156[0] : f32 from vector<1xf32>
        %mul3A_158 = arith.constant 4 : i32
        %mul3A_159 = arith.muli %mul3A_158, %while3A_105 : i32
        %add3A_160 = arith.constant 3 : i32
        %add3A_161 = arith.addi %mul3A_159, %add3A_160 : i32
        %get3A_162 = arith.index_cast %add3A_161 : i32 to index
        %get3A_163 = arith.constant 0 : index
        %get3A_164 = tpu.vector_load %arg11[%get3A_162, %get3A_163] {strides = array<i32>} : memref<416x128xf32, #tpu.memory_space<vmem>>, vector<1x16xf32>,
        %get3A_165 = vector.shape_cast %get3A_164 : vector<1x16xf32> to vector<16xf32>
        %mul3A_166 = vector.broadcast %squeeze3A_157 : f32 to vector<16xf32>
        %mul3A_167 = arith.mulf %mul3A_166, %get3A_165 : vector<16xf32>
        %add3A_168 = arith.addf %add3A_155, %mul3A_167 : vector<16xf32>
        %swap3A_169 = arith.index_cast %squeeze3A : i32 to index
        %swap3A_170 = arith.constant 0 : index
        %swap3A_171 = tpu.vector_load %arg12[%swap3A_169, %swap3A_170] {strides = array<i32>} : memref<104x80xf32, #tpu.memory_space<vmem>>, vector<1x16xf32>,
        %swap3A_172 = vector.shape_cast %swap3A_171 : vector<1x16xf32> to vector<16xf32>
        %swap3A_173 = vector.shape_cast %add3A_168 : vector<16xf32> to vector<1x16xf32>
        tpu.vector_store %arg12[%swap3A_169, %swap3A_170], %swap3A_173 {strides = array<i32>} : memref<104x80xf32, #tpu.memory_space<vmem>>, vector<1x16xf32>,
        %get3A_174 = arith.index_cast %squeeze3A : i32 to index
        %get3A_175 = arith.constant 16 : index
        %get3A_176 = tpu.vector_load %arg12[%get3A_174, %get3A_175] {strides = array<i32>} : memref<104x80xf32, #tpu.memory_space<vmem>>, vector<1x16xf32>,
        %get3A_177 = vector.shape_cast %get3A_176 : vector<1x16xf32> to vector<16xf32>
        %slice3A_178 = vector.extract_strided_slice %get3A_114 {offsets = [0], sizes = [1], strides = [1]} : vector<16xf32> to vector<1xf32>
        %squeeze3A_179 = vector.extract %slice3A_178[0] : f32 from vector<1xf32>
        %mul3A_180 = arith.constant 4 : i32
        %mul3A_181 = arith.muli %mul3A_180, %while3A_105 : i32
        %get3A_182 = arith.index_cast %mul3A_181 : i32 to index
        %get3A_183 = arith.constant 16 : index
        %get3A_184 = tpu.vector_load %arg11[%get3A_182, %get3A_183] {strides = array<i32>} : memref<416x128xf32, #tpu.memory_space<vmem>>, vector<1x16xf32>,
        %get3A_185 = vector.shape_cast %get3A_184 : vector<1x16xf32> to vector<16xf32>
        %mul3A_186 = vector.broadcast %squeeze3A_179 : f32 to vector<16xf32>
        %mul3A_187 = arith.mulf %mul3A_186, %get3A_185 : vector<16xf32>
        %add3A_188 = arith.addf %get3A_177, %mul3A_187 : vector<16xf32>
        %slice3A_189 = vector.extract_strided_slice %get3A_114 {offsets = [1], sizes = [1], strides = [1]} : vector<16xf32> to vector<1xf32>
        %squeeze3A_190 = vector.extract %slice3A_189[0] : f32 from vector<1xf32>
        %mul3A_191 = arith.constant 4 : i32
        %mul3A_192 = arith.muli %mul3A_191, %while3A_105 : i32
        %add3A_193 = arith.constant 1 : i32
        %add3A_194 = arith.addi %mul3A_192, %add3A_193 : i32
        %get3A_195 = arith.index_cast %add3A_194 : i32 to index
        %get3A_196 = arith.constant 16 : index
        %get3A_197 = tpu.vector_load %arg11[%get3A_195, %get3A_196] {strides = array<i32>} : memref<416x128xf32, #tpu.memory_space<vmem>>, vector<1x16xf32>,
        %get3A_198 = vector.shape_cast %get3A_197 : vector<1x16xf32> to vector<16xf32>
        %mul3A_199 = vector.broadcast %squeeze3A_190 : f32 to vector<16xf32>
        %mul3A_200 = arith.mulf %mul3A_199, %get3A_198 : vector<16xf32>
        %add3A_201 = arith.addf %add3A_188, %mul3A_200 : vector<16xf32>
        %slice3A_202 = vector.extract_strided_slice %get3A_114 {offsets = [2], sizes = [1], strides = [1]} : vector<16xf32> to vector<1xf32>
        %squeeze3A_203 = vector.extract %slice3A_202[0] : f32 from vector<1xf32>
        %mul3A_204 = arith.constant 4 : i32
        %mul3A_205 = arith.muli %mul3A_204, %while3A_105 : i32
        %add3A_206 = arith.constant 2 : i32
        %add3A_207 = arith.addi %mul3A_205, %add3A_206 : i32
        %get3A_208 = arith.index_cast %add3A_207 : i32 to index
        %get3A_209 = arith.constant 16 : index
        %get3A_210 = tpu.vector_load %arg11[%get3A_208, %get3A_209] {strides = array<i32>} : memref<416x128xf32, #tpu.memory_space<vmem>>, vector<1x16xf32>,
        %get3A_211 = vector.shape_cast %get3A_210 : vector<1x16xf32> to vector<16xf32>
        %mul3A_212 = vector.broadcast %squeeze3A_203 : f32 to vector<16xf32>
        %mul3A_213 = arith.mulf %mul3A_212, %get3A_211 : vector<16xf32>
        %add3A_214 = arith.addf %add3A_201, %mul3A_213 : vector<16xf32>
        %slice3A_215 = vector.extract_strided_slice %get3A_114 {offsets = [3], sizes = [1], strides = [1]} : vector<16xf32> to vector<1xf32>
        %squeeze3A_216 = vector.extract %slice3A_215[0] : f32 from vector<1xf32>
        %mul3A_217 = arith.constant 4 : i32
        %mul3A_218 = arith.muli %mul3A_217, %while3A_105 : i32
        %add3A_219 = arith.constant 3 : i32
        %add3A_220 = arith.addi %mul3A_218, %add3A_219 : i32
        %get3A_221 = arith.index_cast %add3A_220 : i32 to index
        %get3A_222 = arith.constant 16 : index
        %get3A_223 = tpu.vector_load %arg11[%get3A_221, %get3A_222] {strides = array<i32>} : memref<416x128xf32, #tpu.memory_space<vmem>>, vector<1x16xf32>,
        %get3A_224 = vector.shape_cast %get3A_223 : vector<1x16xf32> to vector<16xf32>
        %mul3A_225 = vector.broadcast %squeeze3A_216 : f32 to vector<16xf32>
        %mul3A_226 = arith.mulf %mul3A_225, %get3A_224 : vector<16xf32>
        %add3A_227 = arith.addf %add3A_214, %mul3A_226 : vector<16xf32>
        %swap3A_228 = arith.index_cast %squeeze3A : i32 to index
        %swap3A_229 = arith.constant 16 : index
        %swap3A_230 = tpu.vector_load %arg12[%swap3A_228, %swap3A_229] {strides = array<i32>} : memref<104x80xf32, #tpu.memory_space<vmem>>, vector<1x16xf32>,
        %swap3A_231 = vector.shape_cast %swap3A_230 : vector<1x16xf32> to vector<16xf32>
        %swap3A_232 = vector.shape_cast %add3A_227 : vector<16xf32> to vector<1x16xf32>
        tpu.vector_store %arg12[%swap3A_228, %swap3A_229], %swap3A_232 {strides = array<i32>} : memref<104x80xf32, #tpu.memory_space<vmem>>, vector<1x16xf32>,
        %get3A_233 = arith.index_cast %squeeze3A : i32 to index
        %get3A_234 = arith.constant 32 : index
        %get3A_235 = tpu.vector_load %arg12[%get3A_233, %get3A_234] {strides = array<i32>} : memref<104x80xf32, #tpu.memory_space<vmem>>, vector<1x16xf32>,
        %get3A_236 = vector.shape_cast %get3A_235 : vector<1x16xf32> to vector<16xf32>
        %slice3A_237 = vector.extract_strided_slice %get3A_114 {offsets = [0], sizes = [1], strides = [1]} : vector<16xf32> to vector<1xf32>
        %squeeze3A_238 = vector.extract %slice3A_237[0] : f32 from vector<1xf32>
        %mul3A_239 = arith.constant 4 : i32
        %mul3A_240 = arith.muli %mul3A_239, %while3A_105 : i32
        %get3A_241 = arith.index_cast %mul3A_240 : i32 to index
        %get3A_242 = arith.constant 32 : index
        %get3A_243 = tpu.vector_load %arg11[%get3A_241, %get3A_242] {strides = array<i32>} : memref<416x128xf32, #tpu.memory_space<vmem>>, vector<1x16xf32>,
        %get3A_244 = vector.shape_cast %get3A_243 : vector<1x16xf32> to vector<16xf32>
        %mul3A_245 = vector.broadcast %squeeze3A_238 : f32 to vector<16xf32>
        %mul3A_246 = arith.mulf %mul3A_245, %get3A_244 : vector<16xf32>
        %add3A_247 = arith.addf %get3A_236, %mul3A_246 : vector<16xf32>
        %slice3A_248 = vector.extract_strided_slice %get3A_114 {offsets = [1], sizes = [1], strides = [1]} : vector<16xf32> to vector<1xf32>
        %squeeze3A_249 = vector.extract %slice3A_248[0] : f32 from vector<1xf32>
        %mul3A_250 = arith.constant 4 : i32
        %mul3A_251 = arith.muli %mul3A_250, %while3A_105 : i32
        %add3A_252 = arith.constant 1 : i32
        %add3A_253 = arith.addi %mul3A_251, %add3A_252 : i32
        %get3A_254 = arith.index_cast %add3A_253 : i32 to index
        %get3A_255 = arith.constant 32 : index
        %get3A_256 = tpu.vector_load %arg11[%get3A_254, %get3A_255] {strides = array<i32>} : memref<416x128xf32, #tpu.memory_space<vmem>>, vector<1x16xf32>,
        %get3A_257 = vector.shape_cast %get3A_256 : vector<1x16xf32> to vector<16xf32>
        %mul3A_258 = vector.broadcast %squeeze3A_249 : f32 to vector<16xf32>
        %mul3A_259 = arith.mulf %mul3A_258, %get3A_257 : vector<16xf32>
        %add3A_260 = arith.addf %add3A_247, %mul3A_259 : vector<16xf32>
        %slice3A_261 = vector.extract_strided_slice %get3A_114 {offsets = [2], sizes = [1], strides = [1]} : vector<16xf32> to vector<1xf32>
        %squeeze3A_262 = vector.extract %slice3A_261[0] : f32 from vector<1xf32>
        %mul3A_263 = arith.constant 4 : i32
        %mul3A_264 = arith.muli %mul3A_263, %while3A_105 : i32
        %add3A_265 = arith.constant 2 : i32
        %add3A_266 = arith.addi %mul3A_264, %add3A_265 : i32
        %get3A_267 = arith.index_cast %add3A_266 : i32 to index
        %get3A_268 = arith.constant 32 : index
        %get3A_269 = tpu.vector_load %arg11[%get3A_267, %get3A_268] {strides = array<i32>} : memref<416x128xf32, #tpu.memory_space<vmem>>, vector<1x16xf32>,
        %get3A_270 = vector.shape_cast %get3A_269 : vector<1x16xf32> to vector<16xf32>
        %mul3A_271 = vector.broadcast %squeeze3A_262 : f32 to vector<16xf32>
        %mul3A_272 = arith.mulf %mul3A_271, %get3A_270 : vector<16xf32>
        %add3A_273 = arith.addf %add3A_260, %mul3A_272 : vector<16xf32>
        %slice3A_274 = vector.extract_strided_slice %get3A_114 {offsets = [3], sizes = [1], strides = [1]} : vector<16xf32> to vector<1xf32>
        %squeeze3A_275 = vector.extract %slice3A_274[0] : f32 from vector<1xf32>
        %mul3A_276 = arith.constant 4 : i32
        %mul3A_277 = arith.muli %mul3A_276, %while3A_105 : i32
        %add3A_278 = arith.constant 3 : i32
        %add3A_279 = arith.addi %mul3A_277, %add3A_278 : i32
        %get3A_280 = arith.index_cast %add3A_279 : i32 to index
        %get3A_281 = arith.constant 32 : index
        %get3A_282 = tpu.vector_load %arg11[%get3A_280, %get3A_281] {strides = array<i32>} : memref<416x128xf32, #tpu.memory_space<vmem>>, vector<1x16xf32>,
        %get3A_283 = vector.shape_cast %get3A_282 : vector<1x16xf32> to vector<16xf32>
        %mul3A_284 = vector.broadcast %squeeze3A_275 : f32 to vector<16xf32>
        %mul3A_285 = arith.mulf %mul3A_284, %get3A_283 : vector<16xf32>
        %add3A_286 = arith.addf %add3A_273, %mul3A_285 : vector<16xf32>
        %swap3A_287 = arith.index_cast %squeeze3A : i32 to index
        %swap3A_288 = arith.constant 32 : index
        %swap3A_289 = tpu.vector_load %arg12[%swap3A_287, %swap3A_288] {strides = array<i32>} : memref<104x80xf32, #tpu.memory_space<vmem>>, vector<1x16xf32>,
        %swap3A_290 = vector.shape_cast %swap3A_289 : vector<1x16xf32> to vector<16xf32>
        %swap3A_291 = vector.shape_cast %add3A_286 : vector<16xf32> to vector<1x16xf32>
        tpu.vector_store %arg12[%swap3A_287, %swap3A_288], %swap3A_291 {strides = array<i32>} : memref<104x80xf32, #tpu.memory_space<vmem>>, vector<1x16xf32>,
        %get3A_292 = arith.index_cast %squeeze3A : i32 to index
        %get3A_293 = arith.constant 48 : index
        %get3A_294 = tpu.vector_load %arg12[%get3A_292, %get3A_293] {strides = array<i32>} : memref<104x80xf32, #tpu.memory_space<vmem>>, vector<1x16xf32>,
        %get3A_295 = vector.shape_cast %get3A_294 : vector<1x16xf32> to vector<16xf32>
        %slice3A_296 = vector.extract_strided_slice %get3A_114 {offsets = [0], sizes = [1], strides = [1]} : vector<16xf32> to vector<1xf32>
        %squeeze3A_297 = vector.extract %slice3A_296[0] : f32 from vector<1xf32>
        %mul3A_298 = arith.constant 4 : i32
        %mul3A_299 = arith.muli %mul3A_298, %while3A_105 : i32
        %get3A_300 = arith.index_cast %mul3A_299 : i32 to index
        %get3A_301 = arith.constant 48 : index
        %get3A_302 = tpu.vector_load %arg11[%get3A_300, %get3A_301] {strides = array<i32>} : memref<416x128xf32, #tpu.memory_space<vmem>>, vector<1x16xf32>,
        %get3A_303 = vector.shape_cast %get3A_302 : vector<1x16xf32> to vector<16xf32>
        %mul3A_304 = vector.broadcast %squeeze3A_297 : f32 to vector<16xf32>
        %mul3A_305 = arith.mulf %mul3A_304, %get3A_303 : vector<16xf32>
        %add3A_306 = arith.addf %get3A_295, %mul3A_305 : vector<16xf32>
        %slice3A_307 = vector.extract_strided_slice %get3A_114 {offsets = [1], sizes = [1], strides = [1]} : vector<16xf32> to vector<1xf32>
        %squeeze3A_308 = vector.extract %slice3A_307[0] : f32 from vector<1xf32>
        %mul3A_309 = arith.constant 4 : i32
        %mul3A_310 = arith.muli %mul3A_309, %while3A_105 : i32
        %add3A_311 = arith.constant 1 : i32
        %add3A_312 = arith.addi %mul3A_310, %add3A_311 : i32
        %get3A_313 = arith.index_cast %add3A_312 : i32 to index
        %get3A_314 = arith.constant 48 : index
        %get3A_315 = tpu.vector_load %arg11[%get3A_313, %get3A_314] {strides = array<i32>} : memref<416x128xf32, #tpu.memory_space<vmem>>, vector<1x16xf32>,
        %get3A_316 = vector.shape_cast %get3A_315 : vector<1x16xf32> to vector<16xf32>
        %mul3A_317 = vector.broadcast %squeeze3A_308 : f32 to vector<16xf32>
        %mul3A_318 = arith.mulf %mul3A_317, %get3A_316 : vector<16xf32>
        %add3A_319 = arith.addf %add3A_306, %mul3A_318 : vector<16xf32>
        %slice3A_320 = vector.extract_strided_slice %get3A_114 {offsets = [2], sizes = [1], strides = [1]} : vector<16xf32> to vector<1xf32>
        %squeeze3A_321 = vector.extract %slice3A_320[0] : f32 from vector<1xf32>
        %mul3A_322 = arith.constant 4 : i32
        %mul3A_323 = arith.muli %mul3A_322, %while3A_105 : i32
        %add3A_324 = arith.constant 2 : i32
        %add3A_325 = arith.addi %mul3A_323, %add3A_324 : i32
        %get3A_326 = arith.index_cast %add3A_325 : i32 to index
        %get3A_327 = arith.constant 48 : index
        %get3A_328 = tpu.vector_load %arg11[%get3A_326, %get3A_327] {strides = array<i32>} : memref<416x128xf32, #tpu.memory_space<vmem>>, vector<1x16xf32>,
        %get3A_329 = vector.shape_cast %get3A_328 : vector<1x16xf32> to vector<16xf32>
        %mul3A_330 = vector.broadcast %squeeze3A_321 : f32 to vector<16xf32>
        %mul3A_331 = arith.mulf %mul3A_330, %get3A_329 : vector<16xf32>
        %add3A_332 = arith.addf %add3A_319, %mul3A_331 : vector<16xf32>
        %slice3A_333 = vector.extract_strided_slice %get3A_114 {offsets = [3], sizes = [1], strides = [1]} : vector<16xf32> to vector<1xf32>
        %squeeze3A_334 = vector.extract %slice3A_333[0] : f32 from vector<1xf32>
        %mul3A_335 = arith.constant 4 : i32
        %mul3A_336 = arith.muli %mul3A_335, %while3A_105 : i32
        %add3A_337 = arith.constant 3 : i32
        %add3A_338 = arith.addi %mul3A_336, %add3A_337 : i32
        %get3A_339 = arith.index_cast %add3A_338 : i32 to index
        %get3A_340 = arith.constant 48 : index
        %get3A_341 = tpu.vector_load %arg11[%get3A_339, %get3A_340] {strides = array<i32>} : memref<416x128xf32, #tpu.memory_space<vmem>>, vector<1x16xf32>,
        %get3A_342 = vector.shape_cast %get3A_341 : vector<1x16xf32> to vector<16xf32>
        %mul3A_343 = vector.broadcast %squeeze3A_334 : f32 to vector<16xf32>
        %mul3A_344 = arith.mulf %mul3A_343, %get3A_342 : vector<16xf32>
        %add3A_345 = arith.addf %add3A_332, %mul3A_344 : vector<16xf32>
        %swap3A_346 = arith.index_cast %squeeze3A : i32 to index
        %swap3A_347 = arith.constant 48 : index
        %swap3A_348 = tpu.vector_load %arg12[%swap3A_346, %swap3A_347] {strides = array<i32>} : memref<104x80xf32, #tpu.memory_space<vmem>>, vector<1x16xf32>,
        %swap3A_349 = vector.shape_cast %swap3A_348 : vector<1x16xf32> to vector<16xf32>
        %swap3A_350 = vector.shape_cast %add3A_345 : vector<16xf32> to vector<1x16xf32>
        tpu.vector_store %arg12[%swap3A_346, %swap3A_347], %swap3A_350 {strides = array<i32>} : memref<104x80xf32, #tpu.memory_space<vmem>>, vector<1x16xf32>,
        %get3A_351 = arith.index_cast %squeeze3A : i32 to index
        %get3A_352 = arith.constant 64 : index
        %get3A_353 = tpu.vector_load %arg12[%get3A_351, %get3A_352] {strides = array<i32>} : memref<104x80xf32, #tpu.memory_space<vmem>>, vector<1x16xf32>,
        %get3A_354 = vector.shape_cast %get3A_353 : vector<1x16xf32> to vector<16xf32>
        %slice3A_355 = vector.extract_strided_slice %get3A_114 {offsets = [0], sizes = [1], strides = [1]} : vector<16xf32> to vector<1xf32>
        %squeeze3A_356 = vector.extract %slice3A_355[0] : f32 from vector<1xf32>
        %mul3A_357 = arith.constant 4 : i32
        %mul3A_358 = arith.muli %mul3A_357, %while3A_105 : i32
        %get3A_359 = arith.index_cast %mul3A_358 : i32 to index
        %get3A_360 = arith.constant 64 : index
        %get3A_361 = tpu.vector_load %arg11[%get3A_359, %get3A_360] {strides = array<i32>} : memref<416x128xf32, #tpu.memory_space<vmem>>, vector<1x16xf32>,
        %get3A_362 = vector.shape_cast %get3A_361 : vector<1x16xf32> to vector<16xf32>
        %mul3A_363 = vector.broadcast %squeeze3A_356 : f32 to vector<16xf32>
        %mul3A_364 = arith.mulf %mul3A_363, %get3A_362 : vector<16xf32>
        %add3A_365 = arith.addf %get3A_354, %mul3A_364 : vector<16xf32>
        %slice3A_366 = vector.extract_strided_slice %get3A_114 {offsets = [1], sizes = [1], strides = [1]} : vector<16xf32> to vector<1xf32>
        %squeeze3A_367 = vector.extract %slice3A_366[0] : f32 from vector<1xf32>
        %mul3A_368 = arith.constant 4 : i32
        %mul3A_369 = arith.muli %mul3A_368, %while3A_105 : i32
        %add3A_370 = arith.constant 1 : i32
        %add3A_371 = arith.addi %mul3A_369, %add3A_370 : i32
        %get3A_372 = arith.index_cast %add3A_371 : i32 to index
        %get3A_373 = arith.constant 64 : index
        %get3A_374 = tpu.vector_load %arg11[%get3A_372, %get3A_373] {strides = array<i32>} : memref<416x128xf32, #tpu.memory_space<vmem>>, vector<1x16xf32>,
        %get3A_375 = vector.shape_cast %get3A_374 : vector<1x16xf32> to vector<16xf32>
        %mul3A_376 = vector.broadcast %squeeze3A_367 : f32 to vector<16xf32>
        %mul3A_377 = arith.mulf %mul3A_376, %get3A_375 : vector<16xf32>
        %add3A_378 = arith.addf %add3A_365, %mul3A_377 : vector<16xf32>
        %slice3A_379 = vector.extract_strided_slice %get3A_114 {offsets = [2], sizes = [1], strides = [1]} : vector<16xf32> to vector<1xf32>
        %squeeze3A_380 = vector.extract %slice3A_379[0] : f32 from vector<1xf32>
        %mul3A_381 = arith.constant 4 : i32
        %mul3A_382 = arith.muli %mul3A_381, %while3A_105 : i32
        %add3A_383 = arith.constant 2 : i32
        %add3A_384 = arith.addi %mul3A_382, %add3A_383 : i32
        %get3A_385 = arith.index_cast %add3A_384 : i32 to index
        %get3A_386 = arith.constant 64 : index
        %get3A_387 = tpu.vector_load %arg11[%get3A_385, %get3A_386] {strides = array<i32>} : memref<416x128xf32, #tpu.memory_space<vmem>>, vector<1x16xf32>,
        %get3A_388 = vector.shape_cast %get3A_387 : vector<1x16xf32> to vector<16xf32>
        %mul3A_389 = vector.broadcast %squeeze3A_380 : f32 to vector<16xf32>
        %mul3A_390 = arith.mulf %mul3A_389, %get3A_388 : vector<16xf32>
        %add3A_391 = arith.addf %add3A_378, %mul3A_390 : vector<16xf32>
        %slice3A_392 = vector.extract_strided_slice %get3A_114 {offsets = [3], sizes = [1], strides = [1]} : vector<16xf32> to vector<1xf32>
        %squeeze3A_393 = vector.extract %slice3A_392[0] : f32 from vector<1xf32>
        %mul3A_394 = arith.constant 4 : i32
        %mul3A_395 = arith.muli %mul3A_394, %while3A_105 : i32
        %add3A_396 = arith.constant 3 : i32
        %add3A_397 = arith.addi %mul3A_395, %add3A_396 : i32
        %get3A_398 = arith.index_cast %add3A_397 : i32 to index
        %get3A_399 = arith.constant 64 : index
        %get3A_400 = tpu.vector_load %arg11[%get3A_398, %get3A_399] {strides = array<i32>} : memref<416x128xf32, #tpu.memory_space<vmem>>, vector<1x16xf32>,
        %get3A_401 = vector.shape_cast %get3A_400 : vector<1x16xf32> to vector<16xf32>
        %mul3A_402 = vector.broadcast %squeeze3A_393 : f32 to vector<16xf32>
        %mul3A_403 = arith.mulf %mul3A_402, %get3A_401 : vector<16xf32>
        %add3A_404 = arith.addf %add3A_391, %mul3A_403 : vector<16xf32>
        %swap3A_405 = arith.index_cast %squeeze3A : i32 to index
        %swap3A_406 = arith.constant 64 : index
        %swap3A_407 = tpu.vector_load %arg12[%swap3A_405, %swap3A_406] {strides = array<i32>} : memref<104x80xf32, #tpu.memory_space<vmem>>, vector<1x16xf32>,
        %swap3A_408 = vector.shape_cast %swap3A_407 : vector<1x16xf32> to vector<16xf32>
        %swap3A_409 = vector.shape_cast %add3A_404 : vector<16xf32> to vector<1x16xf32>
        tpu.vector_store %arg12[%swap3A_405, %swap3A_406], %swap3A_409 {strides = array<i32>} : memref<104x80xf32, #tpu.memory_space<vmem>>, vector<1x16xf32>,
      }
      "tpu.region"() ({
        %run_scoped3A = tpu.sem_alloc : memref<!tpu.dma_semaphore, #tpu.memory_space<semaphore_mem>>
        %dma_start3A = arith.constant 0 : i32
        %dma_start3A_105 = arith.constant 0 : i32
        %dma_start3A_106 = tpu.memref_slice %arg12[%dma_start3A, %dma_start3A_105] : memref<104x80xf32, #tpu.memory_space<vmem>> -> memref<8x80xf32, #tpu.memory_space<vmem>>
        %dma_start3A_107 = arith.constant 0 : i32
        %dma_start3A_108 = tpu.memref_slice %arg5[%multiple_of3A_20, %dma_start3A_107] : memref<40000x80xf32, #tpu.memory_space<hbm>> -> memref<8x80xf32, #tpu.memory_space<hbm>>
        %dma_start3A_109 = arith.constant 0 : i32
        %dma_start3A_110 = tpu.memref_slice %arg5[%multiple_of3A_20, %dma_start3A_109] : memref<40000x80xf32, #tpu.memory_space<hbm>> -> memref<8x80xf32, #tpu.memory_space<hbm>>
        %dma_start3A_111 = arith.constant 0 : i32
        %dma_start3A_112 = arith.constant 0 : i32
        %dma_start3A_113 = tpu.memref_slice %arg12[%dma_start3A_111, %dma_start3A_112] : memref<104x80xf32, #tpu.memory_space<vmem>> -> memref<8x80xf32, #tpu.memory_space<vmem>>
        tpu.enqueue_dma source(%dma_start3A_113 : memref<8x80xf32, #tpu.memory_space<vmem>>) target(%dma_start3A_110 : memref<8x80xf32, #tpu.memory_space<hbm>>) target_semaphore(%run_scoped3A : memref<!tpu.dma_semaphore, #tpu.memory_space<semaphore_mem>>)
        %dma_wait3A = arith.constant 0 : i32
        %dma_wait3A_114 = arith.constant 0 : i32
        %dma_wait3A_115 = tpu.memref_slice %arg12[%dma_wait3A, %dma_wait3A_114] : memref<104x80xf32, #tpu.memory_space<vmem>> -> memref<8x80xf32, #tpu.memory_space<vmem>>
        %dma_wait3A_116 = arith.constant 0 : i32
        %dma_wait3A_117 = tpu.memref_slice %arg5[%multiple_of3A_20, %dma_wait3A_116] : memref<40000x80xf32, #tpu.memory_space<hbm>> -> memref<8x80xf32, #tpu.memory_space<hbm>>
        %dma_wait3A_118 = arith.constant 0 : i32
        %dma_wait3A_119 = tpu.memref_slice %arg5[%multiple_of3A_20, %dma_wait3A_118] : memref<40000x80xf32, #tpu.memory_space<hbm>> -> memref<8x80xf32, #tpu.memory_space<hbm>>
        %dma_wait3A_120 = arith.constant 0 : i32
        %dma_wait3A_121 = arith.constant 0 : i32
        %dma_wait3A_122 = tpu.memref_slice %arg12[%dma_wait3A_120, %dma_wait3A_121] : memref<104x80xf32, #tpu.memory_space<vmem>> -> memref<8x80xf32, #tpu.memory_space<vmem>>
        tpu.wait_dma2 semaphore(%run_scoped3A : memref<!tpu.dma_semaphore, #tpu.memory_space<semaphore_mem>>) src(%dma_wait3A_122 : memref<8x80xf32, #tpu.memory_space<vmem>>) dst(%dma_wait3A_119 : memref<8x80xf32, #tpu.memory_space<hbm>>)
        tpu.yield
      }) : () -> ()
    } else {
    }
    return
  }
}

module attributes {stable_mosaic.version = 14 : i64} {
  func.func @_proj_kernel(%arg0: i32, %arg1: memref<12xf32, #tpu.memory_space<smem>>, %arg2: memref<6x3x40x800xf32, #tpu.memory_space<vmem>>, %arg3: memref<40x800xf32, #tpu.memory_space<vmem>>, %arg4: memref<40x800xi32, #tpu.memory_space<vmem>>, %arg5: memref<40x800xf32, #tpu.memory_space<vmem>>) attributes {dimension_semantics = [#tpu.dimension_semantics<arbitrary>], iteration_bounds = array<i64: 5>, scalar_prefetch = 0 : i64, scratch_operands = 0 : i64, tpu.core_type = #tpu.core_type<tc>, window_params = [{transform_indices = @transform_0, window_bounds = array<i64: 12>}, {transform_indices = @transform_1, window_bounds = array<i64: 6, 3, 40, 800>}, {transform_indices = @transform_2, window_bounds = array<i64: 40, 800>}, {transform_indices = @transform_3, window_bounds = array<i64: 40, 800>}, {transform_indices = @transform_4, window_bounds = array<i64: 40, 800>}]} {
    %broadcast_in_dim3A = arith.constant 0 : i32
    %broadcast_in_dim3A_0 = vector.broadcast %broadcast_in_dim3A : i32 to vector<40x800xi32>
    %broadcast_in_dim3A_1 = arith.constant false
    %broadcast_in_dim3A_2 = vector.broadcast %broadcast_in_dim3A_1 : i1 to vector<40x800xi1>
    %get3A = arith.constant 0 : index
    %get3A_3 = arith.constant 0 : index
    %get3A_4 = arith.constant 0 : index
    %get3A_5 = arith.constant 0 : index
    %get3A_6 = vector.load %arg2[%get3A, %get3A_3, %get3A_4, %get3A_5] : memref<6x3x40x800xf32, #tpu.memory_space<vmem>>, vector<1x1x40x800xf32>
    %get3A_7 = vector.shape_cast %get3A_6 : vector<1x1x40x800xf32> to vector<40x800xf32>
    %get3A_8 = arith.constant 0 : index
    %get3A_9 = arith.constant 1 : index
    %get3A_10 = arith.constant 0 : index
    %get3A_11 = arith.constant 0 : index
    %get3A_12 = vector.load %arg2[%get3A_8, %get3A_9, %get3A_10, %get3A_11] : memref<6x3x40x800xf32, #tpu.memory_space<vmem>>, vector<1x1x40x800xf32>
    %get3A_13 = vector.shape_cast %get3A_12 : vector<1x1x40x800xf32> to vector<40x800xf32>
    %get3A_14 = arith.constant 0 : index
    %get3A_15 = arith.constant 2 : index
    %get3A_16 = arith.constant 0 : index
    %get3A_17 = arith.constant 0 : index
    %get3A_18 = vector.load %arg2[%get3A_14, %get3A_15, %get3A_16, %get3A_17] : memref<6x3x40x800xf32, #tpu.memory_space<vmem>>, vector<1x1x40x800xf32>
    %get3A_19 = vector.shape_cast %get3A_18 : vector<1x1x40x800xf32> to vector<40x800xf32>
    %div3A = arith.divf %get3A_7, %get3A_19 : vector<40x800xf32>
    %get3A_20 = arith.constant 0 : index
    %get3A_21 = memref.load %arg1[%get3A_20] : memref<12xf32, #tpu.memory_space<smem>>
    %add3A = vector.broadcast %get3A_21 : f32 to vector<40x800xf32>
    %add3A_22 = arith.addf %div3A, %add3A : vector<40x800xf32>
    %div3A_23 = arith.divf %get3A_13, %get3A_19 : vector<40x800xf32>
    %get3A_24 = arith.constant 1 : index
    %get3A_25 = memref.load %arg1[%get3A_24] : memref<12xf32, #tpu.memory_space<smem>>
    %add3A_26 = vector.broadcast %get3A_25 : f32 to vector<40x800xf32>
    %add3A_27 = arith.addf %div3A_23, %add3A_26 : vector<40x800xf32>
    %mul3A = arith.constant 2.500000e-01 : f32
    %mul3A_28 = vector.broadcast %mul3A : f32 to vector<40x800xf32>
    %mul3A_29 = arith.mulf %add3A_22, %mul3A_28 : vector<40x800xf32>
    %round3A = math.roundeven %mul3A_29 : vector<40x800xf32>
    %mul3A_30 = arith.constant 2.500000e-01 : f32
    %mul3A_31 = vector.broadcast %mul3A_30 : f32 to vector<40x800xf32>
    %mul3A_32 = arith.mulf %add3A_27, %mul3A_31 : vector<40x800xf32>
    %round3A_33 = math.roundeven %mul3A_32 : vector<40x800xf32>
    %ge3A = arith.constant 0.000000e+00 : f32
    %ge3A_34 = vector.broadcast %ge3A : f32 to vector<40x800xf32>
    %ge3A_35 = arith.cmpf oge, %round3A, %ge3A_34 : vector<40x800xf32>
    %ge3A_36 = arith.constant 0.000000e+00 : f32
    %ge3A_37 = vector.broadcast %ge3A_36 : f32 to vector<40x800xf32>
    %ge3A_38 = arith.cmpf oge, %round3A_33, %ge3A_37 : vector<40x800xf32>
    %and3A = arith.andi %ge3A_35, %ge3A_38 : vector<40x800xi1>
    %lt3A = arith.constant 1.760000e+02 : f32
    %lt3A_39 = vector.broadcast %lt3A : f32 to vector<40x800xf32>
    %lt3A_40 = arith.cmpf olt, %round3A, %lt3A_39 : vector<40x800xf32>
    %and3A_41 = arith.andi %and3A, %lt3A_40 : vector<40x800xi1>
    %lt3A_42 = arith.constant 6.400000e+01 : f32
    %lt3A_43 = vector.broadcast %lt3A_42 : f32 to vector<40x800xf32>
    %lt3A_44 = arith.cmpf olt, %round3A_33, %lt3A_43 : vector<40x800xf32>
    %and3A_45 = arith.andi %and3A_41, %lt3A_44 : vector<40x800xi1>
    %gt3A = arith.constant 0.000000e+00 : f32
    %gt3A_46 = vector.broadcast %gt3A : f32 to vector<40x800xf32>
    %gt3A_47 = arith.cmpf ogt, %get3A_19, %gt3A_46 : vector<40x800xf32>
    %and3A_48 = arith.andi %and3A_45, %gt3A_47 : vector<40x800xi1>
    %jit3A = arith.constant 0.000000e+00 : f32
    %jit3A_49 = arith.constant 1.750000e+02 : f32
    %max3A = vector.broadcast %jit3A : f32 to vector<40x800xf32>
    %max3A_50 = arith.maximumf %max3A, %round3A : vector<40x800xf32>
    %min3A = vector.broadcast %jit3A_49 : f32 to vector<40x800xf32>
    %min3A_51 = arith.minimumf %min3A, %max3A_50 : vector<40x800xf32>
    %convert_element_type3A = arith.fptosi %min3A_51 : vector<40x800xf32> to vector<40x800xi32>
    %jit3A_52 = arith.constant 0.000000e+00 : f32
    %jit3A_53 = arith.constant 6.300000e+01 : f32
    %max3A_54 = vector.broadcast %jit3A_52 : f32 to vector<40x800xf32>
    %max3A_55 = arith.maximumf %max3A_54, %round3A_33 : vector<40x800xf32>
    %min3A_56 = vector.broadcast %jit3A_53 : f32 to vector<40x800xf32>
    %min3A_57 = arith.minimumf %min3A_56, %max3A_55 : vector<40x800xf32>
    %convert_element_type3A_58 = arith.fptosi %min3A_57 : vector<40x800xf32> to vector<40x800xi32>
    %add3A_59 = arith.constant 0 : i32
    %add3A_60 = vector.broadcast %add3A_59 : i32 to vector<40x800xi32>
    %add3A_61 = arith.addi %add3A_60, %convert_element_type3A_58 : vector<40x800xi32>
    %mul3A_62 = arith.constant 176 : i32
    %mul3A_63 = vector.broadcast %mul3A_62 : i32 to vector<40x800xi32>
    %mul3A_64 = arith.muli %add3A_61, %mul3A_63 : vector<40x800xi32>
    %add3A_65 = arith.addi %mul3A_64, %convert_element_type3A : vector<40x800xi32>
    %select_n3A = arith.select %and3A_48, %add3A_65, %broadcast_in_dim3A_0 : vector<40x800xi1>, vector<40x800xi32>
    %or3A = arith.ori %broadcast_in_dim3A_2, %and3A_48 : vector<40x800xi1>
    %get3A_66 = arith.constant 1 : index
    %get3A_67 = arith.constant 0 : index
    %get3A_68 = arith.constant 0 : index
    %get3A_69 = arith.constant 0 : index
    %get3A_70 = vector.load %arg2[%get3A_66, %get3A_67, %get3A_68, %get3A_69] : memref<6x3x40x800xf32, #tpu.memory_space<vmem>>, vector<1x1x40x800xf32>
    %get3A_71 = vector.shape_cast %get3A_70 : vector<1x1x40x800xf32> to vector<40x800xf32>
    %get3A_72 = arith.constant 1 : index
    %get3A_73 = arith.constant 1 : index
    %get3A_74 = arith.constant 0 : index
    %get3A_75 = arith.constant 0 : index
    %get3A_76 = vector.load %arg2[%get3A_72, %get3A_73, %get3A_74, %get3A_75] : memref<6x3x40x800xf32, #tpu.memory_space<vmem>>, vector<1x1x40x800xf32>
    %get3A_77 = vector.shape_cast %get3A_76 : vector<1x1x40x800xf32> to vector<40x800xf32>
    %get3A_78 = arith.constant 1 : index
    %get3A_79 = arith.constant 2 : index
    %get3A_80 = arith.constant 0 : index
    %get3A_81 = arith.constant 0 : index
    %get3A_82 = vector.load %arg2[%get3A_78, %get3A_79, %get3A_80, %get3A_81] : memref<6x3x40x800xf32, #tpu.memory_space<vmem>>, vector<1x1x40x800xf32>
    %get3A_83 = vector.shape_cast %get3A_82 : vector<1x1x40x800xf32> to vector<40x800xf32>
    %div3A_84 = arith.divf %get3A_71, %get3A_83 : vector<40x800xf32>
    %get3A_85 = arith.constant 2 : index
    %get3A_86 = memref.load %arg1[%get3A_85] : memref<12xf32, #tpu.memory_space<smem>>
    %add3A_87 = vector.broadcast %get3A_86 : f32 to vector<40x800xf32>
    %add3A_88 = arith.addf %div3A_84, %add3A_87 : vector<40x800xf32>
    %div3A_89 = arith.divf %get3A_77, %get3A_83 : vector<40x800xf32>
    %get3A_90 = arith.constant 3 : index
    %get3A_91 = memref.load %arg1[%get3A_90] : memref<12xf32, #tpu.memory_space<smem>>
    %add3A_92 = vector.broadcast %get3A_91 : f32 to vector<40x800xf32>
    %add3A_93 = arith.addf %div3A_89, %add3A_92 : vector<40x800xf32>
    %mul3A_94 = arith.constant 2.500000e-01 : f32
    %mul3A_95 = vector.broadcast %mul3A_94 : f32 to vector<40x800xf32>
    %mul3A_96 = arith.mulf %add3A_88, %mul3A_95 : vector<40x800xf32>
    %round3A_97 = math.roundeven %mul3A_96 : vector<40x800xf32>
    %mul3A_98 = arith.constant 2.500000e-01 : f32
    %mul3A_99 = vector.broadcast %mul3A_98 : f32 to vector<40x800xf32>
    %mul3A_100 = arith.mulf %add3A_93, %mul3A_99 : vector<40x800xf32>
    %round3A_101 = math.roundeven %mul3A_100 : vector<40x800xf32>
    %ge3A_102 = arith.constant 0.000000e+00 : f32
    %ge3A_103 = vector.broadcast %ge3A_102 : f32 to vector<40x800xf32>
    %ge3A_104 = arith.cmpf oge, %round3A_97, %ge3A_103 : vector<40x800xf32>
    %ge3A_105 = arith.constant 0.000000e+00 : f32
    %ge3A_106 = vector.broadcast %ge3A_105 : f32 to vector<40x800xf32>
    %ge3A_107 = arith.cmpf oge, %round3A_101, %ge3A_106 : vector<40x800xf32>
    %and3A_108 = arith.andi %ge3A_104, %ge3A_107 : vector<40x800xi1>
    %lt3A_109 = arith.constant 1.760000e+02 : f32
    %lt3A_110 = vector.broadcast %lt3A_109 : f32 to vector<40x800xf32>
    %lt3A_111 = arith.cmpf olt, %round3A_97, %lt3A_110 : vector<40x800xf32>
    %and3A_112 = arith.andi %and3A_108, %lt3A_111 : vector<40x800xi1>
    %lt3A_113 = arith.constant 6.400000e+01 : f32
    %lt3A_114 = vector.broadcast %lt3A_113 : f32 to vector<40x800xf32>
    %lt3A_115 = arith.cmpf olt, %round3A_101, %lt3A_114 : vector<40x800xf32>
    %and3A_116 = arith.andi %and3A_112, %lt3A_115 : vector<40x800xi1>
    %gt3A_117 = arith.constant 0.000000e+00 : f32
    %gt3A_118 = vector.broadcast %gt3A_117 : f32 to vector<40x800xf32>
    %gt3A_119 = arith.cmpf ogt, %get3A_83, %gt3A_118 : vector<40x800xf32>
    %and3A_120 = arith.andi %and3A_116, %gt3A_119 : vector<40x800xi1>
    %jit3A_121 = arith.constant 0.000000e+00 : f32
    %jit3A_122 = arith.constant 1.750000e+02 : f32
    %max3A_123 = vector.broadcast %jit3A_121 : f32 to vector<40x800xf32>
    %max3A_124 = arith.maximumf %max3A_123, %round3A_97 : vector<40x800xf32>
    %min3A_125 = vector.broadcast %jit3A_122 : f32 to vector<40x800xf32>
    %min3A_126 = arith.minimumf %min3A_125, %max3A_124 : vector<40x800xf32>
    %convert_element_type3A_127 = arith.fptosi %min3A_126 : vector<40x800xf32> to vector<40x800xi32>
    %jit3A_128 = arith.constant 0.000000e+00 : f32
    %jit3A_129 = arith.constant 6.300000e+01 : f32
    %max3A_130 = vector.broadcast %jit3A_128 : f32 to vector<40x800xf32>
    %max3A_131 = arith.maximumf %max3A_130, %round3A_101 : vector<40x800xf32>
    %min3A_132 = vector.broadcast %jit3A_129 : f32 to vector<40x800xf32>
    %min3A_133 = arith.minimumf %min3A_132, %max3A_131 : vector<40x800xf32>
    %convert_element_type3A_134 = arith.fptosi %min3A_133 : vector<40x800xf32> to vector<40x800xi32>
    %add3A_135 = arith.constant 64 : i32
    %add3A_136 = vector.broadcast %add3A_135 : i32 to vector<40x800xi32>
    %add3A_137 = arith.addi %add3A_136, %convert_element_type3A_134 : vector<40x800xi32>
    %mul3A_138 = arith.constant 176 : i32
    %mul3A_139 = vector.broadcast %mul3A_138 : i32 to vector<40x800xi32>
    %mul3A_140 = arith.muli %add3A_137, %mul3A_139 : vector<40x800xi32>
    %add3A_141 = arith.addi %mul3A_140, %convert_element_type3A_127 : vector<40x800xi32>
    %select_n3A_142 = arith.select %and3A_120, %add3A_141, %select_n3A : vector<40x800xi1>, vector<40x800xi32>
    %or3A_143 = arith.ori %or3A, %and3A_120 : vector<40x800xi1>
    %get3A_144 = arith.constant 2 : index
    %get3A_145 = arith.constant 0 : index
    %get3A_146 = arith.constant 0 : index
    %get3A_147 = arith.constant 0 : index
    %get3A_148 = vector.load %arg2[%get3A_144, %get3A_145, %get3A_146, %get3A_147] : memref<6x3x40x800xf32, #tpu.memory_space<vmem>>, vector<1x1x40x800xf32>
    %get3A_149 = vector.shape_cast %get3A_148 : vector<1x1x40x800xf32> to vector<40x800xf32>
    %get3A_150 = arith.constant 2 : index
    %get3A_151 = arith.constant 1 : index
    %get3A_152 = arith.constant 0 : index
    %get3A_153 = arith.constant 0 : index
    %get3A_154 = vector.load %arg2[%get3A_150, %get3A_151, %get3A_152, %get3A_153] : memref<6x3x40x800xf32, #tpu.memory_space<vmem>>, vector<1x1x40x800xf32>
    %get3A_155 = vector.shape_cast %get3A_154 : vector<1x1x40x800xf32> to vector<40x800xf32>
    %get3A_156 = arith.constant 2 : index
    %get3A_157 = arith.constant 2 : index
    %get3A_158 = arith.constant 0 : index
    %get3A_159 = arith.constant 0 : index
    %get3A_160 = vector.load %arg2[%get3A_156, %get3A_157, %get3A_158, %get3A_159] : memref<6x3x40x800xf32, #tpu.memory_space<vmem>>, vector<1x1x40x800xf32>
    %get3A_161 = vector.shape_cast %get3A_160 : vector<1x1x40x800xf32> to vector<40x800xf32>
    %div3A_162 = arith.divf %get3A_149, %get3A_161 : vector<40x800xf32>
    %get3A_163 = arith.constant 4 : index
    %get3A_164 = memref.load %arg1[%get3A_163] : memref<12xf32, #tpu.memory_space<smem>>
    %add3A_165 = vector.broadcast %get3A_164 : f32 to vector<40x800xf32>
    %add3A_166 = arith.addf %div3A_162, %add3A_165 : vector<40x800xf32>
    %div3A_167 = arith.divf %get3A_155, %get3A_161 : vector<40x800xf32>
    %get3A_168 = arith.constant 5 : index
    %get3A_169 = memref.load %arg1[%get3A_168] : memref<12xf32, #tpu.memory_space<smem>>
    %add3A_170 = vector.broadcast %get3A_169 : f32 to vector<40x800xf32>
    %add3A_171 = arith.addf %div3A_167, %add3A_170 : vector<40x800xf32>
    %mul3A_172 = arith.constant 2.500000e-01 : f32
    %mul3A_173 = vector.broadcast %mul3A_172 : f32 to vector<40x800xf32>
    %mul3A_174 = arith.mulf %add3A_166, %mul3A_173 : vector<40x800xf32>
    %round3A_175 = math.roundeven %mul3A_174 : vector<40x800xf32>
    %mul3A_176 = arith.constant 2.500000e-01 : f32
    %mul3A_177 = vector.broadcast %mul3A_176 : f32 to vector<40x800xf32>
    %mul3A_178 = arith.mulf %add3A_171, %mul3A_177 : vector<40x800xf32>
    %round3A_179 = math.roundeven %mul3A_178 : vector<40x800xf32>
    %ge3A_180 = arith.constant 0.000000e+00 : f32
    %ge3A_181 = vector.broadcast %ge3A_180 : f32 to vector<40x800xf32>
    %ge3A_182 = arith.cmpf oge, %round3A_175, %ge3A_181 : vector<40x800xf32>
    %ge3A_183 = arith.constant 0.000000e+00 : f32
    %ge3A_184 = vector.broadcast %ge3A_183 : f32 to vector<40x800xf32>
    %ge3A_185 = arith.cmpf oge, %round3A_179, %ge3A_184 : vector<40x800xf32>
    %and3A_186 = arith.andi %ge3A_182, %ge3A_185 : vector<40x800xi1>
    %lt3A_187 = arith.constant 1.760000e+02 : f32
    %lt3A_188 = vector.broadcast %lt3A_187 : f32 to vector<40x800xf32>
    %lt3A_189 = arith.cmpf olt, %round3A_175, %lt3A_188 : vector<40x800xf32>
    %and3A_190 = arith.andi %and3A_186, %lt3A_189 : vector<40x800xi1>
    %lt3A_191 = arith.constant 6.400000e+01 : f32
    %lt3A_192 = vector.broadcast %lt3A_191 : f32 to vector<40x800xf32>
    %lt3A_193 = arith.cmpf olt, %round3A_179, %lt3A_192 : vector<40x800xf32>
    %and3A_194 = arith.andi %and3A_190, %lt3A_193 : vector<40x800xi1>
    %gt3A_195 = arith.constant 0.000000e+00 : f32
    %gt3A_196 = vector.broadcast %gt3A_195 : f32 to vector<40x800xf32>
    %gt3A_197 = arith.cmpf ogt, %get3A_161, %gt3A_196 : vector<40x800xf32>
    %and3A_198 = arith.andi %and3A_194, %gt3A_197 : vector<40x800xi1>
    %jit3A_199 = arith.constant 0.000000e+00 : f32
    %jit3A_200 = arith.constant 1.750000e+02 : f32
    %max3A_201 = vector.broadcast %jit3A_199 : f32 to vector<40x800xf32>
    %max3A_202 = arith.maximumf %max3A_201, %round3A_175 : vector<40x800xf32>
    %min3A_203 = vector.broadcast %jit3A_200 : f32 to vector<40x800xf32>
    %min3A_204 = arith.minimumf %min3A_203, %max3A_202 : vector<40x800xf32>
    %convert_element_type3A_205 = arith.fptosi %min3A_204 : vector<40x800xf32> to vector<40x800xi32>
    %jit3A_206 = arith.constant 0.000000e+00 : f32
    %jit3A_207 = arith.constant 6.300000e+01 : f32
    %max3A_208 = vector.broadcast %jit3A_206 : f32 to vector<40x800xf32>
    %max3A_209 = arith.maximumf %max3A_208, %round3A_179 : vector<40x800xf32>
    %min3A_210 = vector.broadcast %jit3A_207 : f32 to vector<40x800xf32>
    %min3A_211 = arith.minimumf %min3A_210, %max3A_209 : vector<40x800xf32>
    %convert_element_type3A_212 = arith.fptosi %min3A_211 : vector<40x800xf32> to vector<40x800xi32>
    %add3A_213 = arith.constant 128 : i32
    %add3A_214 = vector.broadcast %add3A_213 : i32 to vector<40x800xi32>
    %add3A_215 = arith.addi %add3A_214, %convert_element_type3A_212 : vector<40x800xi32>
    %mul3A_216 = arith.constant 176 : i32
    %mul3A_217 = vector.broadcast %mul3A_216 : i32 to vector<40x800xi32>
    %mul3A_218 = arith.muli %add3A_215, %mul3A_217 : vector<40x800xi32>
    %add3A_219 = arith.addi %mul3A_218, %convert_element_type3A_205 : vector<40x800xi32>
    %select_n3A_220 = arith.select %and3A_198, %add3A_219, %select_n3A_142 : vector<40x800xi1>, vector<40x800xi32>
    %or3A_221 = arith.ori %or3A_143, %and3A_198 : vector<40x800xi1>
    %get3A_222 = arith.constant 3 : index
    %get3A_223 = arith.constant 0 : index
    %get3A_224 = arith.constant 0 : index
    %get3A_225 = arith.constant 0 : index
    %get3A_226 = vector.load %arg2[%get3A_222, %get3A_223, %get3A_224, %get3A_225] : memref<6x3x40x800xf32, #tpu.memory_space<vmem>>, vector<1x1x40x800xf32>
    %get3A_227 = vector.shape_cast %get3A_226 : vector<1x1x40x800xf32> to vector<40x800xf32>
    %get3A_228 = arith.constant 3 : index
    %get3A_229 = arith.constant 1 : index
    %get3A_230 = arith.constant 0 : index
    %get3A_231 = arith.constant 0 : index
    %get3A_232 = vector.load %arg2[%get3A_228, %get3A_229, %get3A_230, %get3A_231] : memref<6x3x40x800xf32, #tpu.memory_space<vmem>>, vector<1x1x40x800xf32>
    %get3A_233 = vector.shape_cast %get3A_232 : vector<1x1x40x800xf32> to vector<40x800xf32>
    %get3A_234 = arith.constant 3 : index
    %get3A_235 = arith.constant 2 : index
    %get3A_236 = arith.constant 0 : index
    %get3A_237 = arith.constant 0 : index
    %get3A_238 = vector.load %arg2[%get3A_234, %get3A_235, %get3A_236, %get3A_237] : memref<6x3x40x800xf32, #tpu.memory_space<vmem>>, vector<1x1x40x800xf32>
    %get3A_239 = vector.shape_cast %get3A_238 : vector<1x1x40x800xf32> to vector<40x800xf32>
    %div3A_240 = arith.divf %get3A_227, %get3A_239 : vector<40x800xf32>
    %get3A_241 = arith.constant 6 : index
    %get3A_242 = memref.load %arg1[%get3A_241] : memref<12xf32, #tpu.memory_space<smem>>
    %add3A_243 = vector.broadcast %get3A_242 : f32 to vector<40x800xf32>
    %add3A_244 = arith.addf %div3A_240, %add3A_243 : vector<40x800xf32>
    %div3A_245 = arith.divf %get3A_233, %get3A_239 : vector<40x800xf32>
    %get3A_246 = arith.constant 7 : index
    %get3A_247 = memref.load %arg1[%get3A_246] : memref<12xf32, #tpu.memory_space<smem>>
    %add3A_248 = vector.broadcast %get3A_247 : f32 to vector<40x800xf32>
    %add3A_249 = arith.addf %div3A_245, %add3A_248 : vector<40x800xf32>
    %mul3A_250 = arith.constant 2.500000e-01 : f32
    %mul3A_251 = vector.broadcast %mul3A_250 : f32 to vector<40x800xf32>
    %mul3A_252 = arith.mulf %add3A_244, %mul3A_251 : vector<40x800xf32>
    %round3A_253 = math.roundeven %mul3A_252 : vector<40x800xf32>
    %mul3A_254 = arith.constant 2.500000e-01 : f32
    %mul3A_255 = vector.broadcast %mul3A_254 : f32 to vector<40x800xf32>
    %mul3A_256 = arith.mulf %add3A_249, %mul3A_255 : vector<40x800xf32>
    %round3A_257 = math.roundeven %mul3A_256 : vector<40x800xf32>
    %ge3A_258 = arith.constant 0.000000e+00 : f32
    %ge3A_259 = vector.broadcast %ge3A_258 : f32 to vector<40x800xf32>
    %ge3A_260 = arith.cmpf oge, %round3A_253, %ge3A_259 : vector<40x800xf32>
    %ge3A_261 = arith.constant 0.000000e+00 : f32
    %ge3A_262 = vector.broadcast %ge3A_261 : f32 to vector<40x800xf32>
    %ge3A_263 = arith.cmpf oge, %round3A_257, %ge3A_262 : vector<40x800xf32>
    %and3A_264 = arith.andi %ge3A_260, %ge3A_263 : vector<40x800xi1>
    %lt3A_265 = arith.constant 1.760000e+02 : f32
    %lt3A_266 = vector.broadcast %lt3A_265 : f32 to vector<40x800xf32>
    %lt3A_267 = arith.cmpf olt, %round3A_253, %lt3A_266 : vector<40x800xf32>
    %and3A_268 = arith.andi %and3A_264, %lt3A_267 : vector<40x800xi1>
    %lt3A_269 = arith.constant 6.400000e+01 : f32
    %lt3A_270 = vector.broadcast %lt3A_269 : f32 to vector<40x800xf32>
    %lt3A_271 = arith.cmpf olt, %round3A_257, %lt3A_270 : vector<40x800xf32>
    %and3A_272 = arith.andi %and3A_268, %lt3A_271 : vector<40x800xi1>
    %gt3A_273 = arith.constant 0.000000e+00 : f32
    %gt3A_274 = vector.broadcast %gt3A_273 : f32 to vector<40x800xf32>
    %gt3A_275 = arith.cmpf ogt, %get3A_239, %gt3A_274 : vector<40x800xf32>
    %and3A_276 = arith.andi %and3A_272, %gt3A_275 : vector<40x800xi1>
    %jit3A_277 = arith.constant 0.000000e+00 : f32
    %jit3A_278 = arith.constant 1.750000e+02 : f32
    %max3A_279 = vector.broadcast %jit3A_277 : f32 to vector<40x800xf32>
    %max3A_280 = arith.maximumf %max3A_279, %round3A_253 : vector<40x800xf32>
    %min3A_281 = vector.broadcast %jit3A_278 : f32 to vector<40x800xf32>
    %min3A_282 = arith.minimumf %min3A_281, %max3A_280 : vector<40x800xf32>
    %convert_element_type3A_283 = arith.fptosi %min3A_282 : vector<40x800xf32> to vector<40x800xi32>
    %jit3A_284 = arith.constant 0.000000e+00 : f32
    %jit3A_285 = arith.constant 6.300000e+01 : f32
    %max3A_286 = vector.broadcast %jit3A_284 : f32 to vector<40x800xf32>
    %max3A_287 = arith.maximumf %max3A_286, %round3A_257 : vector<40x800xf32>
    %min3A_288 = vector.broadcast %jit3A_285 : f32 to vector<40x800xf32>
    %min3A_289 = arith.minimumf %min3A_288, %max3A_287 : vector<40x800xf32>
    %convert_element_type3A_290 = arith.fptosi %min3A_289 : vector<40x800xf32> to vector<40x800xi32>
    %add3A_291 = arith.constant 192 : i32
    %add3A_292 = vector.broadcast %add3A_291 : i32 to vector<40x800xi32>
    %add3A_293 = arith.addi %add3A_292, %convert_element_type3A_290 : vector<40x800xi32>
    %mul3A_294 = arith.constant 176 : i32
    %mul3A_295 = vector.broadcast %mul3A_294 : i32 to vector<40x800xi32>
    %mul3A_296 = arith.muli %add3A_293, %mul3A_295 : vector<40x800xi32>
    %add3A_297 = arith.addi %mul3A_296, %convert_element_type3A_283 : vector<40x800xi32>
    %select_n3A_298 = arith.select %and3A_276, %add3A_297, %select_n3A_220 : vector<40x800xi1>, vector<40x800xi32>
    %or3A_299 = arith.ori %or3A_221, %and3A_276 : vector<40x800xi1>
    %get3A_300 = arith.constant 4 : index
    %get3A_301 = arith.constant 0 : index
    %get3A_302 = arith.constant 0 : index
    %get3A_303 = arith.constant 0 : index
    %get3A_304 = vector.load %arg2[%get3A_300, %get3A_301, %get3A_302, %get3A_303] : memref<6x3x40x800xf32, #tpu.memory_space<vmem>>, vector<1x1x40x800xf32>
    %get3A_305 = vector.shape_cast %get3A_304 : vector<1x1x40x800xf32> to vector<40x800xf32>
    %get3A_306 = arith.constant 4 : index
    %get3A_307 = arith.constant 1 : index
    %get3A_308 = arith.constant 0 : index
    %get3A_309 = arith.constant 0 : index
    %get3A_310 = vector.load %arg2[%get3A_306, %get3A_307, %get3A_308, %get3A_309] : memref<6x3x40x800xf32, #tpu.memory_space<vmem>>, vector<1x1x40x800xf32>
    %get3A_311 = vector.shape_cast %get3A_310 : vector<1x1x40x800xf32> to vector<40x800xf32>
    %get3A_312 = arith.constant 4 : index
    %get3A_313 = arith.constant 2 : index
    %get3A_314 = arith.constant 0 : index
    %get3A_315 = arith.constant 0 : index
    %get3A_316 = vector.load %arg2[%get3A_312, %get3A_313, %get3A_314, %get3A_315] : memref<6x3x40x800xf32, #tpu.memory_space<vmem>>, vector<1x1x40x800xf32>
    %get3A_317 = vector.shape_cast %get3A_316 : vector<1x1x40x800xf32> to vector<40x800xf32>
    %div3A_318 = arith.divf %get3A_305, %get3A_317 : vector<40x800xf32>
    %get3A_319 = arith.constant 8 : index
    %get3A_320 = memref.load %arg1[%get3A_319] : memref<12xf32, #tpu.memory_space<smem>>
    %add3A_321 = vector.broadcast %get3A_320 : f32 to vector<40x800xf32>
    %add3A_322 = arith.addf %div3A_318, %add3A_321 : vector<40x800xf32>
    %div3A_323 = arith.divf %get3A_311, %get3A_317 : vector<40x800xf32>
    %get3A_324 = arith.constant 9 : index
    %get3A_325 = memref.load %arg1[%get3A_324] : memref<12xf32, #tpu.memory_space<smem>>
    %add3A_326 = vector.broadcast %get3A_325 : f32 to vector<40x800xf32>
    %add3A_327 = arith.addf %div3A_323, %add3A_326 : vector<40x800xf32>
    %mul3A_328 = arith.constant 2.500000e-01 : f32
    %mul3A_329 = vector.broadcast %mul3A_328 : f32 to vector<40x800xf32>
    %mul3A_330 = arith.mulf %add3A_322, %mul3A_329 : vector<40x800xf32>
    %round3A_331 = math.roundeven %mul3A_330 : vector<40x800xf32>
    %mul3A_332 = arith.constant 2.500000e-01 : f32
    %mul3A_333 = vector.broadcast %mul3A_332 : f32 to vector<40x800xf32>
    %mul3A_334 = arith.mulf %add3A_327, %mul3A_333 : vector<40x800xf32>
    %round3A_335 = math.roundeven %mul3A_334 : vector<40x800xf32>
    %ge3A_336 = arith.constant 0.000000e+00 : f32
    %ge3A_337 = vector.broadcast %ge3A_336 : f32 to vector<40x800xf32>
    %ge3A_338 = arith.cmpf oge, %round3A_331, %ge3A_337 : vector<40x800xf32>
    %ge3A_339 = arith.constant 0.000000e+00 : f32
    %ge3A_340 = vector.broadcast %ge3A_339 : f32 to vector<40x800xf32>
    %ge3A_341 = arith.cmpf oge, %round3A_335, %ge3A_340 : vector<40x800xf32>
    %and3A_342 = arith.andi %ge3A_338, %ge3A_341 : vector<40x800xi1>
    %lt3A_343 = arith.constant 1.760000e+02 : f32
    %lt3A_344 = vector.broadcast %lt3A_343 : f32 to vector<40x800xf32>
    %lt3A_345 = arith.cmpf olt, %round3A_331, %lt3A_344 : vector<40x800xf32>
    %and3A_346 = arith.andi %and3A_342, %lt3A_345 : vector<40x800xi1>
    %lt3A_347 = arith.constant 6.400000e+01 : f32
    %lt3A_348 = vector.broadcast %lt3A_347 : f32 to vector<40x800xf32>
    %lt3A_349 = arith.cmpf olt, %round3A_335, %lt3A_348 : vector<40x800xf32>
    %and3A_350 = arith.andi %and3A_346, %lt3A_349 : vector<40x800xi1>
    %gt3A_351 = arith.constant 0.000000e+00 : f32
    %gt3A_352 = vector.broadcast %gt3A_351 : f32 to vector<40x800xf32>
    %gt3A_353 = arith.cmpf ogt, %get3A_317, %gt3A_352 : vector<40x800xf32>
    %and3A_354 = arith.andi %and3A_350, %gt3A_353 : vector<40x800xi1>
    %jit3A_355 = arith.constant 0.000000e+00 : f32
    %jit3A_356 = arith.constant 1.750000e+02 : f32
    %max3A_357 = vector.broadcast %jit3A_355 : f32 to vector<40x800xf32>
    %max3A_358 = arith.maximumf %max3A_357, %round3A_331 : vector<40x800xf32>
    %min3A_359 = vector.broadcast %jit3A_356 : f32 to vector<40x800xf32>
    %min3A_360 = arith.minimumf %min3A_359, %max3A_358 : vector<40x800xf32>
    %convert_element_type3A_361 = arith.fptosi %min3A_360 : vector<40x800xf32> to vector<40x800xi32>
    %jit3A_362 = arith.constant 0.000000e+00 : f32
    %jit3A_363 = arith.constant 6.300000e+01 : f32
    %max3A_364 = vector.broadcast %jit3A_362 : f32 to vector<40x800xf32>
    %max3A_365 = arith.maximumf %max3A_364, %round3A_335 : vector<40x800xf32>
    %min3A_366 = vector.broadcast %jit3A_363 : f32 to vector<40x800xf32>
    %min3A_367 = arith.minimumf %min3A_366, %max3A_365 : vector<40x800xf32>
    %convert_element_type3A_368 = arith.fptosi %min3A_367 : vector<40x800xf32> to vector<40x800xi32>
    %add3A_369 = arith.constant 256 : i32
    %add3A_370 = vector.broadcast %add3A_369 : i32 to vector<40x800xi32>
    %add3A_371 = arith.addi %add3A_370, %convert_element_type3A_368 : vector<40x800xi32>
    %mul3A_372 = arith.constant 176 : i32
    %mul3A_373 = vector.broadcast %mul3A_372 : i32 to vector<40x800xi32>
    %mul3A_374 = arith.muli %add3A_371, %mul3A_373 : vector<40x800xi32>
    %add3A_375 = arith.addi %mul3A_374, %convert_element_type3A_361 : vector<40x800xi32>
    %select_n3A_376 = arith.select %and3A_354, %add3A_375, %select_n3A_298 : vector<40x800xi1>, vector<40x800xi32>
    %or3A_377 = arith.ori %or3A_299, %and3A_354 : vector<40x800xi1>
    %get3A_378 = arith.constant 5 : index
    %get3A_379 = arith.constant 0 : index
    %get3A_380 = arith.constant 0 : index
    %get3A_381 = arith.constant 0 : index
    %get3A_382 = vector.load %arg2[%get3A_378, %get3A_379, %get3A_380, %get3A_381] : memref<6x3x40x800xf32, #tpu.memory_space<vmem>>, vector<1x1x40x800xf32>
    %get3A_383 = vector.shape_cast %get3A_382 : vector<1x1x40x800xf32> to vector<40x800xf32>
    %get3A_384 = arith.constant 5 : index
    %get3A_385 = arith.constant 1 : index
    %get3A_386 = arith.constant 0 : index
    %get3A_387 = arith.constant 0 : index
    %get3A_388 = vector.load %arg2[%get3A_384, %get3A_385, %get3A_386, %get3A_387] : memref<6x3x40x800xf32, #tpu.memory_space<vmem>>, vector<1x1x40x800xf32>
    %get3A_389 = vector.shape_cast %get3A_388 : vector<1x1x40x800xf32> to vector<40x800xf32>
    %get3A_390 = arith.constant 5 : index
    %get3A_391 = arith.constant 2 : index
    %get3A_392 = arith.constant 0 : index
    %get3A_393 = arith.constant 0 : index
    %get3A_394 = vector.load %arg2[%get3A_390, %get3A_391, %get3A_392, %get3A_393] : memref<6x3x40x800xf32, #tpu.memory_space<vmem>>, vector<1x1x40x800xf32>
    %get3A_395 = vector.shape_cast %get3A_394 : vector<1x1x40x800xf32> to vector<40x800xf32>
    %div3A_396 = arith.divf %get3A_383, %get3A_395 : vector<40x800xf32>
    %get3A_397 = arith.constant 10 : index
    %get3A_398 = memref.load %arg1[%get3A_397] : memref<12xf32, #tpu.memory_space<smem>>
    %add3A_399 = vector.broadcast %get3A_398 : f32 to vector<40x800xf32>
    %add3A_400 = arith.addf %div3A_396, %add3A_399 : vector<40x800xf32>
    %div3A_401 = arith.divf %get3A_389, %get3A_395 : vector<40x800xf32>
    %get3A_402 = arith.constant 11 : index
    %get3A_403 = memref.load %arg1[%get3A_402] : memref<12xf32, #tpu.memory_space<smem>>
    %add3A_404 = vector.broadcast %get3A_403 : f32 to vector<40x800xf32>
    %add3A_405 = arith.addf %div3A_401, %add3A_404 : vector<40x800xf32>
    %mul3A_406 = arith.constant 2.500000e-01 : f32
    %mul3A_407 = vector.broadcast %mul3A_406 : f32 to vector<40x800xf32>
    %mul3A_408 = arith.mulf %add3A_400, %mul3A_407 : vector<40x800xf32>
    %round3A_409 = math.roundeven %mul3A_408 : vector<40x800xf32>
    %mul3A_410 = arith.constant 2.500000e-01 : f32
    %mul3A_411 = vector.broadcast %mul3A_410 : f32 to vector<40x800xf32>
    %mul3A_412 = arith.mulf %add3A_405, %mul3A_411 : vector<40x800xf32>
    %round3A_413 = math.roundeven %mul3A_412 : vector<40x800xf32>
    %ge3A_414 = arith.constant 0.000000e+00 : f32
    %ge3A_415 = vector.broadcast %ge3A_414 : f32 to vector<40x800xf32>
    %ge3A_416 = arith.cmpf oge, %round3A_409, %ge3A_415 : vector<40x800xf32>
    %ge3A_417 = arith.constant 0.000000e+00 : f32
    %ge3A_418 = vector.broadcast %ge3A_417 : f32 to vector<40x800xf32>
    %ge3A_419 = arith.cmpf oge, %round3A_413, %ge3A_418 : vector<40x800xf32>
    %and3A_420 = arith.andi %ge3A_416, %ge3A_419 : vector<40x800xi1>
    %lt3A_421 = arith.constant 1.760000e+02 : f32
    %lt3A_422 = vector.broadcast %lt3A_421 : f32 to vector<40x800xf32>
    %lt3A_423 = arith.cmpf olt, %round3A_409, %lt3A_422 : vector<40x800xf32>
    %and3A_424 = arith.andi %and3A_420, %lt3A_423 : vector<40x800xi1>
    %lt3A_425 = arith.constant 6.400000e+01 : f32
    %lt3A_426 = vector.broadcast %lt3A_425 : f32 to vector<40x800xf32>
    %lt3A_427 = arith.cmpf olt, %round3A_413, %lt3A_426 : vector<40x800xf32>
    %and3A_428 = arith.andi %and3A_424, %lt3A_427 : vector<40x800xi1>
    %gt3A_429 = arith.constant 0.000000e+00 : f32
    %gt3A_430 = vector.broadcast %gt3A_429 : f32 to vector<40x800xf32>
    %gt3A_431 = arith.cmpf ogt, %get3A_395, %gt3A_430 : vector<40x800xf32>
    %and3A_432 = arith.andi %and3A_428, %gt3A_431 : vector<40x800xi1>
    %jit3A_433 = arith.constant 0.000000e+00 : f32
    %jit3A_434 = arith.constant 1.750000e+02 : f32
    %max3A_435 = vector.broadcast %jit3A_433 : f32 to vector<40x800xf32>
    %max3A_436 = arith.maximumf %max3A_435, %round3A_409 : vector<40x800xf32>
    %min3A_437 = vector.broadcast %jit3A_434 : f32 to vector<40x800xf32>
    %min3A_438 = arith.minimumf %min3A_437, %max3A_436 : vector<40x800xf32>
    %convert_element_type3A_439 = arith.fptosi %min3A_438 : vector<40x800xf32> to vector<40x800xi32>
    %jit3A_440 = arith.constant 0.000000e+00 : f32
    %jit3A_441 = arith.constant 6.300000e+01 : f32
    %max3A_442 = vector.broadcast %jit3A_440 : f32 to vector<40x800xf32>
    %max3A_443 = arith.maximumf %max3A_442, %round3A_413 : vector<40x800xf32>
    %min3A_444 = vector.broadcast %jit3A_441 : f32 to vector<40x800xf32>
    %min3A_445 = arith.minimumf %min3A_444, %max3A_443 : vector<40x800xf32>
    %convert_element_type3A_446 = arith.fptosi %min3A_445 : vector<40x800xf32> to vector<40x800xi32>
    %add3A_447 = arith.constant 320 : i32
    %add3A_448 = vector.broadcast %add3A_447 : i32 to vector<40x800xi32>
    %add3A_449 = arith.addi %add3A_448, %convert_element_type3A_446 : vector<40x800xi32>
    %mul3A_450 = arith.constant 176 : i32
    %mul3A_451 = vector.broadcast %mul3A_450 : i32 to vector<40x800xi32>
    %mul3A_452 = arith.muli %add3A_449, %mul3A_451 : vector<40x800xi32>
    %add3A_453 = arith.addi %mul3A_452, %convert_element_type3A_439 : vector<40x800xi32>
    %select_n3A_454 = arith.select %and3A_432, %add3A_453, %select_n3A_376 : vector<40x800xi1>, vector<40x800xi32>
    %or3A_455 = arith.ori %or3A_377, %and3A_432 : vector<40x800xi1>
    %swap3A = arith.constant 0 : index
    %swap3A_456 = arith.constant 0 : index
    %swap3A_457 = vector.load %arg4[%swap3A, %swap3A_456] : memref<40x800xi32, #tpu.memory_space<vmem>>, vector<40x800xi32>
    tpu.vector_store %arg4[%swap3A, %swap3A_456], %select_n3A_454 {strides = array<i32>} : memref<40x800xi32, #tpu.memory_space<vmem>>, vector<40x800xi32>,
    %get3A_458 = arith.constant 0 : index
    %get3A_459 = arith.constant 0 : index
    %get3A_460 = vector.load %arg3[%get3A_458, %get3A_459] : memref<40x800xf32, #tpu.memory_space<vmem>>, vector<40x800xf32>
    %jit3A_461 = arith.constant 0.000000e+00 : f32
    %broadcast_in_dim3A_462 = vector.broadcast %jit3A_461 : f32 to vector<40x800xf32>
    %select_n3A_463 = arith.select %or3A_455, %get3A_460, %broadcast_in_dim3A_462 : vector<40x800xi1>, vector<40x800xf32>
    %swap3A_464 = arith.constant 0 : index
    %swap3A_465 = arith.constant 0 : index
    %swap3A_466 = vector.load %arg5[%swap3A_464, %swap3A_465] : memref<40x800xf32, #tpu.memory_space<vmem>>, vector<40x800xf32>
    tpu.vector_store %arg5[%swap3A_464, %swap3A_465], %select_n3A_463 {strides = array<i32>} : memref<40x800xf32, #tpu.memory_space<vmem>>, vector<40x800xf32>,
    return
  }
  func.func @transform_0(%arg0: i32) -> i32 {
    %c0_i32 = arith.constant 0 : i32
    %c0_i32_0 = arith.constant 0 : i32
    return %c0_i32 : i32
  }
  func.func @transform_1(%arg0: i32) -> (i32, i32, i32, i32) {
    %c0_i32 = arith.constant 0 : i32
    %c0_i32_0 = arith.constant 0 : i32
    %c0_i32_1 = arith.constant 0 : i32
    %c0_i32_2 = arith.constant 0 : i32
    return %c0_i32, %c0_i32_0, %arg0, %c0_i32_1 : i32, i32, i32, i32
  }
  func.func @transform_2(%arg0: i32) -> (i32, i32) {
    %c0_i32 = arith.constant 0 : i32
    %c0_i32_0 = arith.constant 0 : i32
    return %arg0, %c0_i32 : i32, i32
  }
  func.func @transform_3(%arg0: i32) -> (i32, i32) {
    %c0_i32 = arith.constant 0 : i32
    %c0_i32_0 = arith.constant 0 : i32
    return %arg0, %c0_i32 : i32, i32
  }
  func.func @transform_4(%arg0: i32) -> (i32, i32) {
    %c0_i32 = arith.constant 0 : i32
    %c0_i32_0 = arith.constant 0 : i32
    return %arg0, %c0_i32 : i32, i32
  }
}

module attributes {stable_mosaic.version = 14 : i64} {
  func.func @_table_kernel(%arg0: i32, %arg1: i32, %arg2: memref<128x256xf32, #tpu.memory_space<vmem>>, %arg3: memref<1x256x512xf32, #tpu.memory_space<vmem>>, %arg4: memref<512x128xf32, #tpu.memory_space<vmem>>) attributes {dimension_semantics = [#tpu.dimension_semantics<arbitrary>, #tpu.dimension_semantics<arbitrary>], iteration_bounds = array<i64: 6, 22>, scalar_prefetch = 0 : i64, scratch_operands = 0 : i64, tpu.core_type = #tpu.core_type<tc>, window_params = [{pipeline_mode = #tpu.pipeline_mode<synchronous>, transform_indices = @transform_0, window_bounds = array<i64: 128, 256>}, {transform_indices = @transform_1, window_bounds = array<i64: 1, 256, 512>}, {transform_indices = @transform_2, window_bounds = array<i64: 512, 128>}]} {
    %get3A = arith.constant 0 : index
    %get3A_0 = arith.constant 0 : index
    %get3A_1 = arith.constant 0 : index
    %get3A_2 = vector.load %arg3[%get3A, %get3A_0, %get3A_1] : memref<1x256x512xf32, #tpu.memory_space<vmem>>, vector<1x256x512xf32>
    %get3A_3 = vector.shape_cast %get3A_2 : vector<1x256x512xf32> to vector<256x512xf32>
    %get3A_4 = arith.constant 0 : index
    %get3A_5 = arith.constant 0 : index
    %get3A_6 = vector.load %arg2[%get3A_4, %get3A_5] : memref<128x256xf32, #tpu.memory_space<vmem>>, vector<128x256xf32>
    %dot_general3A = arith.constant dense<0.000000e+00> : vector<512x128xf32>
    %dot_general3A_7 = tpu.matmul %get3A_3, %get3A_6, %dot_general3A {dimension_numbers = #tpu.dot_dimension_numbers<[0], [1], [1], [0], [0, 1, 1, 0], [], []>, transpose_lhs_hint = false} : vector<256x512xf32>, vector<128x256xf32>, vector<512x128xf32> -> vector<512x128xf32>
    %swap3A = arith.constant 0 : index
    %swap3A_8 = arith.constant 0 : index
    %swap3A_9 = vector.load %arg4[%swap3A, %swap3A_8] : memref<512x128xf32, #tpu.memory_space<vmem>>, vector<512x128xf32>
    tpu.vector_store %arg4[%swap3A, %swap3A_8], %dot_general3A_7 {strides = array<i32>} : memref<512x128xf32, #tpu.memory_space<vmem>>, vector<512x128xf32>,
    return
  }
  func.func @transform_0(%arg0: i32, %arg1: i32) -> (i32, i32) {
    %c0_i32 = arith.constant 0 : i32
    %c0_i32_0 = arith.constant 0 : i32
    %c0_i32_1 = arith.constant 0 : i32
    return %c0_i32, %c0_i32_0 : i32, i32
  }
  func.func @transform_1(%arg0: i32, %arg1: i32) -> (i32, i32, i32) {
    %c0_i32 = arith.constant 0 : i32
    %c0_i32_0 = arith.constant 0 : i32
    return %arg0, %c0_i32, %arg1 : i32, i32, i32
  }
  func.func @transform_2(%arg0: i32, %arg1: i32) -> (i32, i32) {
    %mul3A = arith.constant 22 : i32
    %mul3A_0 = arith.muli %arg0, %mul3A : i32
    %add3A = arith.addi %mul3A_0, %arg1 : i32
    %c0_i32 = arith.constant 0 : i32
    %c0_i32_1 = arith.constant 0 : i32
    return %add3A, %c0_i32 : i32, i32
  }
}

module attributes {stable_mosaic.version = 14 : i64} {
  func.func @_stats_kernel(%arg0: i32, %arg1: memref<2000x80xf32, #tpu.memory_space<vmem>>, %arg2: memref<2x80xf32, #tpu.memory_space<vmem>>) attributes {dimension_semantics = [#tpu.dimension_semantics<arbitrary>], iteration_bounds = array<i64: 20>, scalar_prefetch = 0 : i64, scratch_operands = 0 : i64, tpu.core_type = #tpu.core_type<tc>, window_params = [{transform_indices = @transform_0, window_bounds = array<i64: 2000, 80>}, {pipeline_mode = #tpu.pipeline_mode<synchronous>, transform_indices = @transform_1, window_bounds = array<i64: 2, 80>}]} {
    %eq3A = arith.constant 0 : i32
    %eq3A_0 = arith.cmpi eq, %arg0, %eq3A : i32
    %convert_element_type3A = arith.extui %eq3A_0 : i1 to i32
    %cond3A = arith.constant 0 : i32
    %cond3A_1 = arith.cmpi ne, %convert_element_type3A, %cond3A : i32
    scf.if %cond3A_1 {
      %broadcast_in_dim3A_20 = arith.constant 0.000000e+00 : f32
      %broadcast_in_dim3A_21 = vector.broadcast %broadcast_in_dim3A_20 : f32 to vector<2x80xf32>
      %swap3A_22 = arith.constant 0 : index
      %swap3A_23 = arith.constant 0 : index
      %swap3A_24 = vector.load %arg2[%swap3A_22, %swap3A_23] : memref<2x80xf32, #tpu.memory_space<vmem>>, vector<2x80xf32>
      tpu.vector_store %arg2[%swap3A_22, %swap3A_23], %broadcast_in_dim3A_21 {strides = array<i32>} : memref<2x80xf32, #tpu.memory_space<vmem>>, vector<2x80xf32>,
    } else {
    }
    %get3A = arith.constant 0 : index
    %get3A_2 = arith.constant 0 : index
    %get3A_3 = vector.load %arg1[%get3A, %get3A_2] : memref<2000x80xf32, #tpu.memory_space<vmem>>, vector<2000x80xf32>
    %get3A_4 = arith.constant 0 : index
    %get3A_5 = arith.constant 0 : index
    %get3A_6 = vector.load %arg2[%get3A_4, %get3A_5] : memref<2x80xf32, #tpu.memory_space<vmem>>, vector<1x80xf32>
    %reduce_sum3A = arith.constant dense<0.000000e+00> : vector<80xf32>
    %reduce_sum3A_7 = vector.multi_reduction <add>, %get3A_3, %reduce_sum3A [0] : vector<2000x80xf32> to vector<80xf32>
    %broadcast_in_dim3A = vector.shape_cast %reduce_sum3A_7 : vector<80xf32> to vector<1x80xf32>
    %add3A = arith.addf %get3A_6, %broadcast_in_dim3A : vector<1x80xf32>
    %swap3A = arith.constant 0 : index
    %swap3A_8 = arith.constant 0 : index
    %swap3A_9 = vector.load %arg2[%swap3A, %swap3A_8] : memref<2x80xf32, #tpu.memory_space<vmem>>, vector<1x80xf32>
    tpu.vector_store %arg2[%swap3A, %swap3A_8], %add3A {strides = array<i32>} : memref<2x80xf32, #tpu.memory_space<vmem>>, vector<1x80xf32>,
    %get3A_10 = arith.constant 1 : index
    %get3A_11 = arith.constant 0 : index
    %get3A_12 = vector.load %arg2[%get3A_10, %get3A_11] : memref<2x80xf32, #tpu.memory_space<vmem>>, vector<1x80xf32>
    %mul3A = arith.mulf %get3A_3, %get3A_3 : vector<2000x80xf32>
    %reduce_sum3A_13 = arith.constant dense<0.000000e+00> : vector<80xf32>
    %reduce_sum3A_14 = vector.multi_reduction <add>, %mul3A, %reduce_sum3A_13 [0] : vector<2000x80xf32> to vector<80xf32>
    %broadcast_in_dim3A_15 = vector.shape_cast %reduce_sum3A_14 : vector<80xf32> to vector<1x80xf32>
    %add3A_16 = arith.addf %get3A_12, %broadcast_in_dim3A_15 : vector<1x80xf32>
    %swap3A_17 = arith.constant 1 : index
    %swap3A_18 = arith.constant 0 : index
    %swap3A_19 = vector.load %arg2[%swap3A_17, %swap3A_18] : memref<2x80xf32, #tpu.memory_space<vmem>>, vector<1x80xf32>
    tpu.vector_store %arg2[%swap3A_17, %swap3A_18], %add3A_16 {strides = array<i32>} : memref<2x80xf32, #tpu.memory_space<vmem>>, vector<1x80xf32>,
    return
  }
  func.func @transform_0(%arg0: i32) -> (i32, i32) {
    %c0_i32 = arith.constant 0 : i32
    %c0_i32_0 = arith.constant 0 : i32
    return %arg0, %c0_i32 : i32, i32
  }
  func.func @transform_1(%arg0: i32) -> (i32, i32) {
    %c0_i32 = arith.constant 0 : i32
    %c0_i32_0 = arith.constant 0 : i32
    %c0_i32_1 = arith.constant 0 : i32
    return %c0_i32, %c0_i32_0 : i32, i32
  }
}

module attributes {stable_mosaic.version = 14 : i64} {
  func.func @_bn_kernel(%arg0: i32, %arg1: memref<40000x80xf32, #tpu.memory_space<vmem>>, %arg2: memref<2x80xf32, #tpu.memory_space<vmem>>, %arg3: memref<1x80xf32, #tpu.memory_space<vmem>>, %arg4: memref<8x1xf32, #tpu.memory_space<vmem>>, %arg5: memref<8x80xf32, #tpu.memory_space<vmem>>, %arg6: memref<8x40000xf32, #tpu.memory_space<vmem>>) attributes {dimension_semantics = [#tpu.dimension_semantics<arbitrary>], iteration_bounds = array<i64: 10>, scalar_prefetch = 0 : i64, scratch_operands = 0 : i64, tpu.core_type = #tpu.core_type<tc>, window_params = [{pipeline_mode = #tpu.pipeline_mode<synchronous>, transform_indices = @transform_0, window_bounds = array<i64: 40000, 80>}, {pipeline_mode = #tpu.pipeline_mode<synchronous>, transform_indices = @transform_1, window_bounds = array<i64: 2, 80>}, {pipeline_mode = #tpu.pipeline_mode<synchronous>, transform_indices = @transform_2, window_bounds = array<i64: 1, 80>}, {transform_indices = @transform_3, window_bounds = array<i64: 8, 1>}, {transform_indices = @transform_4, window_bounds = array<i64: 8, 80>}, {transform_indices = @transform_5, window_bounds = array<i64: 8, 40000>}]} {
    %get3A = arith.constant 0 : index
    %get3A_0 = arith.constant 0 : index
    %get3A_1 = vector.load %arg2[%get3A, %get3A_0] : memref<2x80xf32, #tpu.memory_space<vmem>>, vector<1x80xf32>
    %mul3A = arith.constant 2.500000e-05 : f32
    %mul3A_2 = vector.broadcast %mul3A : f32 to vector<1x80xf32>
    %mul3A_3 = arith.mulf %get3A_1, %mul3A_2 : vector<1x80xf32>
    %get3A_4 = arith.constant 1 : index
    %get3A_5 = arith.constant 0 : index
    %get3A_6 = vector.load %arg2[%get3A_4, %get3A_5] : memref<2x80xf32, #tpu.memory_space<vmem>>, vector<1x80xf32>
    %mul3A_7 = arith.constant 2.500000e-05 : f32
    %mul3A_8 = vector.broadcast %mul3A_7 : f32 to vector<1x80xf32>
    %mul3A_9 = arith.mulf %get3A_6, %mul3A_8 : vector<1x80xf32>
    %mul3A_10 = arith.mulf %mul3A_3, %mul3A_3 : vector<1x80xf32>
    %sub3A = arith.subf %mul3A_9, %mul3A_10 : vector<1x80xf32>
    %get3A_11 = arith.constant 0 : index
    %get3A_12 = arith.constant 0 : index
    %get3A_13 = vector.load %arg3[%get3A_11, %get3A_12] : memref<1x80xf32, #tpu.memory_space<vmem>>, vector<1x80xf32>
    %add3A = arith.constant 9.99999974E-6 : f32
    %add3A_14 = vector.broadcast %add3A : f32 to vector<1x80xf32>
    %add3A_15 = arith.addf %sub3A, %add3A_14 : vector<1x80xf32>
    %sqrt3A = math.sqrt %add3A_15 : vector<1x80xf32>
    %div3A = arith.divf %get3A_13, %sqrt3A : vector<1x80xf32>
    %get3A_16 = arith.constant 0 : index
    %get3A_17 = arith.constant 0 : index
    %get3A_18 = vector.load %arg5[%get3A_16, %get3A_17] : memref<8x80xf32, #tpu.memory_space<vmem>>, vector<8x80xf32>
    %mul3A_19 = vector.broadcast %div3A : vector<1x80xf32> to vector<8x80xf32>
    %mul3A_20 = arith.mulf %get3A_18, %mul3A_19 : vector<8x80xf32>
    %get3A_21 = arith.constant 0 : index
    %get3A_22 = arith.constant 0 : index
    %get3A_23 = vector.load %arg1[%get3A_21, %get3A_22] : memref<40000x80xf32, #tpu.memory_space<vmem>>, vector<40000x80xf32>
    %dot_general3A = arith.constant dense<0.000000e+00> : vector<8x40000xf32>
    %dot_general3A_24 = tpu.matmul %mul3A_20, %get3A_23, %dot_general3A {dimension_numbers = #tpu.dot_dimension_numbers<[1], [1], [0], [0], [0, 0, 1, 0], [], []>, transpose_lhs_hint = false} : vector<8x80xf32>, vector<40000x80xf32>, vector<8x40000xf32> -> vector<8x40000xf32>
    %mul3A_25 = arith.mulf %mul3A_3, %div3A : vector<1x80xf32>
    %dot_general3A_26 = arith.constant dense<0.000000e+00> : vector<8x1xf32>
    %dot_general3A_27 = tpu.matmul %get3A_18, %mul3A_25, %dot_general3A_26 {dimension_numbers = #tpu.dot_dimension_numbers<[1], [1], [0], [0], [0, 0, 1, 0], [], []>, transpose_lhs_hint = false} : vector<8x80xf32>, vector<1x80xf32>, vector<8x1xf32> -> vector<8x1xf32>
    %sub3A_28 = vector.broadcast %dot_general3A_27 : vector<8x1xf32> to vector<8x40000xf32>
    %sub3A_29 = arith.subf %dot_general3A_24, %sub3A_28 : vector<8x40000xf32>
    %get3A_30 = arith.constant 0 : index
    %get3A_31 = arith.constant 0 : index
    %get3A_32 = vector.load %arg4[%get3A_30, %get3A_31] : memref<8x1xf32, #tpu.memory_space<vmem>>, vector<8x1xf32>
    %add3A_33 = vector.broadcast %get3A_32 : vector<8x1xf32> to vector<8x40000xf32>
    %add3A_34 = arith.addf %sub3A_29, %add3A_33 : vector<8x40000xf32>
    %max3A = arith.constant 0.000000e+00 : f32
    %max3A_35 = vector.broadcast %max3A : f32 to vector<8x40000xf32>
    %max3A_36 = arith.maximumf %add3A_34, %max3A_35 : vector<8x40000xf32>
    %swap3A = arith.constant 0 : index
    %swap3A_37 = arith.constant 0 : index
    %swap3A_38 = vector.load %arg6[%swap3A, %swap3A_37] : memref<8x40000xf32, #tpu.memory_space<vmem>>, vector<8x40000xf32>
    tpu.vector_store %arg6[%swap3A, %swap3A_37], %max3A_36 {strides = array<i32>} : memref<8x40000xf32, #tpu.memory_space<vmem>>, vector<8x40000xf32>,
    return
  }
  func.func @transform_0(%arg0: i32) -> (i32, i32) {
    %c0_i32 = arith.constant 0 : i32
    %c0_i32_0 = arith.constant 0 : i32
    %c0_i32_1 = arith.constant 0 : i32
    return %c0_i32, %c0_i32_0 : i32, i32
  }
  func.func @transform_1(%arg0: i32) -> (i32, i32) {
    %c0_i32 = arith.constant 0 : i32
    %c0_i32_0 = arith.constant 0 : i32
    %c0_i32_1 = arith.constant 0 : i32
    return %c0_i32, %c0_i32_0 : i32, i32
  }
  func.func @transform_2(%arg0: i32) -> (i32, i32) {
    %c0_i32 = arith.constant 0 : i32
    %c0_i32_0 = arith.constant 0 : i32
    %c0_i32_1 = arith.constant 0 : i32
    return %c0_i32, %c0_i32_0 : i32, i32
  }
  func.func @transform_3(%arg0: i32) -> (i32, i32) {
    %c0_i32 = arith.constant 0 : i32
    %c0_i32_0 = arith.constant 0 : i32
    return %arg0, %c0_i32 : i32, i32
  }
  func.func @transform_4(%arg0: i32) -> (i32, i32) {
    %c0_i32 = arith.constant 0 : i32
    %c0_i32_0 = arith.constant 0 : i32
    return %arg0, %c0_i32 : i32, i32
  }
  func.func @transform_5(%arg0: i32) -> (i32, i32) {
    %c0_i32 = arith.constant 0 : i32
    %c0_i32_0 = arith.constant 0 : i32
    return %arg0, %c0_i32 : i32, i32
  }
}

</mosaic_0001>

<sc_bundles>
// kernel: kernel.7.cloned.1.call-start
scs
__scs_entry_jumppad:
0x0: {  	(pc) =	sbr.rel $0x88, $3  }
0x1: {  	(tag) =	ssettag $0x0;
	lr =	simm.s32 $0x1  }
0x2: {  	[smem:$0x3F99] =	sst lr;
	_ =	strace $0xD0000000  }
0x3: {  	_ = 	snop  }
0x4: {  	_ = 	snop  }
0x5: {  	_ = 	snop  }
0x6: {  	_ = 	snop  }
0x7: {  	_ = 	snop  }
__scs_overlays_trampoline_lowered:
0x8: {  	[smem:$0x3FA8] =	sst s0  }
0x9: {  	[smem:$0x3FA9] =	sst s1  }
0xa: {  	[smem:$0x3FAA] =	sst s2  }
0xb: {  	[smem:$0x3FAB] =	sst s3  }
0xc: {  	[smem:$0x3FAC] =	sst s4  }
0xd: {  	[smem:$0x3FAD] =	sst s5  }
0xe: {  	[smem:$0x3FAE] =	sst s6  }
0xf: {  	[smem:$0x3FAF] =	sst s7  }
0x10: {  	[smem:$0x3FB0] =	sst s8  }
0x11: {  	[smem:$0x3FB1] =	sst s9;
	s0 =	simm.s32 @!p0 $0x0  }
0x12: {  	s1 =	sld [smem:$0x3F97];
	s0 =	simm.s32 @p0 $0x1  }
0x13: {  	[smem:$0x3FB2] =	sst s0;
	s0 =	simm.s32 @!p1 $0x0  }
0x14: {  	s2 =	sld [smem:$0x3F96];
	s0 =	simm.s32 @p1 $0x1  }
0x15: {  	[smem:$0x3FB3] =	sst s0;
	s0 =	simm.s32 @!p2 $0x0  }
0x16: {  	s3 =	sld [smem:$0x3FDB];
	s0 =	simm.s32 @p2 $0x1  }
0x17: {  	s4 =	simm.s32 $0x1BF5;
	[smem:$0x3FB5] =	sst s0  }
0x18: {  	s0 =	sld [smem:$0x3F98];
	_ =	swait.ge [sflag:s4], $0x0  }
0x19: {  	s7 =	sld [smem:$0x3F99]  }
0x1a: {  	s8 =	sadd.s32 $0xFFFFE003, lr  }
0x1b: {  	s9 =	sadd.s32 $0xFFFFFEF7, lr;
	s5 =	simm.s32 $0xFFFFFFFF;
	p2 =	slt.u32 s8, $0xFFFFF086  }
0x1c: {  	p1 =	slt.u32 s9, $0xF7A;
	s5 =	simm.s32 @!p2 $0x0  }
0x1d: {  	s5 =	simm.s32 @p1 $0x1;
	p0 =	seq.s32 s7, s2  }
0x1e: {  	s7 =	smul.u32 @!p0 $0xF7A, s2;
	p2 =	seq.s32 @!p0 s5, $0x0  }
0x1f: {  	s9 =	smul.u32 $0xF7A, s1;
	s8 =	simm.s32 @!p0 $0x1BF5;
	p2 =	por !p2, p0  }
0x20: {  	[sflag:s8] =	ssyncset.s32 @!p0 $0xFFFFF086;
	s6 =	sadd.s32 @!p0 s3, s7;
	s7 =	simm.s32 @!p0 $0x108  }
0x21: {  	s3 =	sadd.s32 s3, s9;
	s6 =	sadd.s32 @!p0 $0x88, s6;
	s7 =	simm.s32 @p2 $0x1082  }
0x22: {  	[simem:s7], [sflag:s8] =	dma.local @!p0 [hbm:s6], $0xF7A  }
0x23: {  	s9 =	sor.u32 $0xD0000000, s2;
	s6 =	simm.s32 $0x108;
	_ =	swait.ge @!p0 [sflag:s8], $0x0  }
0x24: {  	s3 =	sadd.s32 $0x88, s3;
	s6 =	simm.s32 @!p1 $0x1082;
	[sflag:s4] =	ssyncset.s32 $0xFFFFF086  }
0x25: {  	[simem:s6], [sflag:s4] =	dma.local [hbm:s3], $0xF7A  }
0x26: {  	[smem:$0x3F99] =	sst s1;
	(tag) =	ssettag s2;
	_ =	strace s9  }
0x27: {  	s1 =	sld [smem:$0x3FA9]  }
0x28: {  	s2 =	sld [smem:$0x3FAA]  }
0x29: {  	s4 =	sld [smem:$0x3FAC]  }
0x2a: {  	p0 =	seq.s32 s5, $0x0;
	s5 =	sld [smem:$0x3FAD]  }
0x2b: {  	s6 =	sld [smem:$0x3FAE]  }
0x2c: {  	s7 =	sld [smem:$0x3FAF]  }
0x2d: {  	s3 =	simm.s32 $0x108;
	s8 =	sld [smem:$0x3FB0]  }
0x2e: {  	s3 =	simm.s32 @!p0 $0x1082;
	s9 =	sld [smem:$0x3FB1]  }
0x2f: {  	lr =	sadd.s32 s0, s3;
	s0 =	sld [smem:$0x3FA8]  }
0x30: {  	s3 =	sld [smem:$0x3FAB]  }
0x31: {  	[smem:$0x3FB4] =	sst s10  }
0x32: {  	s10 =	sld [smem:$0x3FB2];
	_ =	sdelay $0x3  }
0x33: {  	p0 =	seq.s32 s10, $0x1;
	s10 =	sld [smem:$0x3FB4];
	_ =	sdelay $0x3  }
0x34: {  	[smem:$0x3FB4] =	sst s10  }
0x35: {  	s10 =	sld [smem:$0x3FB3];
	_ =	sdelay $0x3  }
0x36: {  	p1 =	seq.s32 s10, $0x1;
	s10 =	sld [smem:$0x3FB4];
	_ =	sdelay $0x3  }
0x37: {  	[smem:$0x3FB4] =	sst s10  }
0x38: {  	s10 =	sld [smem:$0x3FB5]  }
0x39: {  	_ = 	snop;
	(pc) =	sbr.ind lr, $3  }
0x3a: {  	_ = 	snop  }
0x3b: {  	_ = 	snop  }
0x3c: {  	p2 =	seq.s32 s10, $0x1;
	s10 =	sld [smem:$0x3FB4]  }
0x3d: {  	_ =	shalt  }
0x3e: {  	_ =	shalt  }
0x3f: {  	_ =	shalt  }
0x40: {  	_ =	shalt  }
0x41: {  	_ =	shalt  }
0x42: {  	_ =	shalt  }
0x43: {  	_ =	shalt  }
0x44: {  	_ =	shalt  }
0x45: {  	_ =	shalt  }
0x46: {  	_ =	shalt  }
0x47: {  	_ =	shalt  }
0x48: {  	_ =	shalt  }
0x49: {  	_ =	shalt  }
0x4a: {  	_ =	shalt  }
0x4b: {  	_ =	shalt  }
0x4c: {  	_ =	shalt  }
0x4d: {  	_ =	shalt  }
0x4e: {  	_ =	shalt  }
0x4f: {  	_ =	shalt  }
0x50: {  	_ =	shalt  }
0x51: {  	_ =	shalt  }
0x52: {  	_ =	shalt  }
0x53: {  	_ =	shalt  }
0x54: {  	_ =	shalt  }
0x55: {  	_ =	shalt  }
0x56: {  	_ =	shalt  }
0x57: {  	_ =	shalt  }
0x58: {  	_ =	shalt  }
0x59: {  	_ =	shalt  }
0x5a: {  	_ =	shalt  }
0x5b: {  	_ =	shalt  }
0x5c: {  	_ =	shalt  }
0x5d: {  	_ =	shalt  }
0x5e: {  	_ =	shalt  }
0x5f: {  	_ =	shalt  }
0x60: {  	_ =	shalt  }
0x61: {  	_ =	shalt  }
0x62: {  	_ =	shalt  }
0x63: {  	_ =	shalt  }
0x64: {  	_ =	shalt  }
0x65: {  	_ =	shalt  }
0x66: {  	_ =	shalt  }
0x67: {  	_ =	shalt  }
0x68: {  	_ =	shalt  }
0x69: {  	_ =	shalt  }
0x6a: {  	_ =	shalt  }
0x6b: {  	_ =	shalt  }
0x6c: {  	_ =	shalt  }
0x6d: {  	_ =	shalt  }
0x6e: {  	_ =	shalt  }
0x6f: {  	_ =	shalt  }
0x70: {  	_ =	shalt  }
0x71: {  	_ =	shalt  }
0x72: {  	_ =	shalt  }
0x73: {  	_ =	shalt  }
0x74: {  	_ =	shalt  }
0x75: {  	_ =	shalt  }
0x76: {  	_ =	shalt  }
0x77: {  	_ =	shalt  }
0x78: {  	_ =	shalt  }
0x79: {  	_ =	shalt  }
0x7a: {  	_ =	shalt  }
0x7b: {  	_ =	shalt  }
0x7c: {  	_ =	shalt  }
0x7d: {  	_ =	shalt  }
0x7e: {  	_ =	shalt  }
0x7f: {  	_ =	shalt  }
0x80: {  	_ =	shalt  }
0x81: {  	_ =	shalt  }
0x82: {  	_ =	shalt  }
0x83: {  	_ =	shalt  }
0x84: {  	_ =	shalt  }
0x85: {  	_ =	shalt  }
0x86: {  	_ =	shalt  }
0x87: {  	_ =	shalt  }
.Lfunc_end0:
.L_simem_size_0:
called_computation_lowered:
.L_overlay_start_0:
0x88: {  	s2 =	sld [smem:$0x3FD9]  }
0x89: {  	s3 =	sld [smem:$0x3FFE];
	_ =	sdelay $0x1  }
0x8a: {  	s1 =	srdreg.scid  }
0x8b: {  	s0 =	sand.u32 $0x1, s1  }
0x8c: {  	s17 =	sshll.u32 s0, $0xA;
	s2 =	sadd.s32 s3, s2  }
0x8d: {  	s2 =	sadd.s32 s2, s17  }
0x8e: {  	[smem:$0x3FC0] =	sst s2  }
0x8f: {  	_ = 	snop  }
0x90: {  	s2 =	sld [smem:$0x3FD0];
	(tm) =	ssettm $0x1  }
0x91: {  	s18 =	sld [smem:$0x3FFB];
	_ =	sdelay $0x3  }
0x92: {  	_ =	strace s18  }
0x93: {  	s3 =	sld [smem:$0x3FFC];
	_ =	sdelay $0x3  }
0x94: {  	_ =	strace s3  }
0x95: {  	s3 =	sld [smem:$0x3FFD];
	_ =	sdelay $0x3  }
0x96: {  	_ =	strace s3  }
0x97: {  	_ =	strace $0x8FFFFFFF  }
0x98: {  	s19 =	sld [smem:$0x3FDB];
	_ =	sdelay $0x1  }
0x99: {  	s4 =	simm.s32 $_scs_section_size  }
0x9a: {  	s5 =	simm.s32 $_size__tile_overlayer_lowered;
	s6 =	simm.s32 $_tile_overlayer_lowered  }
0x9b: {  	s22 =	simm.s32 $0x1BFF;
	s21 =	sshll.u32 s6, $0x1;
	s3 =	sadd.s32 s4, s19  }
0x9c: {  	s7 =	simm.s32 $0x0;
	s20 =	sshll.u32 s5, $0x1;
	s5 =	sadd.s32 s21, s3  }
0x9d: {  	[timem:s7], [sflag:s22] =	dma.local [hbm:s5], s20  }
0x9e: {  	_ =	swait.ge [sflag:s22], s20  }
0x9f: {  	s4 =	ssub.s32 $0x0, s20;
	[sflag:s22] =	ssyncset.done $0x0  }
0xa0: {  	[sflag:s22] =	ssyncadd.s32 s4;
	_ =	sdelay $0x1  }
0xa1: {  	s23 =	simm.s32 $0x1B8B  }
0xa2: {  	_ =	swait.ge [sflag:s23], $0x1  }
0xa3: {  	[sflag:s23] =	ssyncset.done $0x0  }
0xa4: {  	s25 =	simm.s32 $0x1B8E;
	s24 =	sld [smem:$0x3FFE];
	[sflag:s23] =	ssyncadd.s32 $0xFFFFFFFF  }
0xa5: {  	s26 =	simm.s32 $execute0_lowered;
	[smem:$0x3FD2] =	sst s25  }
0xa6: {  	s5 =	sshll.u32 s26, $0x1;
	_ =	strace $0x80000046;
	[dreg:$0x1] =	wrdreg $0xFFFFFFFF  }
0xa7: {  	s28 =	simm.s32 $_size_execute0_lowered;
	s3 =	sadd.s32 s3, s5;
	[dreg:$0x0] =	wrdreg $0x0  }
0xa8: {  	s5 =	sshll.u32 s28, $0x1;
	[dreg:$0x2] =	wrdreg s3  }
0xa9: {  	[dreg:$0x3] =	wrdreg s5  }
0xaa: {  	[dreg:$0x4] =	wrdreg $0xC0  }
0xab: {  	_ =	task [dreg:s7], $0x5FFFF  }
0xac: {  	[dreg:$0x1] =	wrdreg $0xFFFFFFFF  }
0xad: {  	[dreg:$0x0] =	wrdreg $0x60  }
0xae: {  	[dreg:$0x2] =	wrdreg s24  }
0xaf: {  	[dreg:$0x3] =	wrdreg s2  }
0xb0: {  	[dreg:$0x4] =	wrdreg $0x9  }
0xb1: {  	_ =	task.clear_ibuf [dreg:s7], $0x5FFFF;
	_ =	strace $0x90000046  }
0xb2: {  	s29 =	simm.s32 $0x9;
	_ =	strace $0x80000048  }
0xb3: {  	_ =	swait.ge [sflag:s29], $0x1  }
0xb4: {  	[sflag:s29] =	ssyncadd.s32 $0xFFFFFFFF  }
0xb5: {  	_ =	strace $0x90000048  }
0xb6: {  	_ =	sfence  }
0xb7: {  	s30 =	sld [smem:$0x0];
	_ =	sdelay $0x2  }
0xb8: {  	s31 =	sshll.u32 s1, $0xD;
	s1 =	sshrl.u32 s1, $0x2  }
0xb9: {  	s3 =	sand.u32 $0x4000, s31;
	s1 =	sadd.s32 s1, s30  }
0xba: {  	s0 =	sor.u32 s3, s0;
	s1 =	sshll.u32 s1, $0x11  }
0xbb: {  	s0 =	sor.u32 s1, s0  }
0xbc: {  	s0 =	sadd.s32 $0x8F2B, s0  }
0xbd: {  	[sflag:s0] =	ssyncadd.remote.s32 $0x1  }
0xbe: {  	_ =	sfence.sel $0xFFFF  }
0xbf: {  	[dreg:$0x0] =	wrdreg $0xFFFFFFFF;
	(pc) =	sbr.abs _section_cstart, $3  }
0xc0: {  	[dreg:$0x1] =	wrdreg $0xFFFFFFFF  }
0xc1: {  	_ =	task.clear_ibuf [dreg:s7], $0x2FFFF;
	_ =	strace $0x9FFFFFFF  }
0xc2: {  	(tm) =	ssettm $0x7FFFFFFF  }
0xc3: {  	_ =	shalt  }
tec
execute0_lowered:
.L_overlay_start_1:
0x0: {  	(tag) =	ssettag $0x1  }
0x1: {  	s1 =	srdreg.scid;
	s5 =	rddreg [dreg:$0x0]  }
0x2: {  	s0 =	stileid.u32;
	s6 =	rddreg [dreg:$0x1]  }
0x3: {  	s11 =	simm.s32 $0x20;
	s12 =	simm.s32 $0x2800;
	s13 =	simm.s32 $0x2E00  }
0x4: {  	s14 =	simm.s32 $0x1;
	s15 =	simm.s32 $0x2820;
	s16 =	simm.s32 $0x3E00  }
0x5: {  	s17 =	simm.s32 $0x28A0;
	s1 =	sand.u32 $0x1, s1;
	s2 =	sshll.u32 s0, $0x1  }
0x6: {  	s18 =	simm.s32 $0x7E00;
	s19 =	simm.s32 $0x2920;
	s2 =	sor.u32 s1, s2  }
0x7: {  	s20 =	simm.s32 $0xBE00;
	s3 =	smul.u32 $0x4E0, s2;
	s2 =	smax.u32 s2, $0x18  }
0x8: {  	s21 =	simm.s32 $0xFE00;
	s1 =	ssub.s32 $0x2, s1;
	s4 =	sshll.u32 s2, $0x3  }
0x9: {  	s22 =	simm.s32 $0x0;
	s9 =	sshrl.u32 s1, $0x1;
	s3 =	sadd.s32 s4, s3  }
0xa: {  	s2 =	simm.s32 $0x0;
	s1 =	ssub.s32 s1, s9;
	s3 =	sadd.s32 $0xFFFFFF40, s3  }
0xb: {  	[smem:$0x7FF] =	sst s2;
	s4 =	sadd.s32 $0x216400, s5;
	s7 =	sshrl.u32 s3, $0x1  }
.Ltmp0:
0xc: {  	s10 =	sshll.u32 s3, $0x4;
	s7 =	sand.u32 $0x1FFFFFFC, s7;
	(pc) =	sbr.rel .LBB2_1-.Ltmp0, $4  }
0xd: {  	s28 =	sand.u32 $0x1FFFFF80, s10;
	s8 =	sadd.s32 s7, s5;
	s5 =	sadd.s32 $0x1400, s5  }
0xe: {  	s9 =	smax.u32 s1, $0x1;
	s29 =	sadd.s32 s6, s7;
	s30 =	sadd.s32 s5, s28  }
0xf: {  	_ =	strace $0x80000047;
	[dreg:$0x3] =	wrdreg s29;
	s31 =	sadd.s32 $0x4E00, s30  }
0x10: {  	v0 =	vimm.f32 $0.0e+00;
	v1 =	vimm.s32 $0x0;
	s10 =	simm.s32 $0x2;
	s7 =	sadd.s32 $0x211400, s8;
	[dreg:$0x4] =	wrdreg s31  }
.LBB2_42:
0x11: {  	[tilespmem:s26+$0xFE40] =	vst v2  }
.LBB2_43:
0x12: {  	s0 =	rddreg [dreg:$0x4]  }
0x13: {  	[hbm4b:s0+s2] =	stream.linear.scatter [tilespmem:s21], [sflag:$0x2], $0x400, $0x38;
	[tilespmem:$0x13200] =	vst v63  }
0x14: {  	_ =	swait.ge [sflag:s10], $0x400  }
0x15: {  	[sflag:s10] =	ssyncset.done $0x0  }
0x16: {  	[sflag:s10] =	ssyncadd.s32 $0xFFFFFC00  }
.LBB2_44:
0x17: {  	s22 =	sadd.s32 $0x1, s22  }
0x18: {  	p0 =	sne.s32 s22, s9  }
.Ltmp1:
0x19: {  	_ = 	snop;
	(pc) =	sbr.rel @!p0 .LBB2_45-.Ltmp1, $1  }
0x1a: {  	_ =	sdelay $0x3  }
.LBB2_1:
0x1b: {  	s0 =	rddreg [dreg:$0x3]  }
0x1c: {  	[tilespmem:s2], [sflag:$0x2] =	stream.linear.gather [hbm4b:s0+s2], $0x13A0, $0x38;
	[tilespmem:$0x13200] =	vst v63  }
0x1d: {  	_ =	swait.ge [sflag:s10], $0x13A0  }
0x1e: {  	[sflag:s10] =	ssyncset.done $0x0  }
.Ltmp2:
0x1f: {  	s23 =	simm.s32 $0x1400;
	[sflag:s10] =	ssyncadd.s32 $0xFFFFEC60;
	(pc) =	sbr.rel .LBB2_2-.Ltmp2, $4  }
0x20: {  	[tilespmem:s23], [sflag:$0x2] =	stream.linear.gather [hbm4b:s7+s2], $0x13A0, $0x38;
	[tilespmem:$0x13200] =	vst v63  }
0x21: {  	_ =	swait.ge [sflag:s10], $0x13A0  }
0x22: {  	[sflag:s10] =	ssyncset.done $0x0  }
0x23: {  	s24 =	simm.s32 $0x0;
	s25 =	simm.s32 $0x0;
	[sflag:s10] =	ssyncadd.s32 $0xFFFFEC60  }
.LBB2_34:
0x24: {  	[tilespmem:s30+$0xFE40] =	vst v2  }
.LBB2_35:
0x25: {  	s0 =	smul.u32 $0x68, s25;
	_ =	sdelay $0x1  }
0x26: {  	s25 =	sadd.s32 $0x1, s25;
	s0 =	sadd.s32 s3, s0  }
0x27: {  	p0 =	sne.s32 s25, $0xC;
	s0 =	sshll.u32 s0, $0x4  }
.Ltmp3:
0x28: {  	s0 =	sadd.s32 s5, s0;
	(pc) =	sbr.rel @!p0 .LBB2_36-.Ltmp3, $4  }
0x29: {  	[hbm4b:s0+s2] =	stream.linear.scatter [tilespmem:s21], [sflag:$0x2], $0x3400, $0x38;
	[tilespmem:$0x13200] =	vst v63  }
0x2a: {  	_ =	swait.ge [sflag:s10], $0x3400  }
0x2b: {  	[sflag:s10] =	ssyncset.done $0x0  }
0x2c: {  	s23 =	sadd.s32 $0x1A0, s23;
	s24 =	sadd.s32 $0x1A0, s24;
	[sflag:s10] =	ssyncadd.s32 $0xFFFFCC00  }
.LBB2_2:
0x2d: {  	s28 =	simm.s32 $0x0;
	s26 =	simm.s32 $0x200;
	s1 =	simm.s32 $0x0  }
.LBB2_3:
0x2e: {  	p0 =	sne.s32 s26, $0xCE00;
	[tilespmem:s1+$0xFE40] =	vst v0;
	s29 =	smov.u32 s26;
	s26 =	sadd.s32 $0x200, s26  }
.Ltmp4:
0x2f: {  	[tilespmem:s1+$0xFE30] =	vst v0;
	(pc) =	sbr.rel @p0 .LBB2_3-.Ltmp4, $4  }
0x30: {  	[tilespmem:s1+$0xFE20] =	vst v0  }
0x31: {  	[tilespmem:s1+$0xFE00] =	vst v0  }
0x32: {  	[tilespmem:s1+$0xFE10] =	vst v0  }
0x33: {  	s1 =	sshra.s32 s29, $0x2  }
0x34: {  	[tilespmem:s1+$0xFE40] =	vst v0  }
0x35: {  	[tilespmem:s1+$0xFE30] =	vst v0  }
0x36: {  	[tilespmem:s1+$0xFE20] =	vst v0  }
0x37: {  	[tilespmem:s1+$0xFE00] =	vst v0  }
0x38: {  	[tilespmem:s1+$0xFE10] =	vst v0  }
0x39: {  	v3 =	vld [tilespmem:s23+$0x0];
	_ =	sdelay $0x4  }
0x3a: {  	(v2sf) =	vpush v3, $0x0  }
0x3b: {  	(v2sf) =	vpush v3, $0x1;
	_ =	sdelay $0x1  }
0x3c: {  	(v2sf) =	vpush v3, $0x2;
	_ =	sdelay $0x1  }
0x3d: {  	(v2sf) =	vpush v3, $0x3;
	_ =	sdelay $0x9  }
0x3e: {  	s0 =	spop (v2sf)  }
0x3f: {  	s26 =	spop (v2sf)  }
0x40: {  	s1 =	sand.u32 $0x7FFFFFFF, s0;
	s26 =	sand.u32 $0x7FFFFFFF, s26  }
0x41: {  	s29 =	spop (v2sf);
	s1 =	sadd.f32 s26, s1  }
0x42: {  	s6 =	sand.u32 $0x7FFFFFFF, s29  }
0x43: {  	s29 =	spop (v2sf);
	s1 =	sadd.f32 s1, s6  }
0x44: {  	s8 =	sand.u32 $0x7FFFFFFF, s29  }
0x45: {  	s1 =	sadd.f32 s1, s8;
	_ =	sdelay $0x1  }
0x46: {  	s1 =	smul.f32 $9.999999680e+37, s1;
	_ =	sdelay $0x1  }
0x47: {  	s1 =	smin.f32 s1, $1.000000000e+00  }
0x48: {  	s1 =	scvt.f32.s32 s1;
	_ =	sdelay $0x1  }
0x49: {  	p1 =	sne.s32 s1, $0x1  }
0x4a: {  	v2 =	vld @!p1 [tilespmem:s24+$0x0]  }
0x4b: {  	s30 =	smov.u32 s23;
	s1 =	sshll.u32 s1, $0x2;
	v4 =	vmov @!p1 s28;
	[tilespmem:s28+$0x2A00] =	vst @!p1 v3  }
0x4c: {  	s31 =	smov.u32 s24;
	s29 =	simm.s32 $0x1;
	s26 =	sadd.s32 $0x0, s1;
	[tilespmem:s28+$0x2C00] =	vst @!p1 v4  }
.LBB2_5:
0x4d: {  	s30 =	sadd.s32 $0x4, s30  }
0x4e: {  	s31 =	sadd.s32 $0x4, s31;
	s1 =	smov.u32 s29;
	s29 =	sadd.s32 $0x1, s29  }
0x4f: {  	p0 =	sne.s32 s29, $0x68;
	[tilespmem:s28+$0x2800] =	vst @!p1 v2;
	s28 =	smov.u32 s26  }
0x50: {  	v3 =	vld [tilespmem:s30+$0x0];
	_ =	sdelay $0x4  }
0x51: {  	(v2sf) =	vpush v3, $0x0  }
0x52: {  	(v2sf) =	vpush v3, $0x1  }
0x53: {  	(v2sf) =	vpush v3, $0x2  }
0x54: {  	(v2sf) =	vpush v3, $0x3;
	_ =	sdelay $0xb  }
0x55: {  	s8 =	spop (v2sf)  }
0x56: {  	s8 =	sand.u32 $0x7FFFFFFF, s8;
	s0 =	spop (v2sf)  }
0x57: {  	s0 =	sand.u32 $0x7FFFFFFF, s0;
	s6 =	spop (v2sf)  }
0x58: {  	s0 =	sadd.f32 s0, s8;
	s6 =	sand.u32 $0x7FFFFFFF, s6;
	s8 =	spop (v2sf)  }
0x59: {  	_ = 	snop  }
0x5a: {  	s0 =	sadd.f32 s0, s6;
	s6 =	sand.u32 $0x7FFFFFFF, s8;
	_ =	sdelay $0x1  }
0x5b: {  	s0 =	sadd.f32 s0, s6;
	_ =	sdelay $0x1  }
0x5c: {  	s0 =	smul.f32 $9.999999680e+37, s0;
	_ =	sdelay $0x1  }
0x5d: {  	s0 =	smin.f32 s0, $1.000000000e+00  }
0x5e: {  	s0 =	scvt.f32.s32 s0  }
.Ltmp5:
0x5f: {  	(pc) =	sbr.rel @p0 .LBB2_5-.Ltmp5, $4  }
0x60: {  	p1 =	sne.s32 s0, $0x1;
	s0 =	sshll.u32 s0, $0x2  }
0x61: {  	v2 =	vld @!p1 [tilespmem:s31+$0x0];
	v4 =	vmov @!p1 s1;
	s26 =	sadd.s32 s26, s0  }
0x62: {  	[tilespmem:s28+$0x2A00] =	vst @!p1 v3  }
0x63: {  	[tilespmem:s28+$0x2C00] =	vst @!p1 v4  }
0x64: {  	s0 =	sadd.s32 $0x1F, s26  }
0x65: {  	s1 =	sshra.s32 s0, $0x1F  }
0x66: {  	s6 =	sshrl.u32 s1, $0x1B  }
0x67: {  	s0 =	sadd.s32 s6, s0  }
0x68: {  	s0 =	sshra.s32 s0, $0x5  }
0x69: {  	[tilespmem:s28+$0x2800] =	vst @!p1 v2;
	s28 =	sadd.s32 s1, s0  }
0x6a: {  	p0 =	slt.s32 s28, $0x1  }
.Ltmp6:
0x6b: {  	_ = 	snop;
	(pc) =	sbr.rel @p0 .LBB2_31-.Ltmp6, $3  }
0x6c: {  	_ =	sdelay $0x1  }
0x6d: {  	[tilespmem:s26+$0x2800] =	vst v1  }
0x6e: {  	[tilespmem:s26+$0x2810] =	vst v1  }
0x6f: {  	p0 =	seq.s32 s28, $0x1  }
.Ltmp7:
0x70: {  	_ = 	snop;
	(pc) =	sbr.rel @!p0 .LBB2_8-.Ltmp7, $2  }
0x71: {  	_ =	sdelay $0x2  }
0x72: {  	[tilespmem:s13], [sflag:$0x1] =	stream.indirect.gather [hbm4b:s4+s11], $0x80, s12, s11, $0xb8;
	[tilespmem:$0x13200] =	vst v63  }
.LBB2_30:
0x73: {  	_ =	swait.ge [sflag:s14], $0x1000  }
0x74: {  	[sflag:s14] =	ssyncset.done $0x0  }
0x75: {  	[sflag:s14] =	ssyncadd.s32 $0xFFFFF000  }
.LBB2_31:
0x76: {  	s31 =	sshra.s32 s26, $0x2  }
0x77: {  	p0 =	slt.s32 s31, $0x1  }
.Ltmp8:
0x78: {  	_ = 	snop;
	(pc) =	sbr.rel @p0 .LBB2_35-.Ltmp8, $1  }
0x79: {  	_ =	sdelay $0x3  }
0x7a: {  	s26 =	simm.s32 $0x2C00  }
0x7b: {  	v2 =	vld [tilespmem:s26+$0x0];
	_ =	sdelay $0x4  }
0x7c: {  	(v2sf) =	vpush v2, $0x0;
	_ =	sdelay $0xc  }
0x7d: {  	s28 =	simm.s32 $0x2A00  }
0x7e: {  	v2 =	vld [tilespmem:s28+$0x0]  }
0x7f: {  	s29 =	simm.s32 $0x2F00;
	s0 =	spop (v2sf)  }
0x80: {  	v3 =	vld [tilespmem:s29+$0xFFFFFF00];
	s0 =	sshll.u32 s0, $0x9  }
0x81: {  	v4 =	vld [tilespmem:s29+$0xFFFFFF80];
	s30 =	sshra.s32 s0, $0x2  }
0x82: {  	v5 =	vld [tilespmem:s30+$0xFE00]  }
0x83: {  	v6 =	vbroadcast v2, $0x0  }
0x84: {  	v7 =	vld [tilespmem:s29+$0x0]  }
0x85: {  	v8 =	vbroadcast v2, $0x1;
	v3 =	vmul.f32 v3, v6  }
0x86: {  	v9 =	vld [tilespmem:s29+$0x80]  }
0x87: {  	v35 =	vbroadcast v2, $0x2;
	v4 =	vmul.f32 v4, v8;
	v3 =	vadd.f32 v3, v5;
	_ =	sdelay $0x1  }
0x88: {  	v2 =	vbroadcast v2, $0x3;
	v36 =	vmul.f32 v7, v35;
	v3 =	vadd.f32 v4, v3;
	_ =	sdelay $0x1  }
0x89: {  	v37 =	vmul.f32 v9, v2;
	v3 =	vadd.f32 v36, v3;
	_ =	sdelay $0x1  }
0x8a: {  	v3 =	vadd.f32 v37, v3;
	_ =	sdelay $0x1  }
0x8b: {  	[tilespmem:s30+$0xFE00] =	vst v3  }
0x8c: {  	v3 =	vld [tilespmem:s29+$0xFFFFFF10]  }
0x8d: {  	v38 =	vld [tilespmem:s30+$0xFE10]  }
0x8e: {  	v39 =	vld [tilespmem:s29+$0xFFFFFF90];
	_ =	sdelay $0x1  }
0x8f: {  	v40 =	vld [tilespmem:s29+$0x10]  }
0x90: {  	v3 =	vmul.f32 v3, v6  }
0x91: {  	v10 =	vld [tilespmem:s29+$0x90]  }
0x92: {  	v41 =	vmul.f32 v39, v8;
	v3 =	vadd.f32 v3, v38;
	_ =	sdelay $0x1  }
0x93: {  	v42 =	vmul.f32 v40, v35;
	v3 =	vadd.f32 v41, v3;
	_ =	sdelay $0x1  }
0x94: {  	v43 =	vmul.f32 v10, v2;
	v3 =	vadd.f32 v42, v3;
	_ =	sdelay $0x1  }
0x95: {  	v3 =	vadd.f32 v43, v3;
	_ =	sdelay $0x1  }
0x96: {  	[tilespmem:s30+$0xFE10] =	vst v3  }
0x97: {  	v3 =	vld [tilespmem:s29+$0xFFFFFF20]  }
0x98: {  	v44 =	vld [tilespmem:s30+$0xFE20]  }
0x99: {  	v45 =	vld [tilespmem:s29+$0xFFFFFFA0];
	_ =	sdelay $0x1  }
0x9a: {  	v46 =	vld [tilespmem:s29+$0x20]  }
0x9b: {  	v3 =	vmul.f32 v3, v6  }
0x9c: {  	v47 =	vld [tilespmem:s29+$0xA0]  }
0x9d: {  	v48 =	vmul.f32 v45, v8;
	v3 =	vadd.f32 v3, v44;
	_ =	sdelay $0x1  }
0x9e: {  	v49 =	vmul.f32 v46, v35;
	v3 =	vadd.f32 v48, v3;
	_ =	sdelay $0x1  }
0x9f: {  	v50 =	vmul.f32 v47, v2;
	v3 =	vadd.f32 v49, v3;
	_ =	sdelay $0x1  }
0xa0: {  	v3 =	vadd.f32 v50, v3;
	_ =	sdelay $0x1  }
0xa1: {  	[tilespmem:s30+$0xFE20] =	vst v3  }
0xa2: {  	v3 =	vld [tilespmem:s29+$0xFFFFFF30]  }
0xa3: {  	v51 =	vld [tilespmem:s30+$0xFE30]  }
0xa4: {  	v52 =	vld [tilespmem:s29+$0xFFFFFFB0];
	_ =	sdelay $0x1  }
0xa5: {  	v53 =	vld [tilespmem:s29+$0x30]  }
0xa6: {  	v3 =	vmul.f32 v3, v6  }
0xa7: {  	v54 =	vld [tilespmem:s29+$0xB0]  }
0xa8: {  	v55 =	vmul.f32 v52, v8;
	v3 =	vadd.f32 v3, v51;
	_ =	sdelay $0x1  }
0xa9: {  	v56 =	vmul.f32 v53, v35;
	v3 =	vadd.f32 v55, v3;
	_ =	sdelay $0x1  }
0xaa: {  	v57 =	vmul.f32 v54, v2;
	v3 =	vadd.f32 v56, v3;
	_ =	sdelay $0x1  }
0xab: {  	v3 =	vadd.f32 v57, v3;
	_ =	sdelay $0x1  }
0xac: {  	[tilespmem:s30+$0xFE30] =	vst v3  }
0xad: {  	v3 =	vld [tilespmem:s29+$0xFFFFFF40]  }
0xae: {  	v58 =	vld [tilespmem:s30+$0xFE40]  }
0xaf: {  	v59 =	vld [tilespmem:s29+$0xFFFFFFC0];
	_ =	sdelay $0x1  }
0xb0: {  	v60 =	vld [tilespmem:s29+$0x40]  }
0xb1: {  	v3 =	vmul.f32 v3, v6  }
0xb2: {  	v61 =	vld [tilespmem:s29+$0xC0]  }
0xb3: {  	v62 =	vmul.f32 v59, v8;
	v3 =	vadd.f32 v3, v58;
	_ =	sdelay $0x1  }
0xb4: {  	p0 =	sne.s32 s31, $0x1;
	v63 =	vmul.f32 v60, v35;
	v3 =	vadd.f32 v62, v3  }
.Ltmp9:
0xb5: {  	_ = 	snop;
	(pc) =	sbr.rel @!p0 .LBB2_34-.Ltmp9, $3  }
0xb6: {  	v2 =	vmul.f32 v61, v2;
	v3 =	vadd.f32 v63, v3;
	_ =	sdelay $0x1  }
0xb7: {  	v2 =	vadd.f32 v2, v3  }
0xb8: {  	s31 =	sadd.s32 $0xFFFFFFFF, s31  }
.LBB2_33:
0xb9: {  	[tilespmem:s30+$0xFE40] =	vst v2;
	s26 =	sadd.s32 $0x4, s26;
	s28 =	sadd.s32 $0x4, s28;
	s29 =	sadd.s32 $0x200, s29  }
0xba: {  	p0 =	sne.s32 s31, $0x1;
	s31 =	sadd.s32 $0xFFFFFFFF, s31;
	v2 =	vld [tilespmem:s26+$0x0];
	_ =	sdelay $0x4  }
0xbb: {  	(v2sf) =	vpush v2, $0x0;
	_ =	sdelay $0xd  }
0xbc: {  	v2 =	vld [tilespmem:s28+$0x0]  }
0xbd: {  	s0 =	spop (v2sf)  }
0xbe: {  	s0 =	sshll.u32 s0, $0x9;
	v3 =	vld [tilespmem:s29+$0xFFFFFF00]  }
0xbf: {  	s30 =	sshra.s32 s0, $0x2;
	v4 =	vld [tilespmem:s29+$0xFFFFFF80]  }
0xc0: {  	v5 =	vld [tilespmem:s30+$0xFE00]  }
0xc1: {  	v6 =	vbroadcast v2, $0x0  }
0xc2: {  	v7 =	vld [tilespmem:s29+$0x0]  }
0xc3: {  	v8 =	vbroadcast v2, $0x1;
	v3 =	vmul.f32 v3, v6  }
0xc4: {  	v9 =	vld [tilespmem:s29+$0x80]  }
0xc5: {  	v4 =	vmul.f32 v4, v8;
	v3 =	vadd.f32 v3, v5;
	v5 =	vbroadcast v2, $0x2;
	_ =	sdelay $0x1  }
0xc6: {  	v2 =	vbroadcast v2, $0x3;
	v3 =	vadd.f32 v4, v3;
	v4 =	vmul.f32 v7, v5;
	_ =	sdelay $0x1  }
0xc7: {  	v3 =	vadd.f32 v4, v3;
	v4 =	vmul.f32 v9, v2;
	_ =	sdelay $0x1  }
0xc8: {  	v3 =	vadd.f32 v4, v3;
	_ =	sdelay $0x1  }
0xc9: {  	[tilespmem:s30+$0xFE00] =	vst v3  }
0xca: {  	v3 =	vld [tilespmem:s29+$0xFFFFFF10]  }
0xcb: {  	v4 =	vld [tilespmem:s30+$0xFE10]  }
0xcc: {  	v7 =	vld [tilespmem:s29+$0xFFFFFF90];
	_ =	sdelay $0x1  }
0xcd: {  	v9 =	vld [tilespmem:s29+$0x10]  }
0xce: {  	v3 =	vmul.f32 v3, v6  }
0xcf: {  	v10 =	vld [tilespmem:s29+$0x90]  }
0xd0: {  	v3 =	vadd.f32 v3, v4;
	v4 =	vmul.f32 v7, v8;
	_ =	sdelay $0x1  }
0xd1: {  	v3 =	vadd.f32 v4, v3;
	v4 =	vmul.f32 v9, v5;
	_ =	sdelay $0x1  }
0xd2: {  	v3 =	vadd.f32 v4, v3;
	v4 =	vmul.f32 v10, v2;
	_ =	sdelay $0x1  }
0xd3: {  	v3 =	vadd.f32 v4, v3;
	_ =	sdelay $0x1  }
0xd4: {  	[tilespmem:s30+$0xFE10] =	vst v3  }
0xd5: {  	v3 =	vld [tilespmem:s29+$0xFFFFFF20]  }
0xd6: {  	v4 =	vld [tilespmem:s30+$0xFE20]  }
0xd7: {  	v7 =	vld [tilespmem:s29+$0xFFFFFFA0];
	_ =	sdelay $0x1  }
0xd8: {  	v9 =	vld [tilespmem:s29+$0x20]  }
0xd9: {  	v3 =	vmul.f32 v3, v6  }
0xda: {  	v10 =	vld [tilespmem:s29+$0xA0]  }
0xdb: {  	v3 =	vadd.f32 v3, v4;
	v4 =	vmul.f32 v7, v8;
	_ =	sdelay $0x1  }
0xdc: {  	v3 =	vadd.f32 v4, v3;
	v4 =	vmul.f32 v9, v5;
	_ =	sdelay $0x1  }
0xdd: {  	v3 =	vadd.f32 v4, v3;
	v4 =	vmul.f32 v10, v2;
	_ =	sdelay $0x1  }
0xde: {  	v3 =	vadd.f32 v4, v3;
	_ =	sdelay $0x1  }
0xdf: {  	[tilespmem:s30+$0xFE20] =	vst v3;
	v3 =	vld [tilespmem:s30+$0xFE30]  }
0xe0: {  	v4 =	vld [tilespmem:s29+$0xFFFFFF30]  }
0xe1: {  	v7 =	vld [tilespmem:s29+$0xFFFFFFB0]  }
0xe2: {  	v9 =	vld [tilespmem:s29+$0x30]  }
0xe3: {  	v10 =	vld [tilespmem:s29+$0xB0];
	_ =	sdelay $0x1  }
0xe4: {  	v4 =	vmul.f32 v4, v6;
	_ =	sdelay $0x1  }
0xe5: {  	v3 =	vadd.f32 v4, v3;
	v4 =	vmul.f32 v7, v8;
	_ =	sdelay $0x1  }
0xe6: {  	v3 =	vadd.f32 v4, v3;
	v4 =	vmul.f32 v9, v5;
	_ =	sdelay $0x1  }
0xe7: {  	v3 =	vadd.f32 v4, v3;
	v4 =	vmul.f32 v10, v2;
	_ =	sdelay $0x1  }
0xe8: {  	v3 =	vadd.f32 v4, v3;
	_ =	sdelay $0x1  }
0xe9: {  	[tilespmem:s30+$0xFE30] =	vst v3;
	v3 =	vld [tilespmem:s30+$0xFE40]  }
0xea: {  	v4 =	vld [tilespmem:s29+$0xFFFFFF40]  }
0xeb: {  	v7 =	vld [tilespmem:s29+$0xFFFFFFC0]  }
0xec: {  	v9 =	vld [tilespmem:s29+$0x40]  }
0xed: {  	v10 =	vld [tilespmem:s29+$0xC0];
	_ =	sdelay $0x1  }
0xee: {  	v4 =	vmul.f32 v4, v6;
	_ =	sdelay $0x1  }
0xef: {  	v3 =	vadd.f32 v4, v3;
	v4 =	vmul.f32 v7, v8;
	_ =	sdelay $0x1  }
.Ltmp10:
0xf0: {  	v3 =	vadd.f32 v4, v3;
	v4 =	vmul.f32 v9, v5;
	(pc) =	sbr.rel @p0 .LBB2_33-.Ltmp10, $3  }
0xf1: {  	_ = 	snop  }
0xf2: {  	v2 =	vmul.f32 v10, v2;
	v3 =	vadd.f32 v4, v3;
	_ =	sdelay $0x1  }
0xf3: {  	v2 =	vadd.f32 v2, v3  }
.Ltmp11:
0xf4: {  	_ = 	snop;
	(pc) =	sbr.rel .LBB2_34-.Ltmp11, $1  }
0xf5: {  	_ =	sdelay $0x3  }
.LBB2_8:
0xf6: {  	[tilespmem:s16], [sflag:$0x1] =	stream.indirect.gather [hbm4b:s4+s11], $0x80, s15, s11, $0xb8;
	[tilespmem:$0x13200] =	vst v63  }
0xf7: {  	p0 =	slt.u32 s28, $0x3  }
0xf8: {  	s0 =	simm.s32 @!p0 $0x20  }
0xf9: {  	s1 =	simm.s32 @!p0 $0x2840;
	s6 =	simm.s32 @!p0 $0x4E00;
	p1 =	seq.s32 @!p0 s28, $0x3  }
0xfa: {  	[tilespmem:s6], [sflag:$0x1] =	stream.indirect.gather @!p0 [hbm4b:s4+s0], $0x80, s1, s0, $0xb8;
	[tilespmem:$0x13200] =	vst v63  }
0xfb: {  	p2 =	por p0, p1  }
0xfc: {  	p1 =	slt.u32 @!p2 s28, $0x5  }
0xfd: {  	p3 =	por p2, p1  }
0xfe: {  	p1 =	seq.s32 @!p3 s28, $0x5  }
0xff: {  	p1 =	por p3, p1  }
.Ltmp12:
0x100: {  	_ = 	snop;
	(pc) =	sbr.rel @!p1 .LBB2_9-.Ltmp12, $4  }
0x101: {  	s0 =	simm.s32 @!p2 $0x20;
	s1 =	simm.s32 @!p2 $0x2860;
	s6 =	simm.s32 @!p2 $0x5E00  }
0x102: {  	[tilespmem:s6], [sflag:$0x1] =	stream.indirect.gather @!p2 [hbm4b:s4+s0], $0x80, s1, s0, $0xb8;
	[tilespmem:$0x13200] =	vst v63  }
0x103: {  	s0 =	simm.s32 @!p3 $0x20;
	s1 =	simm.s32 @!p3 $0x2880;
	s6 =	simm.s32 @!p3 $0x6E00  }
0x104: {  	[tilespmem:s6], [sflag:$0x1] =	stream.indirect.gather @!p3 [hbm4b:s4+s0], $0x80, s1, s0, $0xb8;
	[tilespmem:$0x13200] =	vst v63  }
0x105: {  	p4 =	por @!p0 $0x0, $0x0;
	p1 =	por $0x0, $0x0;
	_ =	swait.ge [sflag:s14], $0x1000  }
.Ltmp13:
0x106: {  	p5 =	por @!p2 $0x1, $0x1;
	[sflag:s14] =	ssyncset.done $0x0;
	(pc) =	sbr.rel @p0 .LBB2_22-.Ltmp13, $4  }
0x107: {  	p6 =	por @!p2 $0x0, $0x0;
	p1 =	por @!p0 p4, p4;
	[sflag:s14] =	ssyncadd.s32 $0xFFFFF000  }
0x108: {  	p4 =	por p1, p1;
	p1 =	por @!p2 p6, p6;
	_ =	swait.ge [sflag:s14], $0x1000  }
0x109: {  	p4 =	por @!p2 p5, p5;
	p2 =	por @!p3 $0x1, $0x1;
	[sflag:s14] =	ssyncset.done $0x0  }
0x10a: {  	p4 =	por @!p3 p2, p2;
	p1 =	por @!p3 p2, p2;
	[sflag:s14] =	ssyncadd.s32 $0xFFFFF000  }
.Ltmp14:
0x10b: {  	(pc) =	sbr.rel @p4 .LBB2_23-.Ltmp14, $4  }
0x10c: {  	_ = 	snop  }
0x10d: {  	_ =	swait.ge [sflag:s14], $0x1000  }
0x10e: {  	[sflag:s14] =	ssyncset.done $0x0  }
0x10f: {  	[sflag:s14] =	ssyncadd.s32 $0xFFFFF000  }
.LBB2_21:
.Ltmp15:
0x110: {  	(pc) =	sbr.rel @p1 .LBB2_30-.Ltmp15, $4  }
.Ltmp16:
0x111: {  	(pc) =	sbr.rel @!p1 .LBB2_31-.Ltmp16, $4  }
0x112: {  	_ = 	snop  }
0x113: {  	_ = 	snop  }
0x114: {  	_ = 	snop  }
0x115: {  	_ = 	snop  }
.LBB2_9:
0x116: {  	[tilespmem:s18], [sflag:$0x1] =	stream.indirect.gather [hbm4b:s4+s11], $0x80, s17, s11, $0xb8;
	[tilespmem:$0x13200] =	vst v63  }
0x117: {  	p0 =	slt.u32 s28, $0x7  }
0x118: {  	s0 =	simm.s32 @!p0 $0x20  }
0x119: {  	s1 =	simm.s32 @!p0 $0x28C0;
	s6 =	simm.s32 @!p0 $0x8E00;
	p1 =	seq.s32 @!p0 s28, $0x7  }
0x11a: {  	[tilespmem:s6], [sflag:$0x1] =	stream.indirect.gather @!p0 [hbm4b:s4+s0], $0x80, s1, s0, $0xb8;
	[tilespmem:$0x13200] =	vst v63  }
0x11b: {  	p1 =	por p0, p1  }
0x11c: {  	p2 =	slt.u32 @!p1 s28, $0x9  }
0x11d: {  	p6 =	por p1, p2  }
0x11e: {  	p2 =	seq.s32 @!p6 s28, $0x9  }
0x11f: {  	p2 =	por p6, p2  }
.Ltmp17:
0x120: {  	_ = 	snop;
	(pc) =	sbr.rel @!p2 .LBB2_11-.Ltmp17, $4  }
0x121: {  	s0 =	simm.s32 @!p1 $0x20;
	s1 =	simm.s32 @!p1 $0x28E0;
	s6 =	simm.s32 @!p1 $0x9E00  }
0x122: {  	[tilespmem:s6], [sflag:$0x1] =	stream.indirect.gather @!p1 [hbm4b:s4+s0], $0x80, s1, s0, $0xb8;
	[tilespmem:$0x13200] =	vst v63  }
0x123: {  	s0 =	simm.s32 @!p6 $0x20;
	s1 =	simm.s32 @!p6 $0x2900;
	s6 =	simm.s32 @!p6 $0xAE00  }
0x124: {  	[tilespmem:s6], [sflag:$0x1] =	stream.indirect.gather @!p6 [hbm4b:s4+s0], $0x80, s1, s0, $0xb8;
	[tilespmem:$0x13200] =	vst v63  }
0x125: {  	p2 =	por @!p0 $0x0, $0x0;
	p4 =	por $0x0, $0x0  }
0x126: {  	p4 =	por @!p0 p2, p2  }
0x127: {  	p3 =	por @!p1 $0x1, $0x1;
	p2 =	por @!p1 $0x0, $0x0;
	p0 =	por p4, p4  }
0x128: {  	p4 =	por @!p1 p3, p3;
	p0 =	por @!p1 p2, p2;
	p1 =	por @!p6 $0x1, $0x1  }
0x129: {  	p2 =	por @!p6 $0x0, $0x0;
	p5 =	por p0, p0;
	p3 =	por p0, p0  }
0x12a: {  	p4 =	por @!p6 p1, p1;
	p5 =	por @!p6 p1, p1;
	p3 =	por @!p6 p2, p2  }
.Ltmp18:
0x12b: {  	p1 =	por p0, p0;
	s0 =	simm.s32 @!p3 $0x0;
	(pc) =	sbr.rel .LBB2_12-.Ltmp18, $4  }
0x12c: {  	p1 =	por @!p6 p2, p2;
	s0 =	simm.s32 @p3 $0x1  }
0x12d: {  	[smem:$0x7FC] =	sst s0;
	s0 =	simm.s32 @!p1 $0x0  }
0x12e: {  	p3 =	por p0, p0;
	s0 =	simm.s32 @p1 $0x1  }
0x12f: {  	p0 =	por @!p6 p2, p2;
	p3 =	por @!p6 p2, p2;
	[smem:$0x7FD] =	sst s0  }
.LBB2_22:
.Ltmp19:
0x130: {  	(pc) =	sbr.rel @!p4 .LBB2_21-.Ltmp19, $1  }
0x131: {  	_ =	sdelay $0x3  }
.LBB2_23:
.Ltmp20:
0x132: {  	(pc) =	sbr.rel @p1 .LBB2_30-.Ltmp20, $4  }
.Ltmp21:
0x133: {  	(pc) =	sbr.rel @!p1 .LBB2_31-.Ltmp21, $4  }
0x134: {  	_ =	swait.ge [sflag:s14], $0x1000  }
0x135: {  	[sflag:s14] =	ssyncset.done $0x0  }
0x136: {  	[sflag:s14] =	ssyncadd.s32 $0xFFFFF000  }
0x137: {  	_ = 	snop  }
.LBB2_11:
0x138: {  	[tilespmem:s20], [sflag:$0x1] =	stream.indirect.gather [hbm4b:s4+s11], $0x80, s19, s11, $0xb8;
	[tilespmem:$0x13200] =	vst v63  }
0x139: {  	p6 =	slt.u32 s28, $0xB  }
0x13a: {  	s0 =	simm.s32 @!p6 $0x20  }
0x13b: {  	s1 =	simm.s32 @!p6 $0x2940;
	s6 =	simm.s32 @!p6 $0xCE00;
	p0 =	seq.s32 @!p6 s28, $0xB  }
0x13c: {  	[tilespmem:s6], [sflag:$0x1] =	stream.indirect.gather @!p6 [hbm4b:s4+s0], $0x80, s1, s0, $0xb8;
	[tilespmem:$0x13200] =	vst v63  }
0x13d: {  	p2 =	por p0, p6  }
0x13e: {  	s0 =	simm.s32 @!p2 $0x20  }
0x13f: {  	s1 =	simm.s32 @!p2 $0x2960;
	s6 =	simm.s32 @!p2 $0xDE00;
	p1 =	slt.u32 @!p2 s28, $0xD  }
0x140: {  	[tilespmem:s6], [sflag:$0x1] =	stream.indirect.gather @!p2 [hbm4b:s4+s0], $0x80, s1, s0, $0xb8;
	[tilespmem:$0x13200] =	vst v63  }
0x141: {  	p3 =	por @!p6 p1, p0;
	p4 =	por @!p6 !p1, p0  }
0x142: {  	p1 =	por @!p2 $0x1, $0x1;
	p2 =	por @!p2 $0x0, $0x0;
	p3 =	por p3, p6  }
0x143: {  	p0 =	por !p0, p6;
	p4 =	por !p4, p6;
	s0 =	simm.s32 @!p3 $0x20  }
0x144: {  	s1 =	simm.s32 @!p3 $0x2980;
	s6 =	simm.s32 @!p3 $0xEE00;
	p5 =	por @!p3 $0x1, $0x1  }
0x145: {  	[tilespmem:s6], [sflag:$0x1] =	stream.indirect.gather @!p3 [hbm4b:s4+s0], $0x80, s1, s0, $0xb8;
	[tilespmem:$0x13200] =	vst v63  }
0x146: {  	p1 =	por @!p4 p5, p5;
	p2 =	por @!p4 p5, p5;
	p4 =	por @!p6 $0x1, $0x1  }
0x147: {  	p5 =	por @!p6 $0x0, $0x0;
	p3 =	por p1, p1;
	p1 =	por @!p0 p4, p4  }
0x148: {  	p2 =	por @!p0 p5, p5;
	p3 =	por @!p0 p5, p5;
	p0 =	por $0x0, $0x0  }
0x149: {  	p0 =	por @!p6 p3, p3  }
0x14a: {  	s0 =	simm.s32 @!p0 $0x0  }
0x14b: {  	p4 =	por $0x1, $0x1;
	s0 =	simm.s32 @p0 $0x1;
	p0 =	por $0x1, $0x1  }
0x14c: {  	p4 =	por @!p6 p1, p1;
	p5 =	por $0x1, $0x1;
	p0 =	por @!p6 p1, p1  }
0x14d: {  	p5 =	por @!p6 p1, p1;
	[smem:$0x7FC] =	sst s0;
	s0 =	simm.s32 @!p0 $0x0  }
0x14e: {  	p3 =	por $0x0, $0x0;
	s0 =	simm.s32 @p0 $0x1;
	p0 =	por $0x0, $0x0  }
0x14f: {  	p3 =	por @!p6 p1, p1;
	[smem:$0x7FD] =	sst s0;
	p0 =	por @!p6 p2, p2  }
.LBB2_12:
0x150: {  	_ =	swait.ge [sflag:s14], $0x1000  }
0x151: {  	[sflag:s14] =	ssyncset.done $0x0  }
0x152: {  	[sflag:s14] =	ssyncadd.s32 $0xFFFFF000  }
0x153: {  	_ =	swait.ge [sflag:s14], $0x1000  }
0x154: {  	[sflag:s14] =	ssyncset.done $0x0  }
0x155: {  	[sflag:s14] =	ssyncadd.s32 $0xFFFFF000  }
0x156: {  	_ =	swait.ge [sflag:s14], $0x1000  }
0x157: {  	[sflag:s14] =	ssyncset.done $0x0  }
0x158: {  	[sflag:s14] =	ssyncadd.s32 $0xFFFFF000  }
0x159: {  	_ =	swait.ge [sflag:s14], $0x1000  }
0x15a: {  	[sflag:s14] =	ssyncset.done $0x0  }
0x15b: {  	[sflag:s14] =	ssyncadd.s32 $0xFFFFF000  }
0x15c: {  	p1 =	sgt.u32 s28, $0x6;
	_ =	swait.ge [sflag:s14], $0x1000  }
.Ltmp22:
0x15d: {  	[sflag:s14] =	ssyncset.done $0x0;
	(pc) =	sbr.rel @!p1 .LBB2_24-.Ltmp22, $4  }
0x15e: {  	[sflag:s14] =	ssyncadd.s32 $0xFFFFF000  }
0x15f: {  	_ =	swait.ge [sflag:s14], $0x1000  }
0x160: {  	[sflag:s14] =	ssyncset.done $0x0  }
0x161: {  	[sflag:s14] =	ssyncadd.s32 $0xFFFFF000  }
.Ltmp23:
0x162: {  	(pc) =	sbr.rel @p4 .LBB2_25-.Ltmp23, $4  }
0x163: {  	_ = 	snop  }
0x164: {  	_ =	swait.ge [sflag:s14], $0x1000  }
0x165: {  	[sflag:s14] =	ssyncset.done $0x0  }
0x166: {  	[sflag:s14] =	ssyncadd.s32 $0xFFFFF000  }
.LBB2_14:
.Ltmp24:
0x167: {  	(pc) =	sbr.rel @!p5 .LBB2_15-.Ltmp24, $1  }
0x168: {  	_ =	sdelay $0x3  }
.LBB2_26:
0x169: {  	_ =	swait.ge [sflag:s14], $0x1000  }
0x16a: {  	s0 =	sld [smem:$0x7FD];
	_ =	sdelay $0x2  }
0x16b: {  	p1 =	seq.s32 s0, $0x1  }
.Ltmp25:
0x16c: {  	_ = 	snop;
	(pc) =	sbr.rel @p1 .LBB2_27-.Ltmp25, $3  }
0x16d: {  	_ =	sdelay $0x1  }
0x16e: {  	[sflag:s14] =	ssyncset.done $0x0  }
0x16f: {  	[sflag:s14] =	ssyncadd.s32 $0xFFFFF000  }
.LBB2_16:
.Ltmp26:
0x170: {  	(pc) =	sbr.rel @!p3 .LBB2_17-.Ltmp26, $1  }
0x171: {  	_ =	sdelay $0x3  }
.LBB2_28:
0x172: {  	_ =	swait.ge [sflag:s14], $0x1000  }
0x173: {  	s0 =	sld [smem:$0x7FC];
	_ =	sdelay $0x2  }
0x174: {  	p1 =	seq.s32 s0, $0x1  }
.Ltmp27:
0x175: {  	_ = 	snop;
	(pc) =	sbr.rel @p1 .LBB2_29-.Ltmp27, $3  }
0x176: {  	_ =	sdelay $0x1  }
0x177: {  	[sflag:s14] =	ssyncset.done $0x0  }
0x178: {  	[sflag:s14] =	ssyncadd.s32 $0xFFFFF000  }
.LBB2_18:
.Ltmp28:
0x179: {  	(pc) =	sbr.rel @!p0 .LBB2_31-.Ltmp28, $4  }
.Ltmp29:
0x17a: {  	(pc) =	sbr.rel @p0 .LBB2_30-.Ltmp29, $4  }
0x17b: {  	_ = 	snop  }
0x17c: {  	_ = 	snop  }
0x17d: {  	_ = 	snop  }
0x17e: {  	_ = 	snop  }
.LBB2_24:
.Ltmp30:
0x17f: {  	(pc) =	sbr.rel @!p4 .LBB2_14-.Ltmp30, $1  }
0x180: {  	_ =	sdelay $0x3  }
.LBB2_25:
.Ltmp31:
0x181: {  	(pc) =	sbr.rel @p5 .LBB2_26-.Ltmp31, $4  }
0x182: {  	_ = 	snop  }
0x183: {  	_ =	swait.ge [sflag:s14], $0x1000  }
0x184: {  	[sflag:s14] =	ssyncset.done $0x0  }
0x185: {  	[sflag:s14] =	ssyncadd.s32 $0xFFFFF000  }
.LBB2_15:
0x186: {  	s0 =	sld [smem:$0x7FD];
	_ =	sdelay $0x2  }
0x187: {  	p1 =	seq.s32 s0, $0x1  }
.Ltmp32:
0x188: {  	_ = 	snop;
	(pc) =	sbr.rel @!p1 .LBB2_16-.Ltmp32, $1  }
0x189: {  	_ =	sdelay $0x3  }
.LBB2_27:
.Ltmp33:
0x18a: {  	(pc) =	sbr.rel @p3 .LBB2_28-.Ltmp33, $4  }
0x18b: {  	_ = 	snop  }
0x18c: {  	_ =	swait.ge [sflag:s14], $0x1000  }
0x18d: {  	[sflag:s14] =	ssyncset.done $0x0  }
0x18e: {  	[sflag:s14] =	ssyncadd.s32 $0xFFFFF000  }
.LBB2_17:
0x18f: {  	s0 =	sld [smem:$0x7FC];
	_ =	sdelay $0x2  }
0x190: {  	p1 =	seq.s32 s0, $0x1  }
.Ltmp34:
0x191: {  	_ = 	snop;
	(pc) =	sbr.rel @!p1 .LBB2_18-.Ltmp34, $1  }
0x192: {  	_ =	sdelay $0x3  }
.LBB2_29:
.Ltmp35:
0x193: {  	(pc) =	sbr.rel @!p0 .LBB2_31-.Ltmp35, $4  }
.Ltmp36:
0x194: {  	(pc) =	sbr.rel @p0 .LBB2_30-.Ltmp36, $4  }
0x195: {  	_ =	swait.ge [sflag:s14], $0x1000  }
0x196: {  	[sflag:s14] =	ssyncset.done $0x0  }
0x197: {  	[sflag:s14] =	ssyncadd.s32 $0xFFFFF000  }
0x198: {  	_ = 	snop  }
.LBB2_36:
0x199: {  	s0 =	stileid.u32  }
0x19a: {  	p0 =	slt.u32 s0, $0xC  }
.Ltmp37:
0x19b: {  	_ = 	snop;
	(pc) =	sbr.rel @p0 .LBB2_44-.Ltmp37, $1  }
0x19c: {  	_ =	sdelay $0x3  }
0x19d: {  	[tilespmem:$0xFE00] =	vst v0  }
0x19e: {  	[tilespmem:$0xFE10] =	vst v0  }
0x19f: {  	[tilespmem:$0xFE20] =	vst v0  }
0x1a0: {  	[tilespmem:$0xFE30] =	vst v0  }
0x1a1: {  	[tilespmem:$0xFE40] =	vst v0  }
0x1a2: {  	[tilespmem:$0xFE80] =	vst v0  }
0x1a3: {  	[tilespmem:$0xFE90] =	vst v0  }
0x1a4: {  	[tilespmem:$0xFEA0] =	vst v0  }
0x1a5: {  	[tilespmem:$0xFEB0] =	vst v0  }
0x1a6: {  	[tilespmem:$0xFEC0] =	vst v0  }
0x1a7: {  	[tilespmem:$0xFF00] =	vst v0  }
0x1a8: {  	[tilespmem:$0xFF10] =	vst v0  }
0x1a9: {  	[tilespmem:$0xFF20] =	vst v0  }
0x1aa: {  	[tilespmem:$0xFF30] =	vst v0  }
0x1ab: {  	[tilespmem:$0xFF40] =	vst v0  }
0x1ac: {  	[tilespmem:$0xFF80] =	vst v0  }
0x1ad: {  	[tilespmem:$0xFF90] =	vst v0  }
0x1ae: {  	[tilespmem:$0xFFA0] =	vst v0  }
0x1af: {  	[tilespmem:$0xFFB0] =	vst v0  }
0x1b0: {  	[tilespmem:$0xFFC0] =	vst v0  }
0x1b1: {  	[tilespmem:$0x10000] =	vst v0  }
0x1b2: {  	[tilespmem:$0x10010] =	vst v0  }
0x1b3: {  	[tilespmem:$0x10020] =	vst v0  }
0x1b4: {  	[tilespmem:$0x10030] =	vst v0  }
0x1b5: {  	[tilespmem:$0x10040] =	vst v0  }
0x1b6: {  	[tilespmem:$0x10080] =	vst v0  }
0x1b7: {  	[tilespmem:$0x10090] =	vst v0  }
0x1b8: {  	[tilespmem:$0x100A0] =	vst v0  }
0x1b9: {  	[tilespmem:$0x100B0] =	vst v0  }
0x1ba: {  	[tilespmem:$0x100C0] =	vst v0  }
0x1bb: {  	[tilespmem:$0x10100] =	vst v0  }
0x1bc: {  	[tilespmem:$0x10110] =	vst v0  }
0x1bd: {  	[tilespmem:$0x10120] =	vst v0  }
0x1be: {  	[tilespmem:$0x10130] =	vst v0  }
0x1bf: {  	[tilespmem:$0x10140] =	vst v0  }
0x1c0: {  	[tilespmem:$0x10180] =	vst v0  }
0x1c1: {  	[tilespmem:$0x10190] =	vst v0  }
0x1c2: {  	[tilespmem:$0x101A0] =	vst v0  }
0x1c3: {  	[tilespmem:$0x101B0] =	vst v0  }
0x1c4: {  	[tilespmem:$0x101C0] =	vst v0;
	s23 =	simm.s32 $0x2780  }
0x1c5: {  	v3 =	vld [tilespmem:s23+$0x0];
	_ =	sdelay $0x4  }
0x1c6: {  	(v2sf) =	vpush v3, $0x0  }
0x1c7: {  	(v2sf) =	vpush v3, $0x1;
	_ =	sdelay $0x1  }
0x1c8: {  	(v2sf) =	vpush v3, $0x2;
	_ =	sdelay $0x1  }
0x1c9: {  	(v2sf) =	vpush v3, $0x3;
	_ =	sdelay $0x9  }
0x1ca: {  	s0 =	spop (v2sf)  }
0x1cb: {  	s1 =	spop (v2sf)  }
0x1cc: {  	s0 =	sand.u32 $0x7FFFFFFF, s0;
	s1 =	sand.u32 $0x7FFFFFFF, s1  }
0x1cd: {  	s6 =	spop (v2sf);
	s0 =	sadd.f32 s1, s0  }
0x1ce: {  	s29 =	sand.u32 $0x7FFFFFFF, s6  }
0x1cf: {  	s30 =	spop (v2sf);
	s0 =	sadd.f32 s0, s29  }
0x1d0: {  	s31 =	sand.u32 $0x7FFFFFFF, s30  }
0x1d1: {  	s0 =	sadd.f32 s0, s31;
	_ =	sdelay $0x1  }
0x1d2: {  	s0 =	smul.f32 $9.999999680e+37, s0;
	_ =	sdelay $0x1  }
0x1d3: {  	s0 =	smin.f32 s0, $1.000000000e+00  }
0x1d4: {  	s0 =	scvt.f32.s32 s0;
	_ =	sdelay $0x1  }
0x1d5: {  	s26 =	simm.s32 $0x1380;
	p1 =	sne.s32 s0, $0x1  }
0x1d6: {  	s25 =	simm.s32 $0x0;
	v2 =	vld @!p1 [tilespmem:s26+$0x0]  }
0x1d7: {  	s0 =	sshll.u32 s0, $0x2;
	v4 =	vmov @!p1 s25;
	[tilespmem:s25+$0x2A00] =	vst @!p1 v3  }
0x1d8: {  	s28 =	simm.s32 $0x1;
	s24 =	sadd.s32 $0x0, s0;
	[tilespmem:s25+$0x2C00] =	vst @!p1 v4  }
.LBB2_38:
0x1d9: {  	s26 =	sadd.s32 $0x4, s26  }
0x1da: {  	s23 =	sadd.s32 $0x4, s23;
	s1 =	smov.u32 s28;
	s28 =	sadd.s32 $0x1, s28  }
0x1db: {  	p0 =	sne.s32 s28, $0x8;
	[tilespmem:s25+$0x2800] =	vst @!p1 v2;
	s25 =	smov.u32 s24  }
0x1dc: {  	v3 =	vld [tilespmem:s23+$0x0];
	_ =	sdelay $0x4  }
0x1dd: {  	(v2sf) =	vpush v3, $0x0  }
0x1de: {  	(v2sf) =	vpush v3, $0x1  }
0x1df: {  	(v2sf) =	vpush v3, $0x2  }
0x1e0: {  	(v2sf) =	vpush v3, $0x3;
	_ =	sdelay $0xb  }
0x1e1: {  	s0 =	spop (v2sf)  }
0x1e2: {  	s0 =	sand.u32 $0x7FFFFFFF, s0;
	s6 =	spop (v2sf)  }
0x1e3: {  	s6 =	sand.u32 $0x7FFFFFFF, s6;
	s8 =	spop (v2sf)  }
0x1e4: {  	s0 =	sadd.f32 s6, s0;
	s6 =	sand.u32 $0x7FFFFFFF, s8;
	s8 =	spop (v2sf)  }
0x1e5: {  	_ = 	snop  }
0x1e6: {  	s0 =	sadd.f32 s0, s6;
	s6 =	sand.u32 $0x7FFFFFFF, s8;
	_ =	sdelay $0x1  }
0x1e7: {  	s0 =	sadd.f32 s0, s6;
	_ =	sdelay $0x1  }
0x1e8: {  	s0 =	smul.f32 $9.999999680e+37, s0;
	_ =	sdelay $0x1  }
0x1e9: {  	s0 =	smin.f32 s0, $1.000000000e+00  }
0x1ea: {  	s0 =	scvt.f32.s32 s0  }
.Ltmp38:
0x1eb: {  	(pc) =	sbr.rel @p0 .LBB2_38-.Ltmp38, $4  }
0x1ec: {  	p1 =	sne.s32 s0, $0x1;
	s0 =	sshll.u32 s0, $0x2  }
0x1ed: {  	v2 =	vld @!p1 [tilespmem:s26+$0x0];
	v4 =	vmov @!p1 s1;
	s24 =	sadd.s32 s24, s0  }
0x1ee: {  	[tilespmem:s25+$0x2A00] =	vst @!p1 v3  }
0x1ef: {  	[tilespmem:s25+$0x2C00] =	vst @!p1 v4  }
0x1f0: {  	s0 =	sadd.s32 $0x1F, s24  }
0x1f1: {  	s1 =	sshra.s32 s0, $0x1F  }
0x1f2: {  	s6 =	sshrl.u32 s1, $0x1B  }
0x1f3: {  	s0 =	sadd.s32 s6, s0  }
0x1f4: {  	s0 =	sshra.s32 s0, $0x5  }
0x1f5: {  	s28 =	sshra.s32 s24, $0x2;
	[tilespmem:s25+$0x2800] =	vst @!p1 v2;
	s0 =	sadd.s32 s1, s0  }
0x1f6: {  	p1 =	slt.s32 s28, $0x1;
	[tilespmem:s24+$0x2800] =	vst v1;
	p0 =	slt.s32 s0, $0x1  }
0x1f7: {  	[tilespmem:s24+$0x2810] =	vst v1;
	s0 =	simm.s32 @!p0 $0x20;
	s1 =	simm.s32 @!p0 $0x2800;
	s6 =	simm.s32 @!p0 $0x2E00  }
0x1f8: {  	[tilespmem:s6], [sflag:$0x1] =	stream.indirect.gather @!p0 [hbm4b:s4+s0], $0x80, s1, s0, $0xb8;
	[tilespmem:$0x13200] =	vst v63  }
.Ltmp39:
0x1f9: {  	_ = 	snop;
	(pc) =	sbr.rel @p1 .LBB2_43-.Ltmp39, $4  }
0x1fa: {  	s0 =	simm.s32 @!p0 $0x1  }
0x1fb: {  	_ =	swait.ge @!p0 [sflag:s0], $0x1000  }
0x1fc: {  	[sflag:s0] =	ssyncset.done @!p0 $0x0  }
0x1fd: {  	[sflag:s0] =	ssyncadd.s32 @!p0 $0xFFFFF000  }
0x1fe: {  	s23 =	simm.s32 $0x2C00  }
0x1ff: {  	v2 =	vld [tilespmem:s23+$0x0];
	_ =	sdelay $0x4  }
0x200: {  	(v2sf) =	vpush v2, $0x0;
	_ =	sdelay $0xc  }
0x201: {  	s24 =	simm.s32 $0x2A00  }
0x202: {  	v2 =	vld [tilespmem:s24+$0x0]  }
0x203: {  	s25 =	simm.s32 $0x2F00;
	s0 =	spop (v2sf)  }
0x204: {  	v3 =	vld [tilespmem:s25+$0xFFFFFF00];
	s0 =	sshll.u32 s0, $0x9  }
0x205: {  	v4 =	vld [tilespmem:s25+$0xFFFFFF80];
	s26 =	sshra.s32 s0, $0x2  }
0x206: {  	v5 =	vld [tilespmem:s26+$0xFE00]  }
0x207: {  	v6 =	vbroadcast v2, $0x0  }
0x208: {  	v7 =	vld [tilespmem:s25+$0x0]  }
0x209: {  	v8 =	vbroadcast v2, $0x1;
	v3 =	vmul.f32 v3, v6  }
0x20a: {  	v9 =	vld [tilespmem:s25+$0x80]  }
0x20b: {  	v35 =	vbroadcast v2, $0x2;
	v4 =	vmul.f32 v4, v8;
	v3 =	vadd.f32 v3, v5;
	_ =	sdelay $0x1  }
0x20c: {  	v2 =	vbroadcast v2, $0x3;
	v36 =	vmul.f32 v7, v35;
	v3 =	vadd.f32 v4, v3;
	_ =	sdelay $0x1  }
0x20d: {  	v37 =	vmul.f32 v9, v2;
	v3 =	vadd.f32 v36, v3;
	_ =	sdelay $0x1  }
0x20e: {  	v3 =	vadd.f32 v37, v3;
	_ =	sdelay $0x1  }
0x20f: {  	[tilespmem:s26+$0xFE00] =	vst v3  }
0x210: {  	v3 =	vld [tilespmem:s25+$0xFFFFFF10]  }
0x211: {  	v38 =	vld [tilespmem:s26+$0xFE10]  }
0x212: {  	v39 =	vld [tilespmem:s25+$0xFFFFFF90];
	_ =	sdelay $0x1  }
0x213: {  	v40 =	vld [tilespmem:s25+$0x10]  }
0x214: {  	v3 =	vmul.f32 v3, v6  }
0x215: {  	v10 =	vld [tilespmem:s25+$0x90]  }
0x216: {  	v41 =	vmul.f32 v39, v8;
	v3 =	vadd.f32 v3, v38;
	_ =	sdelay $0x1  }
0x217: {  	v42 =	vmul.f32 v40, v35;
	v3 =	vadd.f32 v41, v3;
	_ =	sdelay $0x1  }
0x218: {  	v43 =	vmul.f32 v10, v2;
	v3 =	vadd.f32 v42, v3;
	_ =	sdelay $0x1  }
0x219: {  	v3 =	vadd.f32 v43, v3;
	_ =	sdelay $0x1  }
0x21a: {  	[tilespmem:s26+$0xFE10] =	vst v3  }
0x21b: {  	v3 =	vld [tilespmem:s25+$0xFFFFFF20]  }
0x21c: {  	v44 =	vld [tilespmem:s26+$0xFE20]  }
0x21d: {  	v45 =	vld [tilespmem:s25+$0xFFFFFFA0];
	_ =	sdelay $0x1  }
0x21e: {  	v46 =	vld [tilespmem:s25+$0x20]  }
0x21f: {  	v3 =	vmul.f32 v3, v6  }
0x220: {  	v47 =	vld [tilespmem:s25+$0xA0]  }
0x221: {  	v48 =	vmul.f32 v45, v8;
	v3 =	vadd.f32 v3, v44;
	_ =	sdelay $0x1  }
0x222: {  	v49 =	vmul.f32 v46, v35;
	v3 =	vadd.f32 v48, v3;
	_ =	sdelay $0x1  }
0x223: {  	v50 =	vmul.f32 v47, v2;
	v3 =	vadd.f32 v49, v3;
	_ =	sdelay $0x1  }
0x224: {  	v3 =	vadd.f32 v50, v3;
	_ =	sdelay $0x1  }
0x225: {  	[tilespmem:s26+$0xFE20] =	vst v3  }
0x226: {  	v3 =	vld [tilespmem:s25+$0xFFFFFF30]  }
0x227: {  	v51 =	vld [tilespmem:s26+$0xFE30]  }
0x228: {  	v52 =	vld [tilespmem:s25+$0xFFFFFFB0];
	_ =	sdelay $0x1  }
0x229: {  	v53 =	vld [tilespmem:s25+$0x30]  }
0x22a: {  	v3 =	vmul.f32 v3, v6  }
0x22b: {  	v54 =	vld [tilespmem:s25+$0xB0]  }
0x22c: {  	v55 =	vmul.f32 v52, v8;
	v3 =	vadd.f32 v3, v51;
	_ =	sdelay $0x1  }
0x22d: {  	v56 =	vmul.f32 v53, v35;
	v3 =	vadd.f32 v55, v3;
	_ =	sdelay $0x1  }
0x22e: {  	v57 =	vmul.f32 v54, v2;
	v3 =	vadd.f32 v56, v3;
	_ =	sdelay $0x1  }
0x22f: {  	v3 =	vadd.f32 v57, v3;
	_ =	sdelay $0x1  }
0x230: {  	[tilespmem:s26+$0xFE30] =	vst v3  }
0x231: {  	v3 =	vld [tilespmem:s25+$0xFFFFFF40]  }
0x232: {  	v58 =	vld [tilespmem:s26+$0xFE40]  }
0x233: {  	v59 =	vld [tilespmem:s25+$0xFFFFFFC0];
	_ =	sdelay $0x1  }
0x234: {  	v60 =	vld [tilespmem:s25+$0x40]  }
0x235: {  	v3 =	vmul.f32 v3, v6  }
0x236: {  	v61 =	vld [tilespmem:s25+$0xC0]  }
0x237: {  	v62 =	vmul.f32 v59, v8;
	v3 =	vadd.f32 v3, v58;
	_ =	sdelay $0x1  }
0x238: {  	p0 =	sne.s32 s28, $0x1;
	v63 =	vmul.f32 v60, v35;
	v3 =	vadd.f32 v62, v3  }
.Ltmp40:
0x239: {  	_ = 	snop;
	(pc) =	sbr.rel @!p0 .LBB2_42-.Ltmp40, $3  }
0x23a: {  	v2 =	vmul.f32 v61, v2;
	v3 =	vadd.f32 v63, v3;
	_ =	sdelay $0x1  }
0x23b: {  	v2 =	vadd.f32 v2, v3  }
0x23c: {  	s28 =	sadd.s32 $0xFFFFFFFF, s28  }
.LBB2_41:
0x23d: {  	[tilespmem:s26+$0xFE40] =	vst v2;
	s23 =	sadd.s32 $0x4, s23;
	s24 =	sadd.s32 $0x4, s24;
	s25 =	sadd.s32 $0x200, s25  }
0x23e: {  	p0 =	sne.s32 s28, $0x1;
	s28 =	sadd.s32 $0xFFFFFFFF, s28;
	v2 =	vld [tilespmem:s23+$0x0];
	_ =	sdelay $0x4  }
0x23f: {  	(v2sf) =	vpush v2, $0x0;
	_ =	sdelay $0xd  }
0x240: {  	v2 =	vld [tilespmem:s24+$0x0]  }
0x241: {  	s0 =	spop (v2sf)  }
0x242: {  	s0 =	sshll.u32 s0, $0x9;
	v3 =	vld [tilespmem:s25+$0xFFFFFF00]  }
0x243: {  	s26 =	sshra.s32 s0, $0x2;
	v4 =	vld [tilespmem:s25+$0xFFFFFF80]  }
0x244: {  	v5 =	vld [tilespmem:s26+$0xFE00]  }
0x245: {  	v6 =	vbroadcast v2, $0x0  }
0x246: {  	v7 =	vld [tilespmem:s25+$0x0]  }
0x247: {  	v8 =	vbroadcast v2, $0x1;
	v3 =	vmul.f32 v3, v6  }
0x248: {  	v9 =	vld [tilespmem:s25+$0x80]  }
0x249: {  	v4 =	vmul.f32 v4, v8;
	v3 =	vadd.f32 v3, v5;
	v5 =	vbroadcast v2, $0x2;
	_ =	sdelay $0x1  }
0x24a: {  	v2 =	vbroadcast v2, $0x3;
	v3 =	vadd.f32 v4, v3;
	v4 =	vmul.f32 v7, v5;
	_ =	sdelay $0x1  }
0x24b: {  	v3 =	vadd.f32 v4, v3;
	v4 =	vmul.f32 v9, v2;
	_ =	sdelay $0x1  }
0x24c: {  	v3 =	vadd.f32 v4, v3;
	_ =	sdelay $0x1  }
0x24d: {  	[tilespmem:s26+$0xFE00] =	vst v3  }
0x24e: {  	v3 =	vld [tilespmem:s25+$0xFFFFFF10]  }
0x24f: {  	v4 =	vld [tilespmem:s26+$0xFE10]  }
0x250: {  	v7 =	vld [tilespmem:s25+$0xFFFFFF90];
	_ =	sdelay $0x1  }
0x251: {  	v9 =	vld [tilespmem:s25+$0x10]  }
0x252: {  	v3 =	vmul.f32 v3, v6  }
0x253: {  	v10 =	vld [tilespmem:s25+$0x90]  }
0x254: {  	v3 =	vadd.f32 v3, v4;
	v4 =	vmul.f32 v7, v8;
	_ =	sdelay $0x1  }
0x255: {  	v3 =	vadd.f32 v4, v3;
	v4 =	vmul.f32 v9, v5;
	_ =	sdelay $0x1  }
0x256: {  	v3 =	vadd.f32 v4, v3;
	v4 =	vmul.f32 v10, v2;
	_ =	sdelay $0x1  }
0x257: {  	v3 =	vadd.f32 v4, v3;
	_ =	sdelay $0x1  }
0x258: {  	[tilespmem:s26+$0xFE10] =	vst v3  }
0x259: {  	v3 =	vld [tilespmem:s25+$0xFFFFFF20]  }
0x25a: {  	v4 =	vld [tilespmem:s26+$0xFE20]  }
0x25b: {  	v7 =	vld [tilespmem:s25+$0xFFFFFFA0];
	_ =	sdelay $0x1  }
0x25c: {  	v9 =	vld [tilespmem:s25+$0x20]  }
0x25d: {  	v3 =	vmul.f32 v3, v6  }
0x25e: {  	v10 =	vld [tilespmem:s25+$0xA0]  }
0x25f: {  	v3 =	vadd.f32 v3, v4;
	v4 =	vmul.f32 v7, v8;
	_ =	sdelay $0x1  }
0x260: {  	v3 =	vadd.f32 v4, v3;
	v4 =	vmul.f32 v9, v5;
	_ =	sdelay $0x1  }
0x261: {  	v3 =	vadd.f32 v4, v3;
	v4 =	vmul.f32 v10, v2;
	_ =	sdelay $0x1  }
0x262: {  	v3 =	vadd.f32 v4, v3;
	_ =	sdelay $0x1  }
0x263: {  	[tilespmem:s26+$0xFE20] =	vst v3;
	v3 =	vld [tilespmem:s26+$0xFE30]  }
0x264: {  	v4 =	vld [tilespmem:s25+$0xFFFFFF30]  }
0x265: {  	v7 =	vld [tilespmem:s25+$0xFFFFFFB0]  }
0x266: {  	v9 =	vld [tilespmem:s25+$0x30]  }
0x267: {  	v10 =	vld [tilespmem:s25+$0xB0];
	_ =	sdelay $0x1  }
0x268: {  	v4 =	vmul.f32 v4, v6;
	_ =	sdelay $0x1  }
0x269: {  	v3 =	vadd.f32 v4, v3;
	v4 =	vmul.f32 v7, v8;
	_ =	sdelay $0x1  }
0x26a: {  	v3 =	vadd.f32 v4, v3;
	v4 =	vmul.f32 v9, v5;
	_ =	sdelay $0x1  }
0x26b: {  	v3 =	vadd.f32 v4, v3;
	v4 =	vmul.f32 v10, v2;
	_ =	sdelay $0x1  }
0x26c: {  	v3 =	vadd.f32 v4, v3;
	_ =	sdelay $0x1  }
0x26d: {  	[tilespmem:s26+$0xFE30] =	vst v3;
	v3 =	vld [tilespmem:s26+$0xFE40]  }
0x26e: {  	v4 =	vld [tilespmem:s25+$0xFFFFFF40]  }
0x26f: {  	v7 =	vld [tilespmem:s25+$0xFFFFFFC0]  }
0x270: {  	v9 =	vld [tilespmem:s25+$0x40]  }
0x271: {  	v10 =	vld [tilespmem:s25+$0xC0];
	_ =	sdelay $0x1  }
0x272: {  	v4 =	vmul.f32 v4, v6;
	_ =	sdelay $0x1  }
0x273: {  	v3 =	vadd.f32 v4, v3;
	v4 =	vmul.f32 v7, v8;
	_ =	sdelay $0x1  }
.Ltmp41:
0x274: {  	v3 =	vadd.f32 v4, v3;
	v4 =	vmul.f32 v9, v5;
	(pc) =	sbr.rel @p0 .LBB2_41-.Ltmp41, $3  }
0x275: {  	_ = 	snop  }
0x276: {  	v2 =	vmul.f32 v10, v2;
	v3 =	vadd.f32 v4, v3;
	_ =	sdelay $0x1  }
0x277: {  	v2 =	vadd.f32 v2, v3  }
.Ltmp42:
0x278: {  	_ = 	snop;
	(pc) =	sbr.rel .LBB2_42-.Ltmp42, $1  }
0x279: {  	_ =	sdelay $0x3  }
.LBB2_45:
0x27a: {  	_ =	sfence.sel $0x180000  }
0x27b: {  	[bflag:$0x0] =	sbarrier.arrive $0xFFFF  }
0x27c: {  	_ =	strace $0x90000047  }
0x27d: {  	s0 =	stileid.u32;
	[bflag:$0x2] =	sbarrier.arrive $0xFFFF  }
0x27e: {  	p0 =	sne.s32 s0, $0x0;
	s0 =	rddreg [dreg:$0x2]  }
0x27f: {  	s0 =	sadd.s32 @!p0 $0x100000, s0  }
0x280: {  	[sflag:s0] =	ssyncadd.tile.s32 @!p0 $0x1;
	_ =	shalt  }
.Lfunc_end2:
_tile_overlayer_lowered:
.L_overlay_start_2:
0x281: {  	(tag) =	ssettag $0x2  }
0x282: {  	s0 =	rddreg [dreg:$0x0];
	s2 =	stileid.u32  }
0x283: {  	s1 =	rddreg [dreg:$0x1];
	p0 =	sne.s32 s2, $0x0  }
0x284: {  	s3 =	rddreg [dreg:$0x2];
	[bflag:$0x3] =	sbarrier.arrive $0xFFFF;
	s2 =	simm.s32 @!p0 $0x1C02  }
0x285: {  	[timem:s3], [sflag:s2] =	dma.local @!p0 [hbm:s0], s1  }
0x286: {  	s0 =	simm.s32 @!p0 $0x2  }
0x287: {  	_ =	swait.ge @!p0 [sflag:s0], s1  }
0x288: {  	s1 =	ssub.s32 @!p0 $0x0, s1;
	[sflag:s0] =	ssyncset.done @!p0 $0x0  }
0x289: {  	[sflag:s0] =	ssyncadd.s32 @!p0 s1  }
0x28a: {  	[bflag:$0x3] =	sbarrier.arrive $0xFFFF  }
0x28b: {  	_ =	shalt  }

</sc_bundles>
